<compile_context>
chip_gen: v7x
topology: tpu7x:2x2x1
jax: 0.10.2.dev20260603
libtpu: 0.0.44.dev20260713+nightly
codegen_flags: <defaults>
</compile_context>

<pallas_src>
import jax
import jax.numpy as jnp
from jax import lax
from jax.experimental import pallas as pl
from jax.experimental.pallas import tpu as pltpu
from jax.experimental.pallas import tpu_sc as plsc

N = 10000
E = 320000
D = 128
NC = 2
NS = 16
NW = NC * NS
CH = 128
NCH = 80
EPAD = NW * CH * NCH
NPAD = 10240
RPT = NPAD // NS
BLK = 16
NBLK = NCH // BLK

_MESH = plsc.VectorSubcoreMesh(core_axis_name="c", subcore_axis_name="s")


def _sc_deg_body(col2_hbm, ew2_hbm, zn_hbm, degp_hbm, col_v, ew_v, deg_sh):
    c = lax.axis_index("c")
    s = lax.axis_index("s")
    w = s * NC + c
    pltpu.sync_copy(col2_hbm.at[pl.ds(w * NCH, NCH)], col_v)
    pltpu.sync_copy(ew2_hbm.at[pl.ds(w * NCH, NCH)], ew_v)
    pltpu.sync_copy(zn_hbm.at[pl.ds(s * RPT, RPT)],
                    deg_sh.at[pl.ds(s * RPT, RPT)])
    plsc.subcore_barrier()

    def deg_chunk(j, carry):
        pltpu.sync_copy(ew_v.at[j], deg_sh.at[col_v.at[j]], add=True)
        return carry

    lax.fori_loop(0, NCH, deg_chunk, 0)
    plsc.subcore_barrier()
    pltpu.sync_copy(deg_sh.at[pl.ds(s * RPT, RPT)],
                    degp_hbm.at[c, pl.ds(s * RPT, RPT)])


_sc_deg = pl.kernel(
    _sc_deg_body,
    out_type=jax.ShapeDtypeStruct((NC, NPAD), jnp.float32),
    mesh=_MESH,
    compiler_params=pltpu.CompilerParams(needs_layout_passes=False),
    scratch_types=(
        pltpu.VMEM((NCH, CH), jnp.int32),
        pltpu.VMEM((NCH, CH), jnp.float32),
        pltpu.VMEM_SHARED((NPAD,), jnp.float32),
    ),
)


def _sc_prop_body(table_hbm, row2_hbm, col2_hbm, ew2_hbm, z2_hbm,
                  parts_hbm,
                  col_v, ew_v, row_v, w_v, msg0, msg1, mout, acc_sh,
                  sem0, sem1):
    c = lax.axis_index("c")
    s = lax.axis_index("s")
    w = s * NC + c

    pltpu.sync_copy(z2_hbm.at[pl.ds(s * RPT, RPT)],
                    acc_sh.at[pl.ds(s * RPT, RPT)])
    plsc.subcore_barrier()

    def scale_scatter(j, msg):
        for g in range(8):
            sl = pl.ds(g * 16, 16)
            w_v[sl] = ew_v[j, sl]

        @plsc.parallel_loop(0, CH, 1, unroll=4)
        def _(e):
            spl = plsc.load_gather(w_v, [jnp.zeros((16,), jnp.int32) + e])
            for f in range(4):
                v = msg[e, pl.ds(16 * f, 16)]
                vb = plsc.bitcast(v, jnp.bfloat16)
                a, b = plsc.unpack(vb, format=plsc.PackFormat.INTERLEAVED)
                mout[e, pl.ds(32 * f, 16)] = a * spl
                mout[e, pl.ds(32 * f + 16, 16)] = b * spl
        pltpu.sync_copy(mout, acc_sh.at[col_v.at[j]], add=True)

    def block_body(b, carry):
        base = w * NCH + b * BLK
        pltpu.sync_copy(col2_hbm.at[pl.ds(base, BLK)], col_v)
        pltpu.sync_copy(ew2_hbm.at[pl.ds(base, BLK)], ew_v)
        pltpu.sync_copy(row2_hbm.at[pl.ds(base, BLK)], row_v)
        pltpu.async_copy(table_hbm.at[row_v.at[0]], msg0, sem0)

        def pair_body(p, carry2):
            ja = 2 * p
            jb = 2 * p + 1
            pltpu.make_async_copy(table_hbm.at[row_v.at[ja]], msg0, sem0).wait()
            pltpu.async_copy(table_hbm.at[row_v.at[jb]], msg1, sem1)
            scale_scatter(ja, msg0)
            pltpu.make_async_copy(table_hbm.at[row_v.at[jb]], msg1, sem1).wait()

            @pl.when(p < BLK // 2 - 1)
            def _():
                pltpu.async_copy(table_hbm.at[row_v.at[ja + 2]], msg0, sem0)

            scale_scatter(jb, msg1)
            return carry2

        lax.fori_loop(0, BLK // 2, pair_body, 0)
        return carry

    lax.fori_loop(0, NBLK, block_body, 0)
    plsc.subcore_barrier()
    pltpu.sync_copy(acc_sh.at[pl.ds(s * RPT, RPT)],
                    parts_hbm.at[c, pl.ds(s * RPT, RPT)])


_sc_prop = pl.kernel(
    _sc_prop_body,
    out_type=jax.ShapeDtypeStruct((NC, NPAD, D), jnp.float32),
    mesh=_MESH,
    compiler_params=pltpu.CompilerParams(needs_layout_passes=False,
                                         use_tc_tiling_on_sc=False),
    scratch_types=(
        pltpu.VMEM((BLK, CH), jnp.int32),
        pltpu.VMEM((BLK, CH), jnp.float32),
        pltpu.VMEM((BLK, CH), jnp.int32),
        pltpu.VMEM((CH,), jnp.float32),
        pltpu.VMEM((CH, D // 2), jnp.float32),
        pltpu.VMEM((CH, D // 2), jnp.float32),
        pltpu.VMEM((CH, D), jnp.float32),
        pltpu.VMEM_SHARED((NPAD, D), jnp.float32),
        pltpu.SemaphoreType.DMA,
        pltpu.SemaphoreType.DMA,
    ),
)



def _first_body(x_ref, w1_ref, p0_ref, p1_ref, g1_ref, g1b_ref, dis_ref):
    dis = lax.rsqrt(1.0 + p0_ref[...] + p1_ref[...])
    dis_ref[...] = dis
    g = dis[:N] * jnp.dot(x_ref[...], w1_ref[...],
                          preferred_element_type=jnp.float32)
    g1_ref[...] = g
    g1b_ref[...] = g.astype(jnp.bfloat16)


def _mid_body(r0_ref, r1_ref, g1_ref, dis_ref, b1_ref, w2_ref, perm_ref,
              o_ref, ob_ref):
    dis = dis_ref[...]
    r = jnp.dot(r0_ref[...] + r1_ref[...], perm_ref[...],
                preferred_element_type=jnp.float32)
    t = dis * (r + g1_ref[...]) + b1_ref[...]
    t = jnp.maximum(t, 0.0)
    g = dis * jnp.dot(t, w2_ref[...], preferred_element_type=jnp.float32)
    o_ref[...] = g
    ob_ref[...] = g.astype(jnp.bfloat16)


def _head_body(r0_ref, r1_ref, g2_ref, dis_ref, b2_ref, flat_ref, wf_ref,
               bf_ref, woh_ref, wof_ref, bo_ref, perm_ref, o_ref):
    dis = dis_ref[...]
    r = jnp.dot(r0_ref[...] + r1_ref[...], perm_ref[...],
                preferred_element_type=jnp.float32)
    z = dis * (r + g2_ref[...]) + b2_ref[...]
    f = jnp.dot(flat_ref[...], wf_ref[...],
                preferred_element_type=jnp.float32) + bf_ref[...]
    out = (jnp.dot(z, woh_ref[...], preferred_element_type=jnp.float32)
           + jnp.dot(f, wof_ref[...], preferred_element_type=jnp.float32)
           + bo_ref[...])
    o_ref[...] = jnp.maximum(out, 0.0)


def kernel(x, flat, edge_index, edge_weight, W1, b1, W2, b2, Wf, bf, Wo, bo):
    row = edge_index[0].astype(jnp.int32)
    col = edge_index[1].astype(jnp.int32)
    ew = edge_weight.reshape(-1).astype(jnp.float32)
    pad = EPAD - E
    row2 = jnp.concatenate([row, jnp.zeros((pad,), jnp.int32)]).reshape(-1, CH)
    col2 = jnp.concatenate([col, jnp.zeros((pad,), jnp.int32)]).reshape(-1, CH)
    ew2 = jnp.concatenate([ew, jnp.zeros((pad,), jnp.float32)]).reshape(-1, CH)
    zeros2d = jnp.zeros((NPAD, D), jnp.float32)
    zerosn = jnp.zeros((NPAD,), jnp.float32)

    pi = jnp.asarray(
        [32 * (i // 32) + (2 * (i % 32) if i % 32 < 16 else 2 * (i % 32 - 16) + 1)
         for i in range(D)], dtype=jnp.int32)
    P = jnp.zeros((D, D), jnp.float32).at[jnp.arange(D), pi].set(1.0)

    degp = _sc_deg(col2, ew2, zerosn)

    g1, g1b, dis = pl.pallas_call(
        _first_body,
        out_shape=(jax.ShapeDtypeStruct((N, D), jnp.float32),
                   jax.ShapeDtypeStruct((N, D), jnp.bfloat16),
                   jax.ShapeDtypeStruct((NPAD, 1), jnp.float32)),
    )(x, W1, degp[0].reshape(NPAD, 1), degp[1].reshape(NPAD, 1))

    g1v = lax.bitcast_convert_type(g1b.reshape(N, D // 2, 2), jnp.float32)
    parts1 = _sc_prop(g1v, row2, col2, ew2, zeros2d)

    dis_col = dis[:N]
    g2, g2b = pl.pallas_call(
        _mid_body,
        out_shape=(jax.ShapeDtypeStruct((N, D), jnp.float32),
                   jax.ShapeDtypeStruct((N, D), jnp.bfloat16)),
    )(parts1[0, :N], parts1[1, :N], g1, dis_col, b1.reshape(1, D), W2, P)

    g2v = lax.bitcast_convert_type(g2b.reshape(N, D // 2, 2), jnp.float32)
    parts2 = _sc_prop(g2v, row2, col2, ew2, zeros2d)

    out = pl.pallas_call(
        _head_body,
        out_shape=jax.ShapeDtypeStruct((N, Wo.shape[1]), jnp.float32),
    )(parts2[0, :N], parts2[1, :N], g2, dis_col, b2.reshape(1, D),
      flat, Wf, bf.reshape(1, -1), Wo[:D], Wo[D:], bo.reshape(1, -1), P)
    return out

# --- scband reference (transcript-rebuilt; emitter-appended) ---
"""Pipeline reference for scband-whole-gnn-40896678592679 (READ-ONLY COPY).

The authoritative reference and input builder live on the scoring server;
editing this copy changes nothing except your own understanding.
"""

import jax, jax.numpy as jnp
import numpy as np

N_NODES = 10000
N_EDGES = 320000
D_IN = 128
D_HID = 128
D_OUT = 128
N_FLAT = 16
FLAT_HID = 32
OUT_DIM = 64


def setup_inputs(seed: int = 0) -> dict:
    key = jax.random.key(seed)
    ks = jax.random.split(key, 12)
    x = jax.random.normal(ks[0], (N_NODES, D_IN), dtype=jnp.float32)
    flat = jax.random.normal(ks[1], (N_NODES, N_FLAT), dtype=jnp.float32)
    edge_index = jax.random.randint(ks[2], (2, N_EDGES), 0, N_NODES, dtype=jnp.int64)
    edge_weight = jax.random.uniform(ks[3], (N_EDGES,), dtype=jnp.float32)
    # learned parameters (glorot-ish init)
    W1 = jax.random.normal(ks[4], (D_IN, D_HID), dtype=jnp.float32) * (1.0 / np.sqrt(D_IN))
    b1 = jnp.zeros((D_HID,), dtype=jnp.float32)
    W2 = jax.random.normal(ks[5], (D_HID, D_OUT), dtype=jnp.float32) * (1.0 / np.sqrt(D_HID))
    b2 = jnp.zeros((D_OUT,), dtype=jnp.float32)
    Wf = jax.random.normal(ks[6], (N_FLAT, FLAT_HID), dtype=jnp.float32) * (1.0 / np.sqrt(N_FLAT))
    bf = jnp.zeros((FLAT_HID,), dtype=jnp.float32)
    Wo = jax.random.normal(ks[7], (D_OUT + FLAT_HID, OUT_DIM), dtype=jnp.float32) * (1.0 / np.sqrt(D_OUT + FLAT_HID))
    bo = jnp.zeros((OUT_DIM,), dtype=jnp.float32)
    return {"x": x, "flat": flat, "edge_index": edge_index, "edge_weight": edge_weight,
            "W1": W1, "b1": b1, "W2": W2, "b2": b2, "Wf": Wf, "bf": bf, "Wo": Wo, "bo": bo}


def _gcn_conv(x, edge_index, edge_weight, W, b, num_nodes):
    # x' = D^-1/2 (A + I) D^-1/2 x W + b   (PyG GCNConv with gcn_norm, add_self_loops)
    h = x @ W
    row = edge_index[0]
    col = edge_index[1]
    loop = jnp.arange(num_nodes, dtype=row.dtype)
    row = jnp.concatenate([row, loop])
    col = jnp.concatenate([col, loop])
    ew = jnp.concatenate([edge_weight, jnp.ones((num_nodes,), dtype=edge_weight.dtype)])
    deg = jnp.zeros((num_nodes,), dtype=ew.dtype).at[col].add(ew)
    deg_inv_sqrt = jnp.where(deg > 0, deg ** -0.5, 0.0)
    norm = deg_inv_sqrt[row] * ew * deg_inv_sqrt[col]
    msg = norm[:, None] * jnp.take(h, row, axis=0)
    out = jnp.zeros((num_nodes, h.shape[1]), dtype=h.dtype).at[col].add(msg)
    return out + b


def reference(x, flat, edge_index, edge_weight, W1, b1, W2, b2, Wf, bf, Wo, bo):
    # WholeGNN (eval mode: dropouts are identity) with GCN encoder, edge_weight=True, flat_after=True
    ew = edge_weight.reshape(-1)
    h = jax.nn.relu(_gcn_conv(x, edge_index, ew, W1, b1, N_NODES))
    h = _gcn_conv(h, edge_index, ew, W2, b2, N_NODES)
    f = flat @ Wf + bf
    out = jnp.concatenate([h, f], axis=1)
    out = out @ Wo + bo
    return jax.nn.relu(out)

if __name__ == "__main__":
    import jax
    _d = setup_inputs()
    print(jax.jit(kernel)(*tuple(_d.values())))

</pallas_src>

<mosaic_0001>
#map = affine_map<(d0, d1) -> (0, 0)>
#map1 = affine_map<(d0, d1) -> (0)>
module attributes {stable_mosaic.version = 14 : i64} {
  func.func @_sc_deg_body(%arg0: i32, %arg1: i32, %arg2: memref<2560x128xi32, #tpu.memory_space<hbm>>, %arg3: memref<2560x128xf32, #tpu.memory_space<hbm>>, %arg4: memref<10240xf32, #tpu.memory_space<hbm>>, %arg5: memref<2x10240xf32, #tpu.memory_space<hbm>>, %arg6: memref<80x128xi32, #tpu.memory_space<vmem>>, %arg7: memref<80x128xf32, #tpu.memory_space<vmem>>, %arg8: memref<10240xf32, #tpu.memory_space<vmem_shared>>) attributes {dimension_semantics = [#tpu.dimension_semantics<core_parallel>, #tpu.dimension_semantics<subcore_parallel>], iteration_bounds = array<i64: 2, 16>, scalar_prefetch = 0 : i64, scratch_operands = 3 : i64, tpu.core_type = #tpu.core_type<sc_vector_subcore>, window_params = [{transform_indices = #map}, {transform_indices = #map}, {transform_indices = #map1}, {transform_indices = #map}]} {
    %mul3A = arith.constant 2 : i32
    %mul3A_0 = arith.muli %arg1, %mul3A : i32
    %add3A = arith.addi %mul3A_0, %arg0 : i32
    %mul3A_1 = arith.constant 80 : i32
    %mul3A_2 = arith.muli %add3A, %mul3A_1 : i32
    "tpu.region"() ({
      %run_scoped3A = tpu.sem_alloc : memref<!tpu.dma_semaphore, #tpu.memory_space<semaphore_mem>>
      %dma_start3A = arith.constant 0 : i32
      %dma_start3A_19 = tpu.memref_slice %arg2[%mul3A_2, %dma_start3A] : memref<2560x128xi32, #tpu.memory_space<hbm>> -> memref<80x128xi32, #tpu.memory_space<hbm>>
      %dma_start3A_20 = arith.constant 0 : i32
      %dma_start3A_21 = tpu.memref_slice %arg2[%mul3A_2, %dma_start3A_20] : memref<2560x128xi32, #tpu.memory_space<hbm>> -> memref<80x128xi32, #tpu.memory_space<hbm>>
      tpu.enqueue_dma source(%dma_start3A_21 : memref<80x128xi32, #tpu.memory_space<hbm>>) target(%arg6 : memref<80x128xi32, #tpu.memory_space<vmem>>) target_semaphore(%run_scoped3A : memref<!tpu.dma_semaphore, #tpu.memory_space<semaphore_mem>>)
      %dma_wait3A = arith.constant 0 : i32
      %dma_wait3A_22 = tpu.memref_slice %arg2[%mul3A_2, %dma_wait3A] : memref<2560x128xi32, #tpu.memory_space<hbm>> -> memref<80x128xi32, #tpu.memory_space<hbm>>
      %dma_wait3A_23 = arith.constant 0 : i32
      %dma_wait3A_24 = tpu.memref_slice %arg2[%mul3A_2, %dma_wait3A_23] : memref<2560x128xi32, #tpu.memory_space<hbm>> -> memref<80x128xi32, #tpu.memory_space<hbm>>
      tpu.wait_dma2 semaphore(%run_scoped3A : memref<!tpu.dma_semaphore, #tpu.memory_space<semaphore_mem>>) src(%dma_wait3A_24 : memref<80x128xi32, #tpu.memory_space<hbm>>) dst(%arg6 : memref<80x128xi32, #tpu.memory_space<vmem>>)
      tpu.yield
    }) : () -> ()
    %mul3A_3 = arith.constant 80 : i32
    %mul3A_4 = arith.muli %add3A, %mul3A_3 : i32
    "tpu.region"() ({
      %run_scoped3A = tpu.sem_alloc : memref<!tpu.dma_semaphore, #tpu.memory_space<semaphore_mem>>
      %dma_start3A = arith.constant 0 : i32
      %dma_start3A_19 = tpu.memref_slice %arg3[%mul3A_4, %dma_start3A] : memref<2560x128xf32, #tpu.memory_space<hbm>> -> memref<80x128xf32, #tpu.memory_space<hbm>>
      %dma_start3A_20 = arith.constant 0 : i32
      %dma_start3A_21 = tpu.memref_slice %arg3[%mul3A_4, %dma_start3A_20] : memref<2560x128xf32, #tpu.memory_space<hbm>> -> memref<80x128xf32, #tpu.memory_space<hbm>>
      tpu.enqueue_dma source(%dma_start3A_21 : memref<80x128xf32, #tpu.memory_space<hbm>>) target(%arg7 : memref<80x128xf32, #tpu.memory_space<vmem>>) target_semaphore(%run_scoped3A : memref<!tpu.dma_semaphore, #tpu.memory_space<semaphore_mem>>)
      %dma_wait3A = arith.constant 0 : i32
      %dma_wait3A_22 = tpu.memref_slice %arg3[%mul3A_4, %dma_wait3A] : memref<2560x128xf32, #tpu.memory_space<hbm>> -> memref<80x128xf32, #tpu.memory_space<hbm>>
      %dma_wait3A_23 = arith.constant 0 : i32
      %dma_wait3A_24 = tpu.memref_slice %arg3[%mul3A_4, %dma_wait3A_23] : memref<2560x128xf32, #tpu.memory_space<hbm>> -> memref<80x128xf32, #tpu.memory_space<hbm>>
      tpu.wait_dma2 semaphore(%run_scoped3A : memref<!tpu.dma_semaphore, #tpu.memory_space<semaphore_mem>>) src(%dma_wait3A_24 : memref<80x128xf32, #tpu.memory_space<hbm>>) dst(%arg7 : memref<80x128xf32, #tpu.memory_space<vmem>>)
      tpu.yield
    }) : () -> ()
    %mul3A_5 = arith.constant 640 : i32
    %mul3A_6 = arith.muli %arg1, %mul3A_5 : i32
    %mul3A_7 = arith.constant 640 : i32
    %mul3A_8 = arith.muli %arg1, %mul3A_7 : i32
    "tpu.region"() ({
      %run_scoped3A = tpu.sem_alloc : memref<!tpu.dma_semaphore, #tpu.memory_space<semaphore_mem>>
      %dma_start3A = tpu.memref_slice %arg8[%mul3A_8] : memref<10240xf32, #tpu.memory_space<vmem_shared>> -> memref<640xf32, #tpu.memory_space<vmem_shared>>
      %dma_start3A_19 = tpu.memref_slice %arg4[%mul3A_6] : memref<10240xf32, #tpu.memory_space<hbm>> -> memref<640xf32, #tpu.memory_space<hbm>>
      tpu.enqueue_dma source(%dma_start3A_19 : memref<640xf32, #tpu.memory_space<hbm>>) target(%dma_start3A : memref<640xf32, #tpu.memory_space<vmem_shared>>) target_semaphore(%run_scoped3A : memref<!tpu.dma_semaphore, #tpu.memory_space<semaphore_mem>>)
      %dma_wait3A = tpu.memref_slice %arg8[%mul3A_8] : memref<10240xf32, #tpu.memory_space<vmem_shared>> -> memref<640xf32, #tpu.memory_space<vmem_shared>>
      %dma_wait3A_20 = tpu.memref_slice %arg4[%mul3A_6] : memref<10240xf32, #tpu.memory_space<hbm>> -> memref<640xf32, #tpu.memory_space<hbm>>
      tpu.wait_dma2 semaphore(%run_scoped3A : memref<!tpu.dma_semaphore, #tpu.memory_space<semaphore_mem>>) src(%dma_wait3A_20 : memref<640xf32, #tpu.memory_space<hbm>>) dst(%dma_wait3A : memref<640xf32, #tpu.memory_space<vmem_shared>>)
      tpu.yield
    }) : () -> ()
    %barrier3A = arith.constant 0 : index
    tpu.barrier barrier_id(%barrier3A)
    %scan3A = arith.constant 0 : i32
    %scan3A_9 = arith.constant 0 : i32
    %scan3A_10 = arith.constant 80 : i32
    %scan3A_11 = arith.addi %scan3A_9, %scan3A_10 : i32
    %scan3A_12 = arith.constant 1 : i32
    scf.for %scan3A_19 = %scan3A_9 to %scan3A_11 step %scan3A_12  : i32 {
      "tpu.region"() ({
        %run_scoped3A = tpu.sem_alloc : memref<!tpu.dma_semaphore, #tpu.memory_space<semaphore_mem>>
        %dma_start3A = arith.constant 0 : i32
        %dma_start3A_20 = tpu.memref_slice %arg7[%scan3A_19, %dma_start3A] : memref<80x128xf32, #tpu.memory_space<vmem>> -> memref<1x128xf32, #tpu.memory_space<vmem>>
        %dma_start3A_21 = tpu.memref_squeeze %dma_start3A_20 : memref<1x128xf32, #tpu.memory_space<vmem>> -> memref<128xf32, #tpu.memory_space<vmem>>
        %dma_start3A_22 = arith.constant 0 : i32
        %dma_start3A_23 = tpu.memref_slice %arg6[%scan3A_19, %dma_start3A_22] : memref<80x128xi32, #tpu.memory_space<vmem>> -> memref<1x128xi32, #tpu.memory_space<vmem>>
        %dma_start3A_24 = tpu.memref_squeeze %dma_start3A_23 : memref<1x128xi32, #tpu.memory_space<vmem>> -> memref<128xi32, #tpu.memory_space<vmem>>
        %dma_start3A_25 = arith.constant 0 : i32
        %dma_start3A_26 = tpu.memref_slice %arg8[%dma_start3A_25] : memref<10240xf32, #tpu.memory_space<vmem_shared>> -> memref<10240xf32, #tpu.memory_space<vmem_shared>>
        tpu.enqueue_indirect_dma source(%dma_start3A_21 : memref<128xf32, #tpu.memory_space<vmem>>) target(%dma_start3A_26 : memref<10240xf32, #tpu.memory_space<vmem_shared>>) offsets(%dma_start3A_24 : memref<128xi32, #tpu.memory_space<vmem>>) semaphore(%run_scoped3A : memref<!tpu.dma_semaphore, #tpu.memory_space<semaphore_mem>>) {add = true}
        %dma_wait3A = arith.constant 0 : i32
        %dma_wait3A_27 = tpu.memref_slice %arg7[%scan3A_19, %dma_wait3A] : memref<80x128xf32, #tpu.memory_space<vmem>> -> memref<1x128xf32, #tpu.memory_space<vmem>>
        %dma_wait3A_28 = tpu.memref_squeeze %dma_wait3A_27 : memref<1x128xf32, #tpu.memory_space<vmem>> -> memref<128xf32, #tpu.memory_space<vmem>>
        %dma_wait3A_29 = arith.constant 0 : i32
        %dma_wait3A_30 = tpu.memref_slice %arg6[%scan3A_19, %dma_wait3A_29] : memref<80x128xi32, #tpu.memory_space<vmem>> -> memref<1x128xi32, #tpu.memory_space<vmem>>
        %dma_wait3A_31 = tpu.memref_squeeze %dma_wait3A_30 : memref<1x128xi32, #tpu.memory_space<vmem>> -> memref<128xi32, #tpu.memory_space<vmem>>
        %dma_wait3A_32 = arith.constant 0 : i32
        %dma_wait3A_33 = tpu.memref_slice %arg8[%dma_wait3A_32] : memref<10240xf32, #tpu.memory_space<vmem_shared>> -> memref<10240xf32, #tpu.memory_space<vmem_shared>>
        tpu.wait_indirect_dma semaphore(%run_scoped3A : memref<!tpu.dma_semaphore, #tpu.memory_space<semaphore_mem>>) src(%dma_wait3A_28 : memref<128xf32, #tpu.memory_space<vmem>>) dst(%dma_wait3A_33 : memref<10240xf32, #tpu.memory_space<vmem_shared>>)
        tpu.yield
      }) : () -> ()
    }
    %scan3A_13 = arith.constant 80 : i32
    %barrier3A_14 = arith.constant 0 : index
    tpu.barrier barrier_id(%barrier3A_14)
    %mul3A_15 = arith.constant 640 : i32
    %mul3A_16 = arith.muli %arg1, %mul3A_15 : i32
    %mul3A_17 = arith.constant 640 : i32
    %mul3A_18 = arith.muli %arg1, %mul3A_17 : i32
    "tpu.region"() ({
      %run_scoped3A = tpu.sem_alloc : memref<!tpu.dma_semaphore, #tpu.memory_space<semaphore_mem>>
      %dma_start3A = tpu.memref_slice %arg5[%arg0, %mul3A_18] : memref<2x10240xf32, #tpu.memory_space<hbm>> -> memref<1x640xf32, #tpu.memory_space<hbm>>
      %dma_start3A_19 = tpu.memref_squeeze %dma_start3A : memref<1x640xf32, #tpu.memory_space<hbm>> -> memref<640xf32, #tpu.memory_space<hbm>>
      %dma_start3A_20 = tpu.memref_slice %arg8[%mul3A_16] : memref<10240xf32, #tpu.memory_space<vmem_shared>> -> memref<640xf32, #tpu.memory_space<vmem_shared>>
      tpu.enqueue_dma source(%dma_start3A_20 : memref<640xf32, #tpu.memory_space<vmem_shared>>) target(%dma_start3A_19 : memref<640xf32, #tpu.memory_space<hbm>>) target_semaphore(%run_scoped3A : memref<!tpu.dma_semaphore, #tpu.memory_space<semaphore_mem>>)
      %dma_wait3A = tpu.memref_slice %arg5[%arg0, %mul3A_18] : memref<2x10240xf32, #tpu.memory_space<hbm>> -> memref<1x640xf32, #tpu.memory_space<hbm>>
      %dma_wait3A_21 = tpu.memref_squeeze %dma_wait3A : memref<1x640xf32, #tpu.memory_space<hbm>> -> memref<640xf32, #tpu.memory_space<hbm>>
      %dma_wait3A_22 = tpu.memref_slice %arg8[%mul3A_16] : memref<10240xf32, #tpu.memory_space<vmem_shared>> -> memref<640xf32, #tpu.memory_space<vmem_shared>>
      tpu.wait_dma2 semaphore(%run_scoped3A : memref<!tpu.dma_semaphore, #tpu.memory_space<semaphore_mem>>) src(%dma_wait3A_22 : memref<640xf32, #tpu.memory_space<vmem_shared>>) dst(%dma_wait3A_21 : memref<640xf32, #tpu.memory_space<hbm>>)
      tpu.yield
    }) : () -> ()
    return
  }
}

#map = affine_map<(d0, d1) -> (0, 0)>
#map1 = affine_map<(d0, d1) -> (0, 0, 0)>
module attributes {stable_mosaic.version = 14 : i64} {
  func.func @_sc_prop_body(%arg0: i32, %arg1: i32, %arg2: memref<10000x64xf32, #tpu.memory_space<hbm>>, %arg3: memref<2560x128xi32, #tpu.memory_space<hbm>>, %arg4: memref<2560x128xi32, #tpu.memory_space<hbm>>, %arg5: memref<2560x128xf32, #tpu.memory_space<hbm>>, %arg6: memref<10240x128xf32, #tpu.memory_space<hbm>>, %arg7: memref<2x10240x128xf32, #tpu.memory_space<hbm>>, %arg8: memref<16x128xi32, #tpu.memory_space<vmem>>, %arg9: memref<16x128xf32, #tpu.memory_space<vmem>>, %arg10: memref<16x128xi32, #tpu.memory_space<vmem>>, %arg11: memref<128xf32, #tpu.memory_space<vmem>>, %arg12: memref<128x64xf32, #tpu.memory_space<vmem>>, %arg13: memref<128x64xf32, #tpu.memory_space<vmem>>, %arg14: memref<128x128xf32, #tpu.memory_space<vmem>>, %arg15: memref<10240x128xf32, #tpu.memory_space<vmem_shared>>, %arg16: memref<!tpu.dma_semaphore, #tpu.memory_space<semaphore_mem>>, %arg17: memref<!tpu.dma_semaphore, #tpu.memory_space<semaphore_mem>>) attributes {dimension_semantics = [#tpu.dimension_semantics<core_parallel>, #tpu.dimension_semantics<subcore_parallel>], iteration_bounds = array<i64: 2, 16>, scalar_prefetch = 0 : i64, scratch_operands = 10 : i64, tpu.core_type = #tpu.core_type<sc_vector_subcore>, window_params = [{transform_indices = #map}, {transform_indices = #map}, {transform_indices = #map}, {transform_indices = #map}, {transform_indices = #map}, {transform_indices = #map1}]} {
    %mul3A = arith.constant 2 : i32
    %mul3A_0 = arith.muli %arg1, %mul3A : i32
    %add3A = arith.addi %mul3A_0, %arg0 : i32
    %mul3A_1 = arith.constant 640 : i32
    %mul3A_2 = arith.muli %arg1, %mul3A_1 : i32
    %mul3A_3 = arith.constant 640 : i32
    %mul3A_4 = arith.muli %arg1, %mul3A_3 : i32
    "tpu.region"() ({
      %run_scoped3A = tpu.sem_alloc : memref<!tpu.dma_semaphore, #tpu.memory_space<semaphore_mem>>
      %dma_start3A = arith.constant 0 : i32
      %dma_start3A_15 = tpu.memref_slice %arg15[%mul3A_4, %dma_start3A] : memref<10240x128xf32, #tpu.memory_space<vmem_shared>> -> memref<640x128xf32, #tpu.memory_space<vmem_shared>>
      %dma_start3A_16 = arith.constant 0 : i32
      %dma_start3A_17 = tpu.memref_slice %arg6[%mul3A_2, %dma_start3A_16] : memref<10240x128xf32, #tpu.memory_space<hbm>> -> memref<640x128xf32, #tpu.memory_space<hbm>>
      tpu.enqueue_dma source(%dma_start3A_17 : memref<640x128xf32, #tpu.memory_space<hbm>>) target(%dma_start3A_15 : memref<640x128xf32, #tpu.memory_space<vmem_shared>>) target_semaphore(%run_scoped3A : memref<!tpu.dma_semaphore, #tpu.memory_space<semaphore_mem>>)
      %dma_wait3A = arith.constant 0 : i32
      %dma_wait3A_18 = tpu.memref_slice %arg15[%mul3A_4, %dma_wait3A] : memref<10240x128xf32, #tpu.memory_space<vmem_shared>> -> memref<640x128xf32, #tpu.memory_space<vmem_shared>>
      %dma_wait3A_19 = arith.constant 0 : i32
      %dma_wait3A_20 = tpu.memref_slice %arg6[%mul3A_2, %dma_wait3A_19] : memref<10240x128xf32, #tpu.memory_space<hbm>> -> memref<640x128xf32, #tpu.memory_space<hbm>>
      tpu.wait_dma2 semaphore(%run_scoped3A : memref<!tpu.dma_semaphore, #tpu.memory_space<semaphore_mem>>) src(%dma_wait3A_20 : memref<640x128xf32, #tpu.memory_space<hbm>>) dst(%dma_wait3A_18 : memref<640x128xf32, #tpu.memory_space<vmem_shared>>)
      tpu.yield
    }) : () -> ()
    %barrier3A = arith.constant 0 : index
    tpu.barrier barrier_id(%barrier3A)
    %scan3A = arith.constant 0 : i32
    %scan3A_5 = arith.constant 0 : i32
    %scan3A_6 = arith.constant 5 : i32
    %scan3A_7 = arith.addi %scan3A_5, %scan3A_6 : i32
    %scan3A_8 = arith.constant 1 : i32
    scf.for %scan3A_15 = %scan3A_5 to %scan3A_7 step %scan3A_8  : i32 {
      %mul3A_16 = arith.constant 80 : i32
      %mul3A_17 = arith.muli %add3A, %mul3A_16 : i32
      %mul3A_18 = arith.constant 16 : i32
      %mul3A_19 = arith.muli %scan3A_15, %mul3A_18 : i32
      %add3A_20 = arith.addi %mul3A_17, %mul3A_19 : i32
      "tpu.region"() ({
        %run_scoped3A = tpu.sem_alloc : memref<!tpu.dma_semaphore, #tpu.memory_space<semaphore_mem>>
        %dma_start3A_33 = arith.constant 0 : i32
        %dma_start3A_34 = tpu.memref_slice %arg4[%add3A_20, %dma_start3A_33] : memref<2560x128xi32, #tpu.memory_space<hbm>> -> memref<16x128xi32, #tpu.memory_space<hbm>>
        %dma_start3A_35 = arith.constant 0 : i32
        %dma_start3A_36 = tpu.memref_slice %arg4[%add3A_20, %dma_start3A_35] : memref<2560x128xi32, #tpu.memory_space<hbm>> -> memref<16x128xi32, #tpu.memory_space<hbm>>
        tpu.enqueue_dma source(%dma_start3A_36 : memref<16x128xi32, #tpu.memory_space<hbm>>) target(%arg8 : memref<16x128xi32, #tpu.memory_space<vmem>>) target_semaphore(%run_scoped3A : memref<!tpu.dma_semaphore, #tpu.memory_space<semaphore_mem>>)
        %dma_wait3A = arith.constant 0 : i32
        %dma_wait3A_37 = tpu.memref_slice %arg4[%add3A_20, %dma_wait3A] : memref<2560x128xi32, #tpu.memory_space<hbm>> -> memref<16x128xi32, #tpu.memory_space<hbm>>
        %dma_wait3A_38 = arith.constant 0 : i32
        %dma_wait3A_39 = tpu.memref_slice %arg4[%add3A_20, %dma_wait3A_38] : memref<2560x128xi32, #tpu.memory_space<hbm>> -> memref<16x128xi32, #tpu.memory_space<hbm>>
        tpu.wait_dma2 semaphore(%run_scoped3A : memref<!tpu.dma_semaphore, #tpu.memory_space<semaphore_mem>>) src(%dma_wait3A_39 : memref<16x128xi32, #tpu.memory_space<hbm>>) dst(%arg8 : memref<16x128xi32, #tpu.memory_space<vmem>>)
        tpu.yield
      }) : () -> ()
      "tpu.region"() ({
        %run_scoped3A = tpu.sem_alloc : memref<!tpu.dma_semaphore, #tpu.memory_space<semaphore_mem>>
        %dma_start3A_33 = arith.constant 0 : i32
        %dma_start3A_34 = tpu.memref_slice %arg5[%add3A_20, %dma_start3A_33] : memref<2560x128xf32, #tpu.memory_space<hbm>> -> memref<16x128xf32, #tpu.memory_space<hbm>>
        %dma_start3A_35 = arith.constant 0 : i32
        %dma_start3A_36 = tpu.memref_slice %arg5[%add3A_20, %dma_start3A_35] : memref<2560x128xf32, #tpu.memory_space<hbm>> -> memref<16x128xf32, #tpu.memory_space<hbm>>
        tpu.enqueue_dma source(%dma_start3A_36 : memref<16x128xf32, #tpu.memory_space<hbm>>) target(%arg9 : memref<16x128xf32, #tpu.memory_space<vmem>>) target_semaphore(%run_scoped3A : memref<!tpu.dma_semaphore, #tpu.memory_space<semaphore_mem>>)
        %dma_wait3A = arith.constant 0 : i32
        %dma_wait3A_37 = tpu.memref_slice %arg5[%add3A_20, %dma_wait3A] : memref<2560x128xf32, #tpu.memory_space<hbm>> -> memref<16x128xf32, #tpu.memory_space<hbm>>
        %dma_wait3A_38 = arith.constant 0 : i32
        %dma_wait3A_39 = tpu.memref_slice %arg5[%add3A_20, %dma_wait3A_38] : memref<2560x128xf32, #tpu.memory_space<hbm>> -> memref<16x128xf32, #tpu.memory_space<hbm>>
        tpu.wait_dma2 semaphore(%run_scoped3A : memref<!tpu.dma_semaphore, #tpu.memory_space<semaphore_mem>>) src(%dma_wait3A_39 : memref<16x128xf32, #tpu.memory_space<hbm>>) dst(%arg9 : memref<16x128xf32, #tpu.memory_space<vmem>>)
        tpu.yield
      }) : () -> ()
      "tpu.region"() ({
        %run_scoped3A = tpu.sem_alloc : memref<!tpu.dma_semaphore, #tpu.memory_space<semaphore_mem>>
        %dma_start3A_33 = arith.constant 0 : i32
        %dma_start3A_34 = tpu.memref_slice %arg3[%add3A_20, %dma_start3A_33] : memref<2560x128xi32, #tpu.memory_space<hbm>> -> memref<16x128xi32, #tpu.memory_space<hbm>>
        %dma_start3A_35 = arith.constant 0 : i32
        %dma_start3A_36 = tpu.memref_slice %arg3[%add3A_20, %dma_start3A_35] : memref<2560x128xi32, #tpu.memory_space<hbm>> -> memref<16x128xi32, #tpu.memory_space<hbm>>
        tpu.enqueue_dma source(%dma_start3A_36 : memref<16x128xi32, #tpu.memory_space<hbm>>) target(%arg10 : memref<16x128xi32, #tpu.memory_space<vmem>>) target_semaphore(%run_scoped3A : memref<!tpu.dma_semaphore, #tpu.memory_space<semaphore_mem>>)
        %dma_wait3A = arith.constant 0 : i32
        %dma_wait3A_37 = tpu.memref_slice %arg3[%add3A_20, %dma_wait3A] : memref<2560x128xi32, #tpu.memory_space<hbm>> -> memref<16x128xi32, #tpu.memory_space<hbm>>
        %dma_wait3A_38 = arith.constant 0 : i32
        %dma_wait3A_39 = tpu.memref_slice %arg3[%add3A_20, %dma_wait3A_38] : memref<2560x128xi32, #tpu.memory_space<hbm>> -> memref<16x128xi32, #tpu.memory_space<hbm>>
        tpu.wait_dma2 semaphore(%run_scoped3A : memref<!tpu.dma_semaphore, #tpu.memory_space<semaphore_mem>>) src(%dma_wait3A_39 : memref<16x128xi32, #tpu.memory_space<hbm>>) dst(%arg10 : memref<16x128xi32, #tpu.memory_space<vmem>>)
        tpu.yield
      }) : () -> ()
      %dma_start3A = arith.constant 0 : i32
      %dma_start3A_21 = arith.constant 0 : i32
      %dma_start3A_22 = tpu.memref_slice %arg10[%dma_start3A, %dma_start3A_21] : memref<16x128xi32, #tpu.memory_space<vmem>> -> memref<1x128xi32, #tpu.memory_space<vmem>>
      %dma_start3A_23 = tpu.memref_squeeze %dma_start3A_22 : memref<1x128xi32, #tpu.memory_space<vmem>> -> memref<128xi32, #tpu.memory_space<vmem>>
      %dma_start3A_24 = arith.constant 0 : i32
      %dma_start3A_25 = arith.constant 0 : i32
      %dma_start3A_26 = tpu.memref_slice %arg2[%dma_start3A_24, %dma_start3A_25] : memref<10000x64xf32, #tpu.memory_space<hbm>> -> memref<10000x64xf32, #tpu.memory_space<hbm>>
      tpu.enqueue_indirect_dma source(%dma_start3A_26 : memref<10000x64xf32, #tpu.memory_space<hbm>>) target(%arg12 : memref<128x64xf32, #tpu.memory_space<vmem>>) offsets(%dma_start3A_23 : memref<128xi32, #tpu.memory_space<vmem>>) semaphore(%arg16 : memref<!tpu.dma_semaphore, #tpu.memory_space<semaphore_mem>>)
      %scan3A_27 = arith.constant 0 : i32
      %scan3A_28 = arith.constant 0 : i32
      %scan3A_29 = arith.constant 8 : i32
      %scan3A_30 = arith.addi %scan3A_28, %scan3A_29 : i32
      %scan3A_31 = arith.constant 1 : i32
      scf.for %scan3A_33 = %scan3A_28 to %scan3A_30 step %scan3A_31  : i32 {
        %mul3A_34 = arith.constant 2 : i32
        %mul3A_35 = arith.muli %mul3A_34, %scan3A_33 : i32
        %mul3A_36 = arith.constant 2 : i32
        %mul3A_37 = arith.muli %mul3A_36, %scan3A_33 : i32
        %add3A_38 = arith.constant 1 : i32
        %add3A_39 = arith.addi %mul3A_37, %add3A_38 : i32
        %dma_wait3A = arith.constant 0 : i32
        %dma_wait3A_40 = tpu.memref_slice %arg10[%mul3A_35, %dma_wait3A] : memref<16x128xi32, #tpu.memory_space<vmem>> -> memref<1x128xi32, #tpu.memory_space<vmem>>
        %dma_wait3A_41 = tpu.memref_squeeze %dma_wait3A_40 : memref<1x128xi32, #tpu.memory_space<vmem>> -> memref<128xi32, #tpu.memory_space<vmem>>
        %dma_wait3A_42 = arith.constant 0 : i32
        %dma_wait3A_43 = arith.constant 0 : i32
        %dma_wait3A_44 = tpu.memref_slice %arg2[%dma_wait3A_42, %dma_wait3A_43] : memref<10000x64xf32, #tpu.memory_space<hbm>> -> memref<10000x64xf32, #tpu.memory_space<hbm>>
        tpu.wait_indirect_dma semaphore(%arg16 : memref<!tpu.dma_semaphore, #tpu.memory_space<semaphore_mem>>) src(%dma_wait3A_44 : memref<10000x64xf32, #tpu.memory_space<hbm>>) dst(%arg12 : memref<128x64xf32, #tpu.memory_space<vmem>>)
        %dma_start3A_45 = arith.constant 0 : i32
        %dma_start3A_46 = tpu.memref_slice %arg10[%add3A_39, %dma_start3A_45] : memref<16x128xi32, #tpu.memory_space<vmem>> -> memref<1x128xi32, #tpu.memory_space<vmem>>
        %dma_start3A_47 = tpu.memref_squeeze %dma_start3A_46 : memref<1x128xi32, #tpu.memory_space<vmem>> -> memref<128xi32, #tpu.memory_space<vmem>>
        %dma_start3A_48 = arith.constant 0 : i32
        %dma_start3A_49 = arith.constant 0 : i32
        %dma_start3A_50 = tpu.memref_slice %arg2[%dma_start3A_48, %dma_start3A_49] : memref<10000x64xf32, #tpu.memory_space<hbm>> -> memref<10000x64xf32, #tpu.memory_space<hbm>>
        tpu.enqueue_indirect_dma source(%dma_start3A_50 : memref<10000x64xf32, #tpu.memory_space<hbm>>) target(%arg13 : memref<128x64xf32, #tpu.memory_space<vmem>>) offsets(%dma_start3A_47 : memref<128xi32, #tpu.memory_space<vmem>>) semaphore(%arg17 : memref<!tpu.dma_semaphore, #tpu.memory_space<semaphore_mem>>)
        %get3A = arith.index_cast %mul3A_35 : i32 to index
        %get3A_51 = arith.constant 0 : index
        %get3A_52 = tpu.vector_load %arg9[%get3A, %get3A_51] {strides = array<i32>} : memref<16x128xf32, #tpu.memory_space<vmem>>, vector<16xf32>,
        %swap3A = arith.constant 0 : index
        %swap3A_53 = tpu.vector_load %arg11[%swap3A] {strides = array<i32>} : memref<128xf32, #tpu.memory_space<vmem>>, vector<16xf32>,
        tpu.vector_store %arg11[%swap3A], %get3A_52 {strides = array<i32>} : memref<128xf32, #tpu.memory_space<vmem>>, vector<16xf32>,
        %get3A_54 = arith.index_cast %mul3A_35 : i32 to index
        %get3A_55 = arith.constant 16 : index
        %get3A_56 = tpu.vector_load %arg9[%get3A_54, %get3A_55] {strides = array<i32>} : memref<16x128xf32, #tpu.memory_space<vmem>>, vector<16xf32>,
        %swap3A_57 = arith.constant 16 : index
        %swap3A_58 = tpu.vector_load %arg11[%swap3A_57] {strides = array<i32>} : memref<128xf32, #tpu.memory_space<vmem>>, vector<16xf32>,
        tpu.vector_store %arg11[%swap3A_57], %get3A_56 {strides = array<i32>} : memref<128xf32, #tpu.memory_space<vmem>>, vector<16xf32>,
        %get3A_59 = arith.index_cast %mul3A_35 : i32 to index
        %get3A_60 = arith.constant 32 : index
        %get3A_61 = tpu.vector_load %arg9[%get3A_59, %get3A_60] {strides = array<i32>} : memref<16x128xf32, #tpu.memory_space<vmem>>, vector<16xf32>,
        %swap3A_62 = arith.constant 32 : index
        %swap3A_63 = tpu.vector_load %arg11[%swap3A_62] {strides = array<i32>} : memref<128xf32, #tpu.memory_space<vmem>>, vector<16xf32>,
        tpu.vector_store %arg11[%swap3A_62], %get3A_61 {strides = array<i32>} : memref<128xf32, #tpu.memory_space<vmem>>, vector<16xf32>,
        %get3A_64 = arith.index_cast %mul3A_35 : i32 to index
        %get3A_65 = arith.constant 48 : index
        %get3A_66 = tpu.vector_load %arg9[%get3A_64, %get3A_65] {strides = array<i32>} : memref<16x128xf32, #tpu.memory_space<vmem>>, vector<16xf32>,
        %swap3A_67 = arith.constant 48 : index
        %swap3A_68 = tpu.vector_load %arg11[%swap3A_67] {strides = array<i32>} : memref<128xf32, #tpu.memory_space<vmem>>, vector<16xf32>,
        tpu.vector_store %arg11[%swap3A_67], %get3A_66 {strides = array<i32>} : memref<128xf32, #tpu.memory_space<vmem>>, vector<16xf32>,
        %get3A_69 = arith.index_cast %mul3A_35 : i32 to index
        %get3A_70 = arith.constant 64 : index
        %get3A_71 = tpu.vector_load %arg9[%get3A_69, %get3A_70] {strides = array<i32>} : memref<16x128xf32, #tpu.memory_space<vmem>>, vector<16xf32>,
        %swap3A_72 = arith.constant 64 : index
        %swap3A_73 = tpu.vector_load %arg11[%swap3A_72] {strides = array<i32>} : memref<128xf32, #tpu.memory_space<vmem>>, vector<16xf32>,
        tpu.vector_store %arg11[%swap3A_72], %get3A_71 {strides = array<i32>} : memref<128xf32, #tpu.memory_space<vmem>>, vector<16xf32>,
        %get3A_74 = arith.index_cast %mul3A_35 : i32 to index
        %get3A_75 = arith.constant 80 : index
        %get3A_76 = tpu.vector_load %arg9[%get3A_74, %get3A_75] {strides = array<i32>} : memref<16x128xf32, #tpu.memory_space<vmem>>, vector<16xf32>,
        %swap3A_77 = arith.constant 80 : index
        %swap3A_78 = tpu.vector_load %arg11[%swap3A_77] {strides = array<i32>} : memref<128xf32, #tpu.memory_space<vmem>>, vector<16xf32>,
        tpu.vector_store %arg11[%swap3A_77], %get3A_76 {strides = array<i32>} : memref<128xf32, #tpu.memory_space<vmem>>, vector<16xf32>,
        %get3A_79 = arith.index_cast %mul3A_35 : i32 to index
        %get3A_80 = arith.constant 96 : index
        %get3A_81 = tpu.vector_load %arg9[%get3A_79, %get3A_80] {strides = array<i32>} : memref<16x128xf32, #tpu.memory_space<vmem>>, vector<16xf32>,
        %swap3A_82 = arith.constant 96 : index
        %swap3A_83 = tpu.vector_load %arg11[%swap3A_82] {strides = array<i32>} : memref<128xf32, #tpu.memory_space<vmem>>, vector<16xf32>,
        tpu.vector_store %arg11[%swap3A_82], %get3A_81 {strides = array<i32>} : memref<128xf32, #tpu.memory_space<vmem>>, vector<16xf32>,
        %get3A_84 = arith.index_cast %mul3A_35 : i32 to index
        %get3A_85 = arith.constant 112 : index
        %get3A_86 = tpu.vector_load %arg9[%get3A_84, %get3A_85] {strides = array<i32>} : memref<16x128xf32, #tpu.memory_space<vmem>>, vector<16xf32>,
        %swap3A_87 = arith.constant 112 : index
        %swap3A_88 = tpu.vector_load %arg11[%swap3A_87] {strides = array<i32>} : memref<128xf32, #tpu.memory_space<vmem>>, vector<16xf32>,
        tpu.vector_store %arg11[%swap3A_87], %get3A_86 {strides = array<i32>} : memref<128xf32, #tpu.memory_space<vmem>>, vector<16xf32>,
        %parallel_loop3A = arith.constant 0 : i32
        %parallel_loop3A_89 = arith.constant 128 : i32
        %parallel_loop3A_90 = arith.constant 1 : i32
        scf.for %parallel_loop3A_142 = %parallel_loop3A to %parallel_loop3A_89 step %parallel_loop3A_90  : i32 {
          %parallel_loop3A_143 = arith.constant 0 : i32
          %parallel_loop3A_144 = vector.broadcast %parallel_loop3A_143 : i32 to vector<16xi32>
          %parallel_loop3A_145 = vector.broadcast %parallel_loop3A_142 : i32 to vector<16xi32>
          %parallel_loop3A_146 = arith.addi %parallel_loop3A_144, %parallel_loop3A_145 : vector<16xi32>
          %parallel_loop3A_147 = tpu.vector_load_idx %arg11[%parallel_loop3A_146] : memref<128xf32, #tpu.memory_space<vmem>>[vector<16xi32>], vector<16xf32>,
          %parallel_loop3A_148 = arith.index_cast %parallel_loop3A_142 : i32 to index
          %parallel_loop3A_149 = arith.constant 0 : index
          %parallel_loop3A_150 = tpu.vector_load %arg12[%parallel_loop3A_148, %parallel_loop3A_149] {strides = array<i32>} : memref<128x64xf32, #tpu.memory_space<vmem>>, vector<16xf32>,
          %parallel_loop3A_151 = vector.bitcast %parallel_loop3A_150 : vector<16xf32> to vector<32xbf16>
          %parallel_loop3A_152 = tpu.unpack_subelements %parallel_loop3A_151, 0 {pack_format = #tpu.pack_format<interleaved>} : vector<32xbf16> -> vector<16xf32>
          %parallel_loop3A_153 = tpu.unpack_subelements %parallel_loop3A_151, 1 {pack_format = #tpu.pack_format<interleaved>} : vector<32xbf16> -> vector<16xf32>
          %parallel_loop3A_154 = arith.mulf %parallel_loop3A_152, %parallel_loop3A_147 : vector<16xf32>
          %parallel_loop3A_155 = arith.index_cast %parallel_loop3A_142 : i32 to index
          %parallel_loop3A_156 = arith.constant 0 : index
          %parallel_loop3A_157 = tpu.vector_load %arg14[%parallel_loop3A_155, %parallel_loop3A_156] {strides = array<i32>} : memref<128x128xf32, #tpu.memory_space<vmem>>, vector<16xf32>,
          tpu.vector_store %arg14[%parallel_loop3A_155, %parallel_loop3A_156], %parallel_loop3A_154 {strides = array<i32>} : memref<128x128xf32, #tpu.memory_space<vmem>>, vector<16xf32>,
          %parallel_loop3A_158 = arith.mulf %parallel_loop3A_153, %parallel_loop3A_147 : vector<16xf32>
          %parallel_loop3A_159 = arith.index_cast %parallel_loop3A_142 : i32 to index
          %parallel_loop3A_160 = arith.constant 16 : index
          %parallel_loop3A_161 = tpu.vector_load %arg14[%parallel_loop3A_159, %parallel_loop3A_160] {strides = array<i32>} : memref<128x128xf32, #tpu.memory_space<vmem>>, vector<16xf32>,
          tpu.vector_store %arg14[%parallel_loop3A_159, %parallel_loop3A_160], %parallel_loop3A_158 {strides = array<i32>} : memref<128x128xf32, #tpu.memory_space<vmem>>, vector<16xf32>,
          %parallel_loop3A_162 = arith.index_cast %parallel_loop3A_142 : i32 to index
          %parallel_loop3A_163 = arith.constant 16 : index
          %parallel_loop3A_164 = tpu.vector_load %arg12[%parallel_loop3A_162, %parallel_loop3A_163] {strides = array<i32>} : memref<128x64xf32, #tpu.memory_space<vmem>>, vector<16xf32>,
          %parallel_loop3A_165 = vector.bitcast %parallel_loop3A_164 : vector<16xf32> to vector<32xbf16>
          %parallel_loop3A_166 = tpu.unpack_subelements %parallel_loop3A_165, 0 {pack_format = #tpu.pack_format<interleaved>} : vector<32xbf16> -> vector<16xf32>
          %parallel_loop3A_167 = tpu.unpack_subelements %parallel_loop3A_165, 1 {pack_format = #tpu.pack_format<interleaved>} : vector<32xbf16> -> vector<16xf32>
          %parallel_loop3A_168 = arith.mulf %parallel_loop3A_166, %parallel_loop3A_147 : vector<16xf32>
          %parallel_loop3A_169 = arith.index_cast %parallel_loop3A_142 : i32 to index
          %parallel_loop3A_170 = arith.constant 32 : index
          %parallel_loop3A_171 = tpu.vector_load %arg14[%parallel_loop3A_169, %parallel_loop3A_170] {strides = array<i32>} : memref<128x128xf32, #tpu.memory_space<vmem>>, vector<16xf32>,
          tpu.vector_store %arg14[%parallel_loop3A_169, %parallel_loop3A_170], %parallel_loop3A_168 {strides = array<i32>} : memref<128x128xf32, #tpu.memory_space<vmem>>, vector<16xf32>,
          %parallel_loop3A_172 = arith.mulf %parallel_loop3A_167, %parallel_loop3A_147 : vector<16xf32>
          %parallel_loop3A_173 = arith.index_cast %parallel_loop3A_142 : i32 to index
          %parallel_loop3A_174 = arith.constant 48 : index
          %parallel_loop3A_175 = tpu.vector_load %arg14[%parallel_loop3A_173, %parallel_loop3A_174] {strides = array<i32>} : memref<128x128xf32, #tpu.memory_space<vmem>>, vector<16xf32>,
          tpu.vector_store %arg14[%parallel_loop3A_173, %parallel_loop3A_174], %parallel_loop3A_172 {strides = array<i32>} : memref<128x128xf32, #tpu.memory_space<vmem>>, vector<16xf32>,
          %parallel_loop3A_176 = arith.index_cast %parallel_loop3A_142 : i32 to index
          %parallel_loop3A_177 = arith.constant 32 : index
          %parallel_loop3A_178 = tpu.vector_load %arg12[%parallel_loop3A_176, %parallel_loop3A_177] {strides = array<i32>} : memref<128x64xf32, #tpu.memory_space<vmem>>, vector<16xf32>,
          %parallel_loop3A_179 = vector.bitcast %parallel_loop3A_178 : vector<16xf32> to vector<32xbf16>
          %parallel_loop3A_180 = tpu.unpack_subelements %parallel_loop3A_179, 0 {pack_format = #tpu.pack_format<interleaved>} : vector<32xbf16> -> vector<16xf32>
          %parallel_loop3A_181 = tpu.unpack_subelements %parallel_loop3A_179, 1 {pack_format = #tpu.pack_format<interleaved>} : vector<32xbf16> -> vector<16xf32>
          %parallel_loop3A_182 = arith.mulf %parallel_loop3A_180, %parallel_loop3A_147 : vector<16xf32>
          %parallel_loop3A_183 = arith.index_cast %parallel_loop3A_142 : i32 to index
          %parallel_loop3A_184 = arith.constant 64 : index
          %parallel_loop3A_185 = tpu.vector_load %arg14[%parallel_loop3A_183, %parallel_loop3A_184] {strides = array<i32>} : memref<128x128xf32, #tpu.memory_space<vmem>>, vector<16xf32>,
          tpu.vector_store %arg14[%parallel_loop3A_183, %parallel_loop3A_184], %parallel_loop3A_182 {strides = array<i32>} : memref<128x128xf32, #tpu.memory_space<vmem>>, vector<16xf32>,
          %parallel_loop3A_186 = arith.mulf %parallel_loop3A_181, %parallel_loop3A_147 : vector<16xf32>
          %parallel_loop3A_187 = arith.index_cast %parallel_loop3A_142 : i32 to index
          %parallel_loop3A_188 = arith.constant 80 : index
          %parallel_loop3A_189 = tpu.vector_load %arg14[%parallel_loop3A_187, %parallel_loop3A_188] {strides = array<i32>} : memref<128x128xf32, #tpu.memory_space<vmem>>, vector<16xf32>,
          tpu.vector_store %arg14[%parallel_loop3A_187, %parallel_loop3A_188], %parallel_loop3A_186 {strides = array<i32>} : memref<128x128xf32, #tpu.memory_space<vmem>>, vector<16xf32>,
          %parallel_loop3A_190 = arith.index_cast %parallel_loop3A_142 : i32 to index
          %parallel_loop3A_191 = arith.constant 48 : index
          %parallel_loop3A_192 = tpu.vector_load %arg12[%parallel_loop3A_190, %parallel_loop3A_191] {strides = array<i32>} : memref<128x64xf32, #tpu.memory_space<vmem>>, vector<16xf32>,
          %parallel_loop3A_193 = vector.bitcast %parallel_loop3A_192 : vector<16xf32> to vector<32xbf16>
          %parallel_loop3A_194 = tpu.unpack_subelements %parallel_loop3A_193, 0 {pack_format = #tpu.pack_format<interleaved>} : vector<32xbf16> -> vector<16xf32>
          %parallel_loop3A_195 = tpu.unpack_subelements %parallel_loop3A_193, 1 {pack_format = #tpu.pack_format<interleaved>} : vector<32xbf16> -> vector<16xf32>
          %parallel_loop3A_196 = arith.mulf %parallel_loop3A_194, %parallel_loop3A_147 : vector<16xf32>
          %parallel_loop3A_197 = arith.index_cast %parallel_loop3A_142 : i32 to index
          %parallel_loop3A_198 = arith.constant 96 : index
          %parallel_loop3A_199 = tpu.vector_load %arg14[%parallel_loop3A_197, %parallel_loop3A_198] {strides = array<i32>} : memref<128x128xf32, #tpu.memory_space<vmem>>, vector<16xf32>,
          tpu.vector_store %arg14[%parallel_loop3A_197, %parallel_loop3A_198], %parallel_loop3A_196 {strides = array<i32>} : memref<128x128xf32, #tpu.memory_space<vmem>>, vector<16xf32>,
          %parallel_loop3A_200 = arith.mulf %parallel_loop3A_195, %parallel_loop3A_147 : vector<16xf32>
          %parallel_loop3A_201 = arith.index_cast %parallel_loop3A_142 : i32 to index
          %parallel_loop3A_202 = arith.constant 112 : index
          %parallel_loop3A_203 = tpu.vector_load %arg14[%parallel_loop3A_201, %parallel_loop3A_202] {strides = array<i32>} : memref<128x128xf32, #tpu.memory_space<vmem>>, vector<16xf32>,
          tpu.vector_store %arg14[%parallel_loop3A_201, %parallel_loop3A_202], %parallel_loop3A_200 {strides = array<i32>} : memref<128x128xf32, #tpu.memory_space<vmem>>, vector<16xf32>,
        } {sc.loop_unroll_factor = 4 : i64, sc.parallel_access}
        "tpu.region"() ({
          %run_scoped3A = tpu.sem_alloc : memref<!tpu.dma_semaphore, #tpu.memory_space<semaphore_mem>>
          %dma_start3A_142 = arith.constant 0 : i32
          %dma_start3A_143 = tpu.memref_slice %arg8[%mul3A_35, %dma_start3A_142] : memref<16x128xi32, #tpu.memory_space<vmem>> -> memref<1x128xi32, #tpu.memory_space<vmem>>
          %dma_start3A_144 = tpu.memref_squeeze %dma_start3A_143 : memref<1x128xi32, #tpu.memory_space<vmem>> -> memref<128xi32, #tpu.memory_space<vmem>>
          %dma_start3A_145 = arith.constant 0 : i32
          %dma_start3A_146 = arith.constant 0 : i32
          %dma_start3A_147 = tpu.memref_slice %arg15[%dma_start3A_145, %dma_start3A_146] : memref<10240x128xf32, #tpu.memory_space<vmem_shared>> -> memref<10240x128xf32, #tpu.memory_space<vmem_shared>>
          tpu.enqueue_indirect_dma source(%arg14 : memref<128x128xf32, #tpu.memory_space<vmem>>) target(%dma_start3A_147 : memref<10240x128xf32, #tpu.memory_space<vmem_shared>>) offsets(%dma_start3A_144 : memref<128xi32, #tpu.memory_space<vmem>>) semaphore(%run_scoped3A : memref<!tpu.dma_semaphore, #tpu.memory_space<semaphore_mem>>) {add = true}
          %dma_wait3A_148 = arith.constant 0 : i32
          %dma_wait3A_149 = tpu.memref_slice %arg8[%mul3A_35, %dma_wait3A_148] : memref<16x128xi32, #tpu.memory_space<vmem>> -> memref<1x128xi32, #tpu.memory_space<vmem>>
          %dma_wait3A_150 = tpu.memref_squeeze %dma_wait3A_149 : memref<1x128xi32, #tpu.memory_space<vmem>> -> memref<128xi32, #tpu.memory_space<vmem>>
          %dma_wait3A_151 = arith.constant 0 : i32
          %dma_wait3A_152 = arith.constant 0 : i32
          %dma_wait3A_153 = tpu.memref_slice %arg15[%dma_wait3A_151, %dma_wait3A_152] : memref<10240x128xf32, #tpu.memory_space<vmem_shared>> -> memref<10240x128xf32, #tpu.memory_space<vmem_shared>>
          tpu.wait_indirect_dma semaphore(%run_scoped3A : memref<!tpu.dma_semaphore, #tpu.memory_space<semaphore_mem>>) src(%arg14 : memref<128x128xf32, #tpu.memory_space<vmem>>) dst(%dma_wait3A_153 : memref<10240x128xf32, #tpu.memory_space<vmem_shared>>)
          tpu.yield
        }) : () -> ()
        %dma_wait3A_91 = arith.constant 0 : i32
        %dma_wait3A_92 = tpu.memref_slice %arg10[%add3A_39, %dma_wait3A_91] : memref<16x128xi32, #tpu.memory_space<vmem>> -> memref<1x128xi32, #tpu.memory_space<vmem>>
        %dma_wait3A_93 = tpu.memref_squeeze %dma_wait3A_92 : memref<1x128xi32, #tpu.memory_space<vmem>> -> memref<128xi32, #tpu.memory_space<vmem>>
        %dma_wait3A_94 = arith.constant 0 : i32
        %dma_wait3A_95 = arith.constant 0 : i32
        %dma_wait3A_96 = tpu.memref_slice %arg2[%dma_wait3A_94, %dma_wait3A_95] : memref<10000x64xf32, #tpu.memory_space<hbm>> -> memref<10000x64xf32, #tpu.memory_space<hbm>>
        tpu.wait_indirect_dma semaphore(%arg17 : memref<!tpu.dma_semaphore, #tpu.memory_space<semaphore_mem>>) src(%dma_wait3A_96 : memref<10000x64xf32, #tpu.memory_space<hbm>>) dst(%arg13 : memref<128x64xf32, #tpu.memory_space<vmem>>)
        %lt3A = arith.constant 7 : i32
        %lt3A_97 = arith.cmpi slt, %scan3A_33, %lt3A : i32
        %convert_element_type3A = arith.extui %lt3A_97 : i1 to i32
        %cond3A = arith.constant 0 : i32
        %cond3A_98 = arith.cmpi ne, %convert_element_type3A, %cond3A : i32
        scf.if %cond3A_98 {
          %add3A_142 = arith.constant 2 : i32
          %add3A_143 = arith.addi %mul3A_35, %add3A_142 : i32
          %dma_start3A_144 = arith.constant 0 : i32
          %dma_start3A_145 = tpu.memref_slice %arg10[%add3A_143, %dma_start3A_144] : memref<16x128xi32, #tpu.memory_space<vmem>> -> memref<1x128xi32, #tpu.memory_space<vmem>>
          %dma_start3A_146 = tpu.memref_squeeze %dma_start3A_145 : memref<1x128xi32, #tpu.memory_space<vmem>> -> memref<128xi32, #tpu.memory_space<vmem>>
          %dma_start3A_147 = arith.constant 0 : i32
          %dma_start3A_148 = arith.constant 0 : i32
          %dma_start3A_149 = tpu.memref_slice %arg2[%dma_start3A_147, %dma_start3A_148] : memref<10000x64xf32, #tpu.memory_space<hbm>> -> memref<10000x64xf32, #tpu.memory_space<hbm>>
          tpu.enqueue_indirect_dma source(%dma_start3A_149 : memref<10000x64xf32, #tpu.memory_space<hbm>>) target(%arg12 : memref<128x64xf32, #tpu.memory_space<vmem>>) offsets(%dma_start3A_146 : memref<128xi32, #tpu.memory_space<vmem>>) semaphore(%arg16 : memref<!tpu.dma_semaphore, #tpu.memory_space<semaphore_mem>>)
        } else {
        }
        %get3A_99 = arith.index_cast %add3A_39 : i32 to index
        %get3A_100 = arith.constant 0 : index
        %get3A_101 = tpu.vector_load %arg9[%get3A_99, %get3A_100] {strides = array<i32>} : memref<16x128xf32, #tpu.memory_space<vmem>>, vector<16xf32>,
        %swap3A_102 = arith.constant 0 : index
        %swap3A_103 = tpu.vector_load %arg11[%swap3A_102] {strides = array<i32>} : memref<128xf32, #tpu.memory_space<vmem>>, vector<16xf32>,
        tpu.vector_store %arg11[%swap3A_102], %get3A_101 {strides = array<i32>} : memref<128xf32, #tpu.memory_space<vmem>>, vector<16xf32>,
        %get3A_104 = arith.index_cast %add3A_39 : i32 to index
        %get3A_105 = arith.constant 16 : index
        %get3A_106 = tpu.vector_load %arg9[%get3A_104, %get3A_105] {strides = array<i32>} : memref<16x128xf32, #tpu.memory_space<vmem>>, vector<16xf32>,
        %swap3A_107 = arith.constant 16 : index
        %swap3A_108 = tpu.vector_load %arg11[%swap3A_107] {strides = array<i32>} : memref<128xf32, #tpu.memory_space<vmem>>, vector<16xf32>,
        tpu.vector_store %arg11[%swap3A_107], %get3A_106 {strides = array<i32>} : memref<128xf32, #tpu.memory_space<vmem>>, vector<16xf32>,
        %get3A_109 = arith.index_cast %add3A_39 : i32 to index
        %get3A_110 = arith.constant 32 : index
        %get3A_111 = tpu.vector_load %arg9[%get3A_109, %get3A_110] {strides = array<i32>} : memref<16x128xf32, #tpu.memory_space<vmem>>, vector<16xf32>,
        %swap3A_112 = arith.constant 32 : index
        %swap3A_113 = tpu.vector_load %arg11[%swap3A_112] {strides = array<i32>} : memref<128xf32, #tpu.memory_space<vmem>>, vector<16xf32>,
        tpu.vector_store %arg11[%swap3A_112], %get3A_111 {strides = array<i32>} : memref<128xf32, #tpu.memory_space<vmem>>, vector<16xf32>,
        %get3A_114 = arith.index_cast %add3A_39 : i32 to index
        %get3A_115 = arith.constant 48 : index
        %get3A_116 = tpu.vector_load %arg9[%get3A_114, %get3A_115] {strides = array<i32>} : memref<16x128xf32, #tpu.memory_space<vmem>>, vector<16xf32>,
        %swap3A_117 = arith.constant 48 : index
        %swap3A_118 = tpu.vector_load %arg11[%swap3A_117] {strides = array<i32>} : memref<128xf32, #tpu.memory_space<vmem>>, vector<16xf32>,
        tpu.vector_store %arg11[%swap3A_117], %get3A_116 {strides = array<i32>} : memref<128xf32, #tpu.memory_space<vmem>>, vector<16xf32>,
        %get3A_119 = arith.index_cast %add3A_39 : i32 to index
        %get3A_120 = arith.constant 64 : index
        %get3A_121 = tpu.vector_load %arg9[%get3A_119, %get3A_120] {strides = array<i32>} : memref<16x128xf32, #tpu.memory_space<vmem>>, vector<16xf32>,
        %swap3A_122 = arith.constant 64 : index
        %swap3A_123 = tpu.vector_load %arg11[%swap3A_122] {strides = array<i32>} : memref<128xf32, #tpu.memory_space<vmem>>, vector<16xf32>,
        tpu.vector_store %arg11[%swap3A_122], %get3A_121 {strides = array<i32>} : memref<128xf32, #tpu.memory_space<vmem>>, vector<16xf32>,
        %get3A_124 = arith.index_cast %add3A_39 : i32 to index
        %get3A_125 = arith.constant 80 : index
        %get3A_126 = tpu.vector_load %arg9[%get3A_124, %get3A_125] {strides = array<i32>} : memref<16x128xf32, #tpu.memory_space<vmem>>, vector<16xf32>,
        %swap3A_127 = arith.constant 80 : index
        %swap3A_128 = tpu.vector_load %arg11[%swap3A_127] {strides = array<i32>} : memref<128xf32, #tpu.memory_space<vmem>>, vector<16xf32>,
        tpu.vector_store %arg11[%swap3A_127], %get3A_126 {strides = array<i32>} : memref<128xf32, #tpu.memory_space<vmem>>, vector<16xf32>,
        %get3A_129 = arith.index_cast %add3A_39 : i32 to index
        %get3A_130 = arith.constant 96 : index
        %get3A_131 = tpu.vector_load %arg9[%get3A_129, %get3A_130] {strides = array<i32>} : memref<16x128xf32, #tpu.memory_space<vmem>>, vector<16xf32>,
        %swap3A_132 = arith.constant 96 : index
        %swap3A_133 = tpu.vector_load %arg11[%swap3A_132] {strides = array<i32>} : memref<128xf32, #tpu.memory_space<vmem>>, vector<16xf32>,
        tpu.vector_store %arg11[%swap3A_132], %get3A_131 {strides = array<i32>} : memref<128xf32, #tpu.memory_space<vmem>>, vector<16xf32>,
        %get3A_134 = arith.index_cast %add3A_39 : i32 to index
        %get3A_135 = arith.constant 112 : index
        %get3A_136 = tpu.vector_load %arg9[%get3A_134, %get3A_135] {strides = array<i32>} : memref<16x128xf32, #tpu.memory_space<vmem>>, vector<16xf32>,
        %swap3A_137 = arith.constant 112 : index
        %swap3A_138 = tpu.vector_load %arg11[%swap3A_137] {strides = array<i32>} : memref<128xf32, #tpu.memory_space<vmem>>, vector<16xf32>,
        tpu.vector_store %arg11[%swap3A_137], %get3A_136 {strides = array<i32>} : memref<128xf32, #tpu.memory_space<vmem>>, vector<16xf32>,
        %parallel_loop3A_139 = arith.constant 0 : i32
        %parallel_loop3A_140 = arith.constant 128 : i32
        %parallel_loop3A_141 = arith.constant 1 : i32
        scf.for %parallel_loop3A_142 = %parallel_loop3A_139 to %parallel_loop3A_140 step %parallel_loop3A_141  : i32 {
          %parallel_loop3A_143 = arith.constant 0 : i32
          %parallel_loop3A_144 = vector.broadcast %parallel_loop3A_143 : i32 to vector<16xi32>
          %parallel_loop3A_145 = vector.broadcast %parallel_loop3A_142 : i32 to vector<16xi32>
          %parallel_loop3A_146 = arith.addi %parallel_loop3A_144, %parallel_loop3A_145 : vector<16xi32>
          %parallel_loop3A_147 = tpu.vector_load_idx %arg11[%parallel_loop3A_146] : memref<128xf32, #tpu.memory_space<vmem>>[vector<16xi32>], vector<16xf32>,
          %parallel_loop3A_148 = arith.index_cast %parallel_loop3A_142 : i32 to index
          %parallel_loop3A_149 = arith.constant 0 : index
          %parallel_loop3A_150 = tpu.vector_load %arg13[%parallel_loop3A_148, %parallel_loop3A_149] {strides = array<i32>} : memref<128x64xf32, #tpu.memory_space<vmem>>, vector<16xf32>,
          %parallel_loop3A_151 = vector.bitcast %parallel_loop3A_150 : vector<16xf32> to vector<32xbf16>
          %parallel_loop3A_152 = tpu.unpack_subelements %parallel_loop3A_151, 0 {pack_format = #tpu.pack_format<interleaved>} : vector<32xbf16> -> vector<16xf32>
          %parallel_loop3A_153 = tpu.unpack_subelements %parallel_loop3A_151, 1 {pack_format = #tpu.pack_format<interleaved>} : vector<32xbf16> -> vector<16xf32>
          %parallel_loop3A_154 = arith.mulf %parallel_loop3A_152, %parallel_loop3A_147 : vector<16xf32>
          %parallel_loop3A_155 = arith.index_cast %parallel_loop3A_142 : i32 to index
          %parallel_loop3A_156 = arith.constant 0 : index
          %parallel_loop3A_157 = tpu.vector_load %arg14[%parallel_loop3A_155, %parallel_loop3A_156] {strides = array<i32>} : memref<128x128xf32, #tpu.memory_space<vmem>>, vector<16xf32>,
          tpu.vector_store %arg14[%parallel_loop3A_155, %parallel_loop3A_156], %parallel_loop3A_154 {strides = array<i32>} : memref<128x128xf32, #tpu.memory_space<vmem>>, vector<16xf32>,
          %parallel_loop3A_158 = arith.mulf %parallel_loop3A_153, %parallel_loop3A_147 : vector<16xf32>
          %parallel_loop3A_159 = arith.index_cast %parallel_loop3A_142 : i32 to index
          %parallel_loop3A_160 = arith.constant 16 : index
          %parallel_loop3A_161 = tpu.vector_load %arg14[%parallel_loop3A_159, %parallel_loop3A_160] {strides = array<i32>} : memref<128x128xf32, #tpu.memory_space<vmem>>, vector<16xf32>,
          tpu.vector_store %arg14[%parallel_loop3A_159, %parallel_loop3A_160], %parallel_loop3A_158 {strides = array<i32>} : memref<128x128xf32, #tpu.memory_space<vmem>>, vector<16xf32>,
          %parallel_loop3A_162 = arith.index_cast %parallel_loop3A_142 : i32 to index
          %parallel_loop3A_163 = arith.constant 16 : index
          %parallel_loop3A_164 = tpu.vector_load %arg13[%parallel_loop3A_162, %parallel_loop3A_163] {strides = array<i32>} : memref<128x64xf32, #tpu.memory_space<vmem>>, vector<16xf32>,
          %parallel_loop3A_165 = vector.bitcast %parallel_loop3A_164 : vector<16xf32> to vector<32xbf16>
          %parallel_loop3A_166 = tpu.unpack_subelements %parallel_loop3A_165, 0 {pack_format = #tpu.pack_format<interleaved>} : vector<32xbf16> -> vector<16xf32>
          %parallel_loop3A_167 = tpu.unpack_subelements %parallel_loop3A_165, 1 {pack_format = #tpu.pack_format<interleaved>} : vector<32xbf16> -> vector<16xf32>
          %parallel_loop3A_168 = arith.mulf %parallel_loop3A_166, %parallel_loop3A_147 : vector<16xf32>
          %parallel_loop3A_169 = arith.index_cast %parallel_loop3A_142 : i32 to index
          %parallel_loop3A_170 = arith.constant 32 : index
          %parallel_loop3A_171 = tpu.vector_load %arg14[%parallel_loop3A_169, %parallel_loop3A_170] {strides = array<i32>} : memref<128x128xf32, #tpu.memory_space<vmem>>, vector<16xf32>,
          tpu.vector_store %arg14[%parallel_loop3A_169, %parallel_loop3A_170], %parallel_loop3A_168 {strides = array<i32>} : memref<128x128xf32, #tpu.memory_space<vmem>>, vector<16xf32>,
          %parallel_loop3A_172 = arith.mulf %parallel_loop3A_167, %parallel_loop3A_147 : vector<16xf32>
          %parallel_loop3A_173 = arith.index_cast %parallel_loop3A_142 : i32 to index
          %parallel_loop3A_174 = arith.constant 48 : index
          %parallel_loop3A_175 = tpu.vector_load %arg14[%parallel_loop3A_173, %parallel_loop3A_174] {strides = array<i32>} : memref<128x128xf32, #tpu.memory_space<vmem>>, vector<16xf32>,
          tpu.vector_store %arg14[%parallel_loop3A_173, %parallel_loop3A_174], %parallel_loop3A_172 {strides = array<i32>} : memref<128x128xf32, #tpu.memory_space<vmem>>, vector<16xf32>,
          %parallel_loop3A_176 = arith.index_cast %parallel_loop3A_142 : i32 to index
          %parallel_loop3A_177 = arith.constant 32 : index
          %parallel_loop3A_178 = tpu.vector_load %arg13[%parallel_loop3A_176, %parallel_loop3A_177] {strides = array<i32>} : memref<128x64xf32, #tpu.memory_space<vmem>>, vector<16xf32>,
          %parallel_loop3A_179 = vector.bitcast %parallel_loop3A_178 : vector<16xf32> to vector<32xbf16>
          %parallel_loop3A_180 = tpu.unpack_subelements %parallel_loop3A_179, 0 {pack_format = #tpu.pack_format<interleaved>} : vector<32xbf16> -> vector<16xf32>
          %parallel_loop3A_181 = tpu.unpack_subelements %parallel_loop3A_179, 1 {pack_format = #tpu.pack_format<interleaved>} : vector<32xbf16> -> vector<16xf32>
          %parallel_loop3A_182 = arith.mulf %parallel_loop3A_180, %parallel_loop3A_147 : vector<16xf32>
          %parallel_loop3A_183 = arith.index_cast %parallel_loop3A_142 : i32 to index
          %parallel_loop3A_184 = arith.constant 64 : index
          %parallel_loop3A_185 = tpu.vector_load %arg14[%parallel_loop3A_183, %parallel_loop3A_184] {strides = array<i32>} : memref<128x128xf32, #tpu.memory_space<vmem>>, vector<16xf32>,
          tpu.vector_store %arg14[%parallel_loop3A_183, %parallel_loop3A_184], %parallel_loop3A_182 {strides = array<i32>} : memref<128x128xf32, #tpu.memory_space<vmem>>, vector<16xf32>,
          %parallel_loop3A_186 = arith.mulf %parallel_loop3A_181, %parallel_loop3A_147 : vector<16xf32>
          %parallel_loop3A_187 = arith.index_cast %parallel_loop3A_142 : i32 to index
          %parallel_loop3A_188 = arith.constant 80 : index
          %parallel_loop3A_189 = tpu.vector_load %arg14[%parallel_loop3A_187, %parallel_loop3A_188] {strides = array<i32>} : memref<128x128xf32, #tpu.memory_space<vmem>>, vector<16xf32>,
          tpu.vector_store %arg14[%parallel_loop3A_187, %parallel_loop3A_188], %parallel_loop3A_186 {strides = array<i32>} : memref<128x128xf32, #tpu.memory_space<vmem>>, vector<16xf32>,
          %parallel_loop3A_190 = arith.index_cast %parallel_loop3A_142 : i32 to index
          %parallel_loop3A_191 = arith.constant 48 : index
          %parallel_loop3A_192 = tpu.vector_load %arg13[%parallel_loop3A_190, %parallel_loop3A_191] {strides = array<i32>} : memref<128x64xf32, #tpu.memory_space<vmem>>, vector<16xf32>,
          %parallel_loop3A_193 = vector.bitcast %parallel_loop3A_192 : vector<16xf32> to vector<32xbf16>
          %parallel_loop3A_194 = tpu.unpack_subelements %parallel_loop3A_193, 0 {pack_format = #tpu.pack_format<interleaved>} : vector<32xbf16> -> vector<16xf32>
          %parallel_loop3A_195 = tpu.unpack_subelements %parallel_loop3A_193, 1 {pack_format = #tpu.pack_format<interleaved>} : vector<32xbf16> -> vector<16xf32>
          %parallel_loop3A_196 = arith.mulf %parallel_loop3A_194, %parallel_loop3A_147 : vector<16xf32>
          %parallel_loop3A_197 = arith.index_cast %parallel_loop3A_142 : i32 to index
          %parallel_loop3A_198 = arith.constant 96 : index
          %parallel_loop3A_199 = tpu.vector_load %arg14[%parallel_loop3A_197, %parallel_loop3A_198] {strides = array<i32>} : memref<128x128xf32, #tpu.memory_space<vmem>>, vector<16xf32>,
          tpu.vector_store %arg14[%parallel_loop3A_197, %parallel_loop3A_198], %parallel_loop3A_196 {strides = array<i32>} : memref<128x128xf32, #tpu.memory_space<vmem>>, vector<16xf32>,
          %parallel_loop3A_200 = arith.mulf %parallel_loop3A_195, %parallel_loop3A_147 : vector<16xf32>
          %parallel_loop3A_201 = arith.index_cast %parallel_loop3A_142 : i32 to index
          %parallel_loop3A_202 = arith.constant 112 : index
          %parallel_loop3A_203 = tpu.vector_load %arg14[%parallel_loop3A_201, %parallel_loop3A_202] {strides = array<i32>} : memref<128x128xf32, #tpu.memory_space<vmem>>, vector<16xf32>,
          tpu.vector_store %arg14[%parallel_loop3A_201, %parallel_loop3A_202], %parallel_loop3A_200 {strides = array<i32>} : memref<128x128xf32, #tpu.memory_space<vmem>>, vector<16xf32>,
        } {sc.loop_unroll_factor = 4 : i64, sc.parallel_access}
        "tpu.region"() ({
          %run_scoped3A = tpu.sem_alloc : memref<!tpu.dma_semaphore, #tpu.memory_space<semaphore_mem>>
          %dma_start3A_142 = arith.constant 0 : i32
          %dma_start3A_143 = tpu.memref_slice %arg8[%add3A_39, %dma_start3A_142] : memref<16x128xi32, #tpu.memory_space<vmem>> -> memref<1x128xi32, #tpu.memory_space<vmem>>
          %dma_start3A_144 = tpu.memref_squeeze %dma_start3A_143 : memref<1x128xi32, #tpu.memory_space<vmem>> -> memref<128xi32, #tpu.memory_space<vmem>>
          %dma_start3A_145 = arith.constant 0 : i32
          %dma_start3A_146 = arith.constant 0 : i32
          %dma_start3A_147 = tpu.memref_slice %arg15[%dma_start3A_145, %dma_start3A_146] : memref<10240x128xf32, #tpu.memory_space<vmem_shared>> -> memref<10240x128xf32, #tpu.memory_space<vmem_shared>>
          tpu.enqueue_indirect_dma source(%arg14 : memref<128x128xf32, #tpu.memory_space<vmem>>) target(%dma_start3A_147 : memref<10240x128xf32, #tpu.memory_space<vmem_shared>>) offsets(%dma_start3A_144 : memref<128xi32, #tpu.memory_space<vmem>>) semaphore(%run_scoped3A : memref<!tpu.dma_semaphore, #tpu.memory_space<semaphore_mem>>) {add = true}
          %dma_wait3A_148 = arith.constant 0 : i32
          %dma_wait3A_149 = tpu.memref_slice %arg8[%add3A_39, %dma_wait3A_148] : memref<16x128xi32, #tpu.memory_space<vmem>> -> memref<1x128xi32, #tpu.memory_space<vmem>>
          %dma_wait3A_150 = tpu.memref_squeeze %dma_wait3A_149 : memref<1x128xi32, #tpu.memory_space<vmem>> -> memref<128xi32, #tpu.memory_space<vmem>>
          %dma_wait3A_151 = arith.constant 0 : i32
          %dma_wait3A_152 = arith.constant 0 : i32
          %dma_wait3A_153 = tpu.memref_slice %arg15[%dma_wait3A_151, %dma_wait3A_152] : memref<10240x128xf32, #tpu.memory_space<vmem_shared>> -> memref<10240x128xf32, #tpu.memory_space<vmem_shared>>
          tpu.wait_indirect_dma semaphore(%run_scoped3A : memref<!tpu.dma_semaphore, #tpu.memory_space<semaphore_mem>>) src(%arg14 : memref<128x128xf32, #tpu.memory_space<vmem>>) dst(%dma_wait3A_153 : memref<10240x128xf32, #tpu.memory_space<vmem_shared>>)
          tpu.yield
        }) : () -> ()
      }
      %scan3A_32 = arith.constant 8 : i32
    }
    %scan3A_9 = arith.constant 5 : i32
    %barrier3A_10 = arith.constant 0 : index
    tpu.barrier barrier_id(%barrier3A_10)
    %mul3A_11 = arith.constant 640 : i32
    %mul3A_12 = arith.muli %arg1, %mul3A_11 : i32
    %mul3A_13 = arith.constant 640 : i32
    %mul3A_14 = arith.muli %arg1, %mul3A_13 : i32
    "tpu.region"() ({
      %run_scoped3A = tpu.sem_alloc : memref<!tpu.dma_semaphore, #tpu.memory_space<semaphore_mem>>
      %dma_start3A = arith.constant 0 : i32
      %dma_start3A_15 = tpu.memref_slice %arg7[%arg0, %mul3A_14, %dma_start3A] : memref<2x10240x128xf32, #tpu.memory_space<hbm>> -> memref<1x640x128xf32, #tpu.memory_space<hbm>>
      %dma_start3A_16 = tpu.memref_squeeze %dma_start3A_15 : memref<1x640x128xf32, #tpu.memory_space<hbm>> -> memref<640x128xf32, #tpu.memory_space<hbm>>
      %dma_start3A_17 = arith.constant 0 : i32
      %dma_start3A_18 = tpu.memref_slice %arg15[%mul3A_12, %dma_start3A_17] : memref<10240x128xf32, #tpu.memory_space<vmem_shared>> -> memref<640x128xf32, #tpu.memory_space<vmem_shared>>
      tpu.enqueue_dma source(%dma_start3A_18 : memref<640x128xf32, #tpu.memory_space<vmem_shared>>) target(%dma_start3A_16 : memref<640x128xf32, #tpu.memory_space<hbm>>) target_semaphore(%run_scoped3A : memref<!tpu.dma_semaphore, #tpu.memory_space<semaphore_mem>>)
      %dma_wait3A = arith.constant 0 : i32
      %dma_wait3A_19 = tpu.memref_slice %arg7[%arg0, %mul3A_14, %dma_wait3A] : memref<2x10240x128xf32, #tpu.memory_space<hbm>> -> memref<1x640x128xf32, #tpu.memory_space<hbm>>
      %dma_wait3A_20 = tpu.memref_squeeze %dma_wait3A_19 : memref<1x640x128xf32, #tpu.memory_space<hbm>> -> memref<640x128xf32, #tpu.memory_space<hbm>>
      %dma_wait3A_21 = arith.constant 0 : i32
      %dma_wait3A_22 = tpu.memref_slice %arg15[%mul3A_12, %dma_wait3A_21] : memref<10240x128xf32, #tpu.memory_space<vmem_shared>> -> memref<640x128xf32, #tpu.memory_space<vmem_shared>>
      tpu.wait_dma2 semaphore(%run_scoped3A : memref<!tpu.dma_semaphore, #tpu.memory_space<semaphore_mem>>) src(%dma_wait3A_22 : memref<640x128xf32, #tpu.memory_space<vmem_shared>>) dst(%dma_wait3A_20 : memref<640x128xf32, #tpu.memory_space<hbm>>)
      tpu.yield
    }) : () -> ()
    return
  }
}

#map = affine_map<(d0, d1) -> (0, 0)>
#map1 = affine_map<(d0, d1) -> (0, 0, 0)>
module attributes {stable_mosaic.version = 14 : i64} {
  func.func @_sc_prop_body(%arg0: i32, %arg1: i32, %arg2: memref<10000x64xf32, #tpu.memory_space<hbm>>, %arg3: memref<2560x128xi32, #tpu.memory_space<hbm>>, %arg4: memref<2560x128xi32, #tpu.memory_space<hbm>>, %arg5: memref<2560x128xf32, #tpu.memory_space<hbm>>, %arg6: memref<10240x128xf32, #tpu.memory_space<hbm>>, %arg7: memref<2x10240x128xf32, #tpu.memory_space<hbm>>, %arg8: memref<16x128xi32, #tpu.memory_space<vmem>>, %arg9: memref<16x128xf32, #tpu.memory_space<vmem>>, %arg10: memref<16x128xi32, #tpu.memory_space<vmem>>, %arg11: memref<128xf32, #tpu.memory_space<vmem>>, %arg12: memref<128x64xf32, #tpu.memory_space<vmem>>, %arg13: memref<128x64xf32, #tpu.memory_space<vmem>>, %arg14: memref<128x128xf32, #tpu.memory_space<vmem>>, %arg15: memref<10240x128xf32, #tpu.memory_space<vmem_shared>>, %arg16: memref<!tpu.dma_semaphore, #tpu.memory_space<semaphore_mem>>, %arg17: memref<!tpu.dma_semaphore, #tpu.memory_space<semaphore_mem>>) attributes {dimension_semantics = [#tpu.dimension_semantics<core_parallel>, #tpu.dimension_semantics<subcore_parallel>], iteration_bounds = array<i64: 2, 16>, scalar_prefetch = 0 : i64, scratch_operands = 10 : i64, tpu.core_type = #tpu.core_type<sc_vector_subcore>, window_params = [{transform_indices = #map}, {transform_indices = #map}, {transform_indices = #map}, {transform_indices = #map}, {transform_indices = #map}, {transform_indices = #map1}]} {
    %mul3A = arith.constant 2 : i32
    %mul3A_0 = arith.muli %arg1, %mul3A : i32
    %add3A = arith.addi %mul3A_0, %arg0 : i32
    %mul3A_1 = arith.constant 640 : i32
    %mul3A_2 = arith.muli %arg1, %mul3A_1 : i32
    %mul3A_3 = arith.constant 640 : i32
    %mul3A_4 = arith.muli %arg1, %mul3A_3 : i32
    "tpu.region"() ({
      %run_scoped3A = tpu.sem_alloc : memref<!tpu.dma_semaphore, #tpu.memory_space<semaphore_mem>>
      %dma_start3A = arith.constant 0 : i32
      %dma_start3A_15 = tpu.memref_slice %arg15[%mul3A_4, %dma_start3A] : memref<10240x128xf32, #tpu.memory_space<vmem_shared>> -> memref<640x128xf32, #tpu.memory_space<vmem_shared>>
      %dma_start3A_16 = arith.constant 0 : i32
      %dma_start3A_17 = tpu.memref_slice %arg6[%mul3A_2, %dma_start3A_16] : memref<10240x128xf32, #tpu.memory_space<hbm>> -> memref<640x128xf32, #tpu.memory_space<hbm>>
      tpu.enqueue_dma source(%dma_start3A_17 : memref<640x128xf32, #tpu.memory_space<hbm>>) target(%dma_start3A_15 : memref<640x128xf32, #tpu.memory_space<vmem_shared>>) target_semaphore(%run_scoped3A : memref<!tpu.dma_semaphore, #tpu.memory_space<semaphore_mem>>)
      %dma_wait3A = arith.constant 0 : i32
      %dma_wait3A_18 = tpu.memref_slice %arg15[%mul3A_4, %dma_wait3A] : memref<10240x128xf32, #tpu.memory_space<vmem_shared>> -> memref<640x128xf32, #tpu.memory_space<vmem_shared>>
      %dma_wait3A_19 = arith.constant 0 : i32
      %dma_wait3A_20 = tpu.memref_slice %arg6[%mul3A_2, %dma_wait3A_19] : memref<10240x128xf32, #tpu.memory_space<hbm>> -> memref<640x128xf32, #tpu.memory_space<hbm>>
      tpu.wait_dma2 semaphore(%run_scoped3A : memref<!tpu.dma_semaphore, #tpu.memory_space<semaphore_mem>>) src(%dma_wait3A_20 : memref<640x128xf32, #tpu.memory_space<hbm>>) dst(%dma_wait3A_18 : memref<640x128xf32, #tpu.memory_space<vmem_shared>>)
      tpu.yield
    }) : () -> ()
    %barrier3A = arith.constant 0 : index
    tpu.barrier barrier_id(%barrier3A)
    %scan3A = arith.constant 0 : i32
    %scan3A_5 = arith.constant 0 : i32
    %scan3A_6 = arith.constant 5 : i32
    %scan3A_7 = arith.addi %scan3A_5, %scan3A_6 : i32
    %scan3A_8 = arith.constant 1 : i32
    scf.for %scan3A_15 = %scan3A_5 to %scan3A_7 step %scan3A_8  : i32 {
      %mul3A_16 = arith.constant 80 : i32
      %mul3A_17 = arith.muli %add3A, %mul3A_16 : i32
      %mul3A_18 = arith.constant 16 : i32
      %mul3A_19 = arith.muli %scan3A_15, %mul3A_18 : i32
      %add3A_20 = arith.addi %mul3A_17, %mul3A_19 : i32
      "tpu.region"() ({
        %run_scoped3A = tpu.sem_alloc : memref<!tpu.dma_semaphore, #tpu.memory_space<semaphore_mem>>
        %dma_start3A_33 = arith.constant 0 : i32
        %dma_start3A_34 = tpu.memref_slice %arg4[%add3A_20, %dma_start3A_33] : memref<2560x128xi32, #tpu.memory_space<hbm>> -> memref<16x128xi32, #tpu.memory_space<hbm>>
        %dma_start3A_35 = arith.constant 0 : i32
        %dma_start3A_36 = tpu.memref_slice %arg4[%add3A_20, %dma_start3A_35] : memref<2560x128xi32, #tpu.memory_space<hbm>> -> memref<16x128xi32, #tpu.memory_space<hbm>>
        tpu.enqueue_dma source(%dma_start3A_36 : memref<16x128xi32, #tpu.memory_space<hbm>>) target(%arg8 : memref<16x128xi32, #tpu.memory_space<vmem>>) target_semaphore(%run_scoped3A : memref<!tpu.dma_semaphore, #tpu.memory_space<semaphore_mem>>)
        %dma_wait3A = arith.constant 0 : i32
        %dma_wait3A_37 = tpu.memref_slice %arg4[%add3A_20, %dma_wait3A] : memref<2560x128xi32, #tpu.memory_space<hbm>> -> memref<16x128xi32, #tpu.memory_space<hbm>>
        %dma_wait3A_38 = arith.constant 0 : i32
        %dma_wait3A_39 = tpu.memref_slice %arg4[%add3A_20, %dma_wait3A_38] : memref<2560x128xi32, #tpu.memory_space<hbm>> -> memref<16x128xi32, #tpu.memory_space<hbm>>
        tpu.wait_dma2 semaphore(%run_scoped3A : memref<!tpu.dma_semaphore, #tpu.memory_space<semaphore_mem>>) src(%dma_wait3A_39 : memref<16x128xi32, #tpu.memory_space<hbm>>) dst(%arg8 : memref<16x128xi32, #tpu.memory_space<vmem>>)
        tpu.yield
      }) : () -> ()
      "tpu.region"() ({
        %run_scoped3A = tpu.sem_alloc : memref<!tpu.dma_semaphore, #tpu.memory_space<semaphore_mem>>
        %dma_start3A_33 = arith.constant 0 : i32
        %dma_start3A_34 = tpu.memref_slice %arg5[%add3A_20, %dma_start3A_33] : memref<2560x128xf32, #tpu.memory_space<hbm>> -> memref<16x128xf32, #tpu.memory_space<hbm>>
        %dma_start3A_35 = arith.constant 0 : i32
        %dma_start3A_36 = tpu.memref_slice %arg5[%add3A_20, %dma_start3A_35] : memref<2560x128xf32, #tpu.memory_space<hbm>> -> memref<16x128xf32, #tpu.memory_space<hbm>>
        tpu.enqueue_dma source(%dma_start3A_36 : memref<16x128xf32, #tpu.memory_space<hbm>>) target(%arg9 : memref<16x128xf32, #tpu.memory_space<vmem>>) target_semaphore(%run_scoped3A : memref<!tpu.dma_semaphore, #tpu.memory_space<semaphore_mem>>)
        %dma_wait3A = arith.constant 0 : i32
        %dma_wait3A_37 = tpu.memref_slice %arg5[%add3A_20, %dma_wait3A] : memref<2560x128xf32, #tpu.memory_space<hbm>> -> memref<16x128xf32, #tpu.memory_space<hbm>>
        %dma_wait3A_38 = arith.constant 0 : i32
        %dma_wait3A_39 = tpu.memref_slice %arg5[%add3A_20, %dma_wait3A_38] : memref<2560x128xf32, #tpu.memory_space<hbm>> -> memref<16x128xf32, #tpu.memory_space<hbm>>
        tpu.wait_dma2 semaphore(%run_scoped3A : memref<!tpu.dma_semaphore, #tpu.memory_space<semaphore_mem>>) src(%dma_wait3A_39 : memref<16x128xf32, #tpu.memory_space<hbm>>) dst(%arg9 : memref<16x128xf32, #tpu.memory_space<vmem>>)
        tpu.yield
      }) : () -> ()
      "tpu.region"() ({
        %run_scoped3A = tpu.sem_alloc : memref<!tpu.dma_semaphore, #tpu.memory_space<semaphore_mem>>
        %dma_start3A_33 = arith.constant 0 : i32
        %dma_start3A_34 = tpu.memref_slice %arg3[%add3A_20, %dma_start3A_33] : memref<2560x128xi32, #tpu.memory_space<hbm>> -> memref<16x128xi32, #tpu.memory_space<hbm>>
        %dma_start3A_35 = arith.constant 0 : i32
        %dma_start3A_36 = tpu.memref_slice %arg3[%add3A_20, %dma_start3A_35] : memref<2560x128xi32, #tpu.memory_space<hbm>> -> memref<16x128xi32, #tpu.memory_space<hbm>>
        tpu.enqueue_dma source(%dma_start3A_36 : memref<16x128xi32, #tpu.memory_space<hbm>>) target(%arg10 : memref<16x128xi32, #tpu.memory_space<vmem>>) target_semaphore(%run_scoped3A : memref<!tpu.dma_semaphore, #tpu.memory_space<semaphore_mem>>)
        %dma_wait3A = arith.constant 0 : i32
        %dma_wait3A_37 = tpu.memref_slice %arg3[%add3A_20, %dma_wait3A] : memref<2560x128xi32, #tpu.memory_space<hbm>> -> memref<16x128xi32, #tpu.memory_space<hbm>>
        %dma_wait3A_38 = arith.constant 0 : i32
        %dma_wait3A_39 = tpu.memref_slice %arg3[%add3A_20, %dma_wait3A_38] : memref<2560x128xi32, #tpu.memory_space<hbm>> -> memref<16x128xi32, #tpu.memory_space<hbm>>
        tpu.wait_dma2 semaphore(%run_scoped3A : memref<!tpu.dma_semaphore, #tpu.memory_space<semaphore_mem>>) src(%dma_wait3A_39 : memref<16x128xi32, #tpu.memory_space<hbm>>) dst(%arg10 : memref<16x128xi32, #tpu.memory_space<vmem>>)
        tpu.yield
      }) : () -> ()
      %dma_start3A = arith.constant 0 : i32
      %dma_start3A_21 = arith.constant 0 : i32
      %dma_start3A_22 = tpu.memref_slice %arg10[%dma_start3A, %dma_start3A_21] : memref<16x128xi32, #tpu.memory_space<vmem>> -> memref<1x128xi32, #tpu.memory_space<vmem>>
      %dma_start3A_23 = tpu.memref_squeeze %dma_start3A_22 : memref<1x128xi32, #tpu.memory_space<vmem>> -> memref<128xi32, #tpu.memory_space<vmem>>
      %dma_start3A_24 = arith.constant 0 : i32
      %dma_start3A_25 = arith.constant 0 : i32
      %dma_start3A_26 = tpu.memref_slice %arg2[%dma_start3A_24, %dma_start3A_25] : memref<10000x64xf32, #tpu.memory_space<hbm>> -> memref<10000x64xf32, #tpu.memory_space<hbm>>
      tpu.enqueue_indirect_dma source(%dma_start3A_26 : memref<10000x64xf32, #tpu.memory_space<hbm>>) target(%arg12 : memref<128x64xf32, #tpu.memory_space<vmem>>) offsets(%dma_start3A_23 : memref<128xi32, #tpu.memory_space<vmem>>) semaphore(%arg16 : memref<!tpu.dma_semaphore, #tpu.memory_space<semaphore_mem>>)
      %scan3A_27 = arith.constant 0 : i32
      %scan3A_28 = arith.constant 0 : i32
      %scan3A_29 = arith.constant 8 : i32
      %scan3A_30 = arith.addi %scan3A_28, %scan3A_29 : i32
      %scan3A_31 = arith.constant 1 : i32
      scf.for %scan3A_33 = %scan3A_28 to %scan3A_30 step %scan3A_31  : i32 {
        %mul3A_34 = arith.constant 2 : i32
        %mul3A_35 = arith.muli %mul3A_34, %scan3A_33 : i32
        %mul3A_36 = arith.constant 2 : i32
        %mul3A_37 = arith.muli %mul3A_36, %scan3A_33 : i32
        %add3A_38 = arith.constant 1 : i32
        %add3A_39 = arith.addi %mul3A_37, %add3A_38 : i32
        %dma_wait3A = arith.constant 0 : i32
        %dma_wait3A_40 = tpu.memref_slice %arg10[%mul3A_35, %dma_wait3A] : memref<16x128xi32, #tpu.memory_space<vmem>> -> memref<1x128xi32, #tpu.memory_space<vmem>>
        %dma_wait3A_41 = tpu.memref_squeeze %dma_wait3A_40 : memref<1x128xi32, #tpu.memory_space<vmem>> -> memref<128xi32, #tpu.memory_space<vmem>>
        %dma_wait3A_42 = arith.constant 0 : i32
        %dma_wait3A_43 = arith.constant 0 : i32
        %dma_wait3A_44 = tpu.memref_slice %arg2[%dma_wait3A_42, %dma_wait3A_43] : memref<10000x64xf32, #tpu.memory_space<hbm>> -> memref<10000x64xf32, #tpu.memory_space<hbm>>
        tpu.wait_indirect_dma semaphore(%arg16 : memref<!tpu.dma_semaphore, #tpu.memory_space<semaphore_mem>>) src(%dma_wait3A_44 : memref<10000x64xf32, #tpu.memory_space<hbm>>) dst(%arg12 : memref<128x64xf32, #tpu.memory_space<vmem>>)
        %dma_start3A_45 = arith.constant 0 : i32
        %dma_start3A_46 = tpu.memref_slice %arg10[%add3A_39, %dma_start3A_45] : memref<16x128xi32, #tpu.memory_space<vmem>> -> memref<1x128xi32, #tpu.memory_space<vmem>>
        %dma_start3A_47 = tpu.memref_squeeze %dma_start3A_46 : memref<1x128xi32, #tpu.memory_space<vmem>> -> memref<128xi32, #tpu.memory_space<vmem>>
        %dma_start3A_48 = arith.constant 0 : i32
        %dma_start3A_49 = arith.constant 0 : i32
        %dma_start3A_50 = tpu.memref_slice %arg2[%dma_start3A_48, %dma_start3A_49] : memref<10000x64xf32, #tpu.memory_space<hbm>> -> memref<10000x64xf32, #tpu.memory_space<hbm>>
        tpu.enqueue_indirect_dma source(%dma_start3A_50 : memref<10000x64xf32, #tpu.memory_space<hbm>>) target(%arg13 : memref<128x64xf32, #tpu.memory_space<vmem>>) offsets(%dma_start3A_47 : memref<128xi32, #tpu.memory_space<vmem>>) semaphore(%arg17 : memref<!tpu.dma_semaphore, #tpu.memory_space<semaphore_mem>>)
        %get3A = arith.index_cast %mul3A_35 : i32 to index
        %get3A_51 = arith.constant 0 : index
        %get3A_52 = tpu.vector_load %arg9[%get3A, %get3A_51] {strides = array<i32>} : memref<16x128xf32, #tpu.memory_space<vmem>>, vector<16xf32>,
        %swap3A = arith.constant 0 : index
        %swap3A_53 = tpu.vector_load %arg11[%swap3A] {strides = array<i32>} : memref<128xf32, #tpu.memory_space<vmem>>, vector<16xf32>,
        tpu.vector_store %arg11[%swap3A], %get3A_52 {strides = array<i32>} : memref<128xf32, #tpu.memory_space<vmem>>, vector<16xf32>,
        %get3A_54 = arith.index_cast %mul3A_35 : i32 to index
        %get3A_55 = arith.constant 16 : index
        %get3A_56 = tpu.vector_load %arg9[%get3A_54, %get3A_55] {strides = array<i32>} : memref<16x128xf32, #tpu.memory_space<vmem>>, vector<16xf32>,
        %swap3A_57 = arith.constant 16 : index
        %swap3A_58 = tpu.vector_load %arg11[%swap3A_57] {strides = array<i32>} : memref<128xf32, #tpu.memory_space<vmem>>, vector<16xf32>,
        tpu.vector_store %arg11[%swap3A_57], %get3A_56 {strides = array<i32>} : memref<128xf32, #tpu.memory_space<vmem>>, vector<16xf32>,
        %get3A_59 = arith.index_cast %mul3A_35 : i32 to index
        %get3A_60 = arith.constant 32 : index
        %get3A_61 = tpu.vector_load %arg9[%get3A_59, %get3A_60] {strides = array<i32>} : memref<16x128xf32, #tpu.memory_space<vmem>>, vector<16xf32>,
        %swap3A_62 = arith.constant 32 : index
        %swap3A_63 = tpu.vector_load %arg11[%swap3A_62] {strides = array<i32>} : memref<128xf32, #tpu.memory_space<vmem>>, vector<16xf32>,
        tpu.vector_store %arg11[%swap3A_62], %get3A_61 {strides = array<i32>} : memref<128xf32, #tpu.memory_space<vmem>>, vector<16xf32>,
        %get3A_64 = arith.index_cast %mul3A_35 : i32 to index
        %get3A_65 = arith.constant 48 : index
        %get3A_66 = tpu.vector_load %arg9[%get3A_64, %get3A_65] {strides = array<i32>} : memref<16x128xf32, #tpu.memory_space<vmem>>, vector<16xf32>,
        %swap3A_67 = arith.constant 48 : index
        %swap3A_68 = tpu.vector_load %arg11[%swap3A_67] {strides = array<i32>} : memref<128xf32, #tpu.memory_space<vmem>>, vector<16xf32>,
        tpu.vector_store %arg11[%swap3A_67], %get3A_66 {strides = array<i32>} : memref<128xf32, #tpu.memory_space<vmem>>, vector<16xf32>,
        %get3A_69 = arith.index_cast %mul3A_35 : i32 to index
        %get3A_70 = arith.constant 64 : index
        %get3A_71 = tpu.vector_load %arg9[%get3A_69, %get3A_70] {strides = array<i32>} : memref<16x128xf32, #tpu.memory_space<vmem>>, vector<16xf32>,
        %swap3A_72 = arith.constant 64 : index
        %swap3A_73 = tpu.vector_load %arg11[%swap3A_72] {strides = array<i32>} : memref<128xf32, #tpu.memory_space<vmem>>, vector<16xf32>,
        tpu.vector_store %arg11[%swap3A_72], %get3A_71 {strides = array<i32>} : memref<128xf32, #tpu.memory_space<vmem>>, vector<16xf32>,
        %get3A_74 = arith.index_cast %mul3A_35 : i32 to index
        %get3A_75 = arith.constant 80 : index
        %get3A_76 = tpu.vector_load %arg9[%get3A_74, %get3A_75] {strides = array<i32>} : memref<16x128xf32, #tpu.memory_space<vmem>>, vector<16xf32>,
        %swap3A_77 = arith.constant 80 : index
        %swap3A_78 = tpu.vector_load %arg11[%swap3A_77] {strides = array<i32>} : memref<128xf32, #tpu.memory_space<vmem>>, vector<16xf32>,
        tpu.vector_store %arg11[%swap3A_77], %get3A_76 {strides = array<i32>} : memref<128xf32, #tpu.memory_space<vmem>>, vector<16xf32>,
        %get3A_79 = arith.index_cast %mul3A_35 : i32 to index
        %get3A_80 = arith.constant 96 : index
        %get3A_81 = tpu.vector_load %arg9[%get3A_79, %get3A_80] {strides = array<i32>} : memref<16x128xf32, #tpu.memory_space<vmem>>, vector<16xf32>,
        %swap3A_82 = arith.constant 96 : index
        %swap3A_83 = tpu.vector_load %arg11[%swap3A_82] {strides = array<i32>} : memref<128xf32, #tpu.memory_space<vmem>>, vector<16xf32>,
        tpu.vector_store %arg11[%swap3A_82], %get3A_81 {strides = array<i32>} : memref<128xf32, #tpu.memory_space<vmem>>, vector<16xf32>,
        %get3A_84 = arith.index_cast %mul3A_35 : i32 to index
        %get3A_85 = arith.constant 112 : index
        %get3A_86 = tpu.vector_load %arg9[%get3A_84, %get3A_85] {strides = array<i32>} : memref<16x128xf32, #tpu.memory_space<vmem>>, vector<16xf32>,
        %swap3A_87 = arith.constant 112 : index
        %swap3A_88 = tpu.vector_load %arg11[%swap3A_87] {strides = array<i32>} : memref<128xf32, #tpu.memory_space<vmem>>, vector<16xf32>,
        tpu.vector_store %arg11[%swap3A_87], %get3A_86 {strides = array<i32>} : memref<128xf32, #tpu.memory_space<vmem>>, vector<16xf32>,
        %parallel_loop3A = arith.constant 0 : i32
        %parallel_loop3A_89 = arith.constant 128 : i32
        %parallel_loop3A_90 = arith.constant 1 : i32
        scf.for %parallel_loop3A_142 = %parallel_loop3A to %parallel_loop3A_89 step %parallel_loop3A_90  : i32 {
          %parallel_loop3A_143 = arith.constant 0 : i32
          %parallel_loop3A_144 = vector.broadcast %parallel_loop3A_143 : i32 to vector<16xi32>
          %parallel_loop3A_145 = vector.broadcast %parallel_loop3A_142 : i32 to vector<16xi32>
          %parallel_loop3A_146 = arith.addi %parallel_loop3A_144, %parallel_loop3A_145 : vector<16xi32>
          %parallel_loop3A_147 = tpu.vector_load_idx %arg11[%parallel_loop3A_146] : memref<128xf32, #tpu.memory_space<vmem>>[vector<16xi32>], vector<16xf32>,
          %parallel_loop3A_148 = arith.index_cast %parallel_loop3A_142 : i32 to index
          %parallel_loop3A_149 = arith.constant 0 : index
          %parallel_loop3A_150 = tpu.vector_load %arg12[%parallel_loop3A_148, %parallel_loop3A_149] {strides = array<i32>} : memref<128x64xf32, #tpu.memory_space<vmem>>, vector<16xf32>,
          %parallel_loop3A_151 = vector.bitcast %parallel_loop3A_150 : vector<16xf32> to vector<32xbf16>
          %parallel_loop3A_152 = tpu.unpack_subelements %parallel_loop3A_151, 0 {pack_format = #tpu.pack_format<interleaved>} : vector<32xbf16> -> vector<16xf32>
          %parallel_loop3A_153 = tpu.unpack_subelements %parallel_loop3A_151, 1 {pack_format = #tpu.pack_format<interleaved>} : vector<32xbf16> -> vector<16xf32>
          %parallel_loop3A_154 = arith.mulf %parallel_loop3A_152, %parallel_loop3A_147 : vector<16xf32>
          %parallel_loop3A_155 = arith.index_cast %parallel_loop3A_142 : i32 to index
          %parallel_loop3A_156 = arith.constant 0 : index
          %parallel_loop3A_157 = tpu.vector_load %arg14[%parallel_loop3A_155, %parallel_loop3A_156] {strides = array<i32>} : memref<128x128xf32, #tpu.memory_space<vmem>>, vector<16xf32>,
          tpu.vector_store %arg14[%parallel_loop3A_155, %parallel_loop3A_156], %parallel_loop3A_154 {strides = array<i32>} : memref<128x128xf32, #tpu.memory_space<vmem>>, vector<16xf32>,
          %parallel_loop3A_158 = arith.mulf %parallel_loop3A_153, %parallel_loop3A_147 : vector<16xf32>
          %parallel_loop3A_159 = arith.index_cast %parallel_loop3A_142 : i32 to index
          %parallel_loop3A_160 = arith.constant 16 : index
          %parallel_loop3A_161 = tpu.vector_load %arg14[%parallel_loop3A_159, %parallel_loop3A_160] {strides = array<i32>} : memref<128x128xf32, #tpu.memory_space<vmem>>, vector<16xf32>,
          tpu.vector_store %arg14[%parallel_loop3A_159, %parallel_loop3A_160], %parallel_loop3A_158 {strides = array<i32>} : memref<128x128xf32, #tpu.memory_space<vmem>>, vector<16xf32>,
          %parallel_loop3A_162 = arith.index_cast %parallel_loop3A_142 : i32 to index
          %parallel_loop3A_163 = arith.constant 16 : index
          %parallel_loop3A_164 = tpu.vector_load %arg12[%parallel_loop3A_162, %parallel_loop3A_163] {strides = array<i32>} : memref<128x64xf32, #tpu.memory_space<vmem>>, vector<16xf32>,
          %parallel_loop3A_165 = vector.bitcast %parallel_loop3A_164 : vector<16xf32> to vector<32xbf16>
          %parallel_loop3A_166 = tpu.unpack_subelements %parallel_loop3A_165, 0 {pack_format = #tpu.pack_format<interleaved>} : vector<32xbf16> -> vector<16xf32>
          %parallel_loop3A_167 = tpu.unpack_subelements %parallel_loop3A_165, 1 {pack_format = #tpu.pack_format<interleaved>} : vector<32xbf16> -> vector<16xf32>
          %parallel_loop3A_168 = arith.mulf %parallel_loop3A_166, %parallel_loop3A_147 : vector<16xf32>
          %parallel_loop3A_169 = arith.index_cast %parallel_loop3A_142 : i32 to index
          %parallel_loop3A_170 = arith.constant 32 : index
          %parallel_loop3A_171 = tpu.vector_load %arg14[%parallel_loop3A_169, %parallel_loop3A_170] {strides = array<i32>} : memref<128x128xf32, #tpu.memory_space<vmem>>, vector<16xf32>,
          tpu.vector_store %arg14[%parallel_loop3A_169, %parallel_loop3A_170], %parallel_loop3A_168 {strides = array<i32>} : memref<128x128xf32, #tpu.memory_space<vmem>>, vector<16xf32>,
          %parallel_loop3A_172 = arith.mulf %parallel_loop3A_167, %parallel_loop3A_147 : vector<16xf32>
          %parallel_loop3A_173 = arith.index_cast %parallel_loop3A_142 : i32 to index
          %parallel_loop3A_174 = arith.constant 48 : index
          %parallel_loop3A_175 = tpu.vector_load %arg14[%parallel_loop3A_173, %parallel_loop3A_174] {strides = array<i32>} : memref<128x128xf32, #tpu.memory_space<vmem>>, vector<16xf32>,
          tpu.vector_store %arg14[%parallel_loop3A_173, %parallel_loop3A_174], %parallel_loop3A_172 {strides = array<i32>} : memref<128x128xf32, #tpu.memory_space<vmem>>, vector<16xf32>,
          %parallel_loop3A_176 = arith.index_cast %parallel_loop3A_142 : i32 to index
          %parallel_loop3A_177 = arith.constant 32 : index
          %parallel_loop3A_178 = tpu.vector_load %arg12[%parallel_loop3A_176, %parallel_loop3A_177] {strides = array<i32>} : memref<128x64xf32, #tpu.memory_space<vmem>>, vector<16xf32>,
          %parallel_loop3A_179 = vector.bitcast %parallel_loop3A_178 : vector<16xf32> to vector<32xbf16>
          %parallel_loop3A_180 = tpu.unpack_subelements %parallel_loop3A_179, 0 {pack_format = #tpu.pack_format<interleaved>} : vector<32xbf16> -> vector<16xf32>
          %parallel_loop3A_181 = tpu.unpack_subelements %parallel_loop3A_179, 1 {pack_format = #tpu.pack_format<interleaved>} : vector<32xbf16> -> vector<16xf32>
          %parallel_loop3A_182 = arith.mulf %parallel_loop3A_180, %parallel_loop3A_147 : vector<16xf32>
          %parallel_loop3A_183 = arith.index_cast %parallel_loop3A_142 : i32 to index
          %parallel_loop3A_184 = arith.constant 64 : index
          %parallel_loop3A_185 = tpu.vector_load %arg14[%parallel_loop3A_183, %parallel_loop3A_184] {strides = array<i32>} : memref<128x128xf32, #tpu.memory_space<vmem>>, vector<16xf32>,
          tpu.vector_store %arg14[%parallel_loop3A_183, %parallel_loop3A_184], %parallel_loop3A_182 {strides = array<i32>} : memref<128x128xf32, #tpu.memory_space<vmem>>, vector<16xf32>,
          %parallel_loop3A_186 = arith.mulf %parallel_loop3A_181, %parallel_loop3A_147 : vector<16xf32>
          %parallel_loop3A_187 = arith.index_cast %parallel_loop3A_142 : i32 to index
          %parallel_loop3A_188 = arith.constant 80 : index
          %parallel_loop3A_189 = tpu.vector_load %arg14[%parallel_loop3A_187, %parallel_loop3A_188] {strides = array<i32>} : memref<128x128xf32, #tpu.memory_space<vmem>>, vector<16xf32>,
          tpu.vector_store %arg14[%parallel_loop3A_187, %parallel_loop3A_188], %parallel_loop3A_186 {strides = array<i32>} : memref<128x128xf32, #tpu.memory_space<vmem>>, vector<16xf32>,
          %parallel_loop3A_190 = arith.index_cast %parallel_loop3A_142 : i32 to index
          %parallel_loop3A_191 = arith.constant 48 : index
          %parallel_loop3A_192 = tpu.vector_load %arg12[%parallel_loop3A_190, %parallel_loop3A_191] {strides = array<i32>} : memref<128x64xf32, #tpu.memory_space<vmem>>, vector<16xf32>,
          %parallel_loop3A_193 = vector.bitcast %parallel_loop3A_192 : vector<16xf32> to vector<32xbf16>
          %parallel_loop3A_194 = tpu.unpack_subelements %parallel_loop3A_193, 0 {pack_format = #tpu.pack_format<interleaved>} : vector<32xbf16> -> vector<16xf32>
          %parallel_loop3A_195 = tpu.unpack_subelements %parallel_loop3A_193, 1 {pack_format = #tpu.pack_format<interleaved>} : vector<32xbf16> -> vector<16xf32>
          %parallel_loop3A_196 = arith.mulf %parallel_loop3A_194, %parallel_loop3A_147 : vector<16xf32>
          %parallel_loop3A_197 = arith.index_cast %parallel_loop3A_142 : i32 to index
          %parallel_loop3A_198 = arith.constant 96 : index
          %parallel_loop3A_199 = tpu.vector_load %arg14[%parallel_loop3A_197, %parallel_loop3A_198] {strides = array<i32>} : memref<128x128xf32, #tpu.memory_space<vmem>>, vector<16xf32>,
          tpu.vector_store %arg14[%parallel_loop3A_197, %parallel_loop3A_198], %parallel_loop3A_196 {strides = array<i32>} : memref<128x128xf32, #tpu.memory_space<vmem>>, vector<16xf32>,
          %parallel_loop3A_200 = arith.mulf %parallel_loop3A_195, %parallel_loop3A_147 : vector<16xf32>
          %parallel_loop3A_201 = arith.index_cast %parallel_loop3A_142 : i32 to index
          %parallel_loop3A_202 = arith.constant 112 : index
          %parallel_loop3A_203 = tpu.vector_load %arg14[%parallel_loop3A_201, %parallel_loop3A_202] {strides = array<i32>} : memref<128x128xf32, #tpu.memory_space<vmem>>, vector<16xf32>,
          tpu.vector_store %arg14[%parallel_loop3A_201, %parallel_loop3A_202], %parallel_loop3A_200 {strides = array<i32>} : memref<128x128xf32, #tpu.memory_space<vmem>>, vector<16xf32>,
        } {sc.loop_unroll_factor = 4 : i64, sc.parallel_access}
        "tpu.region"() ({
          %run_scoped3A = tpu.sem_alloc : memref<!tpu.dma_semaphore, #tpu.memory_space<semaphore_mem>>
          %dma_start3A_142 = arith.constant 0 : i32
          %dma_start3A_143 = tpu.memref_slice %arg8[%mul3A_35, %dma_start3A_142] : memref<16x128xi32, #tpu.memory_space<vmem>> -> memref<1x128xi32, #tpu.memory_space<vmem>>
          %dma_start3A_144 = tpu.memref_squeeze %dma_start3A_143 : memref<1x128xi32, #tpu.memory_space<vmem>> -> memref<128xi32, #tpu.memory_space<vmem>>
          %dma_start3A_145 = arith.constant 0 : i32
          %dma_start3A_146 = arith.constant 0 : i32
          %dma_start3A_147 = tpu.memref_slice %arg15[%dma_start3A_145, %dma_start3A_146] : memref<10240x128xf32, #tpu.memory_space<vmem_shared>> -> memref<10240x128xf32, #tpu.memory_space<vmem_shared>>
          tpu.enqueue_indirect_dma source(%arg14 : memref<128x128xf32, #tpu.memory_space<vmem>>) target(%dma_start3A_147 : memref<10240x128xf32, #tpu.memory_space<vmem_shared>>) offsets(%dma_start3A_144 : memref<128xi32, #tpu.memory_space<vmem>>) semaphore(%run_scoped3A : memref<!tpu.dma_semaphore, #tpu.memory_space<semaphore_mem>>) {add = true}
          %dma_wait3A_148 = arith.constant 0 : i32
          %dma_wait3A_149 = tpu.memref_slice %arg8[%mul3A_35, %dma_wait3A_148] : memref<16x128xi32, #tpu.memory_space<vmem>> -> memref<1x128xi32, #tpu.memory_space<vmem>>
          %dma_wait3A_150 = tpu.memref_squeeze %dma_wait3A_149 : memref<1x128xi32, #tpu.memory_space<vmem>> -> memref<128xi32, #tpu.memory_space<vmem>>
          %dma_wait3A_151 = arith.constant 0 : i32
          %dma_wait3A_152 = arith.constant 0 : i32
          %dma_wait3A_153 = tpu.memref_slice %arg15[%dma_wait3A_151, %dma_wait3A_152] : memref<10240x128xf32, #tpu.memory_space<vmem_shared>> -> memref<10240x128xf32, #tpu.memory_space<vmem_shared>>
          tpu.wait_indirect_dma semaphore(%run_scoped3A : memref<!tpu.dma_semaphore, #tpu.memory_space<semaphore_mem>>) src(%arg14 : memref<128x128xf32, #tpu.memory_space<vmem>>) dst(%dma_wait3A_153 : memref<10240x128xf32, #tpu.memory_space<vmem_shared>>)
          tpu.yield
        }) : () -> ()
        %dma_wait3A_91 = arith.constant 0 : i32
        %dma_wait3A_92 = tpu.memref_slice %arg10[%add3A_39, %dma_wait3A_91] : memref<16x128xi32, #tpu.memory_space<vmem>> -> memref<1x128xi32, #tpu.memory_space<vmem>>
        %dma_wait3A_93 = tpu.memref_squeeze %dma_wait3A_92 : memref<1x128xi32, #tpu.memory_space<vmem>> -> memref<128xi32, #tpu.memory_space<vmem>>
        %dma_wait3A_94 = arith.constant 0 : i32
        %dma_wait3A_95 = arith.constant 0 : i32
        %dma_wait3A_96 = tpu.memref_slice %arg2[%dma_wait3A_94, %dma_wait3A_95] : memref<10000x64xf32, #tpu.memory_space<hbm>> -> memref<10000x64xf32, #tpu.memory_space<hbm>>
        tpu.wait_indirect_dma semaphore(%arg17 : memref<!tpu.dma_semaphore, #tpu.memory_space<semaphore_mem>>) src(%dma_wait3A_96 : memref<10000x64xf32, #tpu.memory_space<hbm>>) dst(%arg13 : memref<128x64xf32, #tpu.memory_space<vmem>>)
        %lt3A = arith.constant 7 : i32
        %lt3A_97 = arith.cmpi slt, %scan3A_33, %lt3A : i32
        %convert_element_type3A = arith.extui %lt3A_97 : i1 to i32
        %cond3A = arith.constant 0 : i32
        %cond3A_98 = arith.cmpi ne, %convert_element_type3A, %cond3A : i32
        scf.if %cond3A_98 {
          %add3A_142 = arith.constant 2 : i32
          %add3A_143 = arith.addi %mul3A_35, %add3A_142 : i32
          %dma_start3A_144 = arith.constant 0 : i32
          %dma_start3A_145 = tpu.memref_slice %arg10[%add3A_143, %dma_start3A_144] : memref<16x128xi32, #tpu.memory_space<vmem>> -> memref<1x128xi32, #tpu.memory_space<vmem>>
          %dma_start3A_146 = tpu.memref_squeeze %dma_start3A_145 : memref<1x128xi32, #tpu.memory_space<vmem>> -> memref<128xi32, #tpu.memory_space<vmem>>
          %dma_start3A_147 = arith.constant 0 : i32
          %dma_start3A_148 = arith.constant 0 : i32
          %dma_start3A_149 = tpu.memref_slice %arg2[%dma_start3A_147, %dma_start3A_148] : memref<10000x64xf32, #tpu.memory_space<hbm>> -> memref<10000x64xf32, #tpu.memory_space<hbm>>
          tpu.enqueue_indirect_dma source(%dma_start3A_149 : memref<10000x64xf32, #tpu.memory_space<hbm>>) target(%arg12 : memref<128x64xf32, #tpu.memory_space<vmem>>) offsets(%dma_start3A_146 : memref<128xi32, #tpu.memory_space<vmem>>) semaphore(%arg16 : memref<!tpu.dma_semaphore, #tpu.memory_space<semaphore_mem>>)
        } else {
        }
        %get3A_99 = arith.index_cast %add3A_39 : i32 to index
        %get3A_100 = arith.constant 0 : index
        %get3A_101 = tpu.vector_load %arg9[%get3A_99, %get3A_100] {strides = array<i32>} : memref<16x128xf32, #tpu.memory_space<vmem>>, vector<16xf32>,
        %swap3A_102 = arith.constant 0 : index
        %swap3A_103 = tpu.vector_load %arg11[%swap3A_102] {strides = array<i32>} : memref<128xf32, #tpu.memory_space<vmem>>, vector<16xf32>,
        tpu.vector_store %arg11[%swap3A_102], %get3A_101 {strides = array<i32>} : memref<128xf32, #tpu.memory_space<vmem>>, vector<16xf32>,
        %get3A_104 = arith.index_cast %add3A_39 : i32 to index
        %get3A_105 = arith.constant 16 : index
        %get3A_106 = tpu.vector_load %arg9[%get3A_104, %get3A_105] {strides = array<i32>} : memref<16x128xf32, #tpu.memory_space<vmem>>, vector<16xf32>,
        %swap3A_107 = arith.constant 16 : index
        %swap3A_108 = tpu.vector_load %arg11[%swap3A_107] {strides = array<i32>} : memref<128xf32, #tpu.memory_space<vmem>>, vector<16xf32>,
        tpu.vector_store %arg11[%swap3A_107], %get3A_106 {strides = array<i32>} : memref<128xf32, #tpu.memory_space<vmem>>, vector<16xf32>,
        %get3A_109 = arith.index_cast %add3A_39 : i32 to index
        %get3A_110 = arith.constant 32 : index
        %get3A_111 = tpu.vector_load %arg9[%get3A_109, %get3A_110] {strides = array<i32>} : memref<16x128xf32, #tpu.memory_space<vmem>>, vector<16xf32>,
        %swap3A_112 = arith.constant 32 : index
        %swap3A_113 = tpu.vector_load %arg11[%swap3A_112] {strides = array<i32>} : memref<128xf32, #tpu.memory_space<vmem>>, vector<16xf32>,
        tpu.vector_store %arg11[%swap3A_112], %get3A_111 {strides = array<i32>} : memref<128xf32, #tpu.memory_space<vmem>>, vector<16xf32>,
        %get3A_114 = arith.index_cast %add3A_39 : i32 to index
        %get3A_115 = arith.constant 48 : index
        %get3A_116 = tpu.vector_load %arg9[%get3A_114, %get3A_115] {strides = array<i32>} : memref<16x128xf32, #tpu.memory_space<vmem>>, vector<16xf32>,
        %swap3A_117 = arith.constant 48 : index
        %swap3A_118 = tpu.vector_load %arg11[%swap3A_117] {strides = array<i32>} : memref<128xf32, #tpu.memory_space<vmem>>, vector<16xf32>,
        tpu.vector_store %arg11[%swap3A_117], %get3A_116 {strides = array<i32>} : memref<128xf32, #tpu.memory_space<vmem>>, vector<16xf32>,
        %get3A_119 = arith.index_cast %add3A_39 : i32 to index
        %get3A_120 = arith.constant 64 : index
        %get3A_121 = tpu.vector_load %arg9[%get3A_119, %get3A_120] {strides = array<i32>} : memref<16x128xf32, #tpu.memory_space<vmem>>, vector<16xf32>,
        %swap3A_122 = arith.constant 64 : index
        %swap3A_123 = tpu.vector_load %arg11[%swap3A_122] {strides = array<i32>} : memref<128xf32, #tpu.memory_space<vmem>>, vector<16xf32>,
        tpu.vector_store %arg11[%swap3A_122], %get3A_121 {strides = array<i32>} : memref<128xf32, #tpu.memory_space<vmem>>, vector<16xf32>,
        %get3A_124 = arith.index_cast %add3A_39 : i32 to index
        %get3A_125 = arith.constant 80 : index
        %get3A_126 = tpu.vector_load %arg9[%get3A_124, %get3A_125] {strides = array<i32>} : memref<16x128xf32, #tpu.memory_space<vmem>>, vector<16xf32>,
        %swap3A_127 = arith.constant 80 : index
        %swap3A_128 = tpu.vector_load %arg11[%swap3A_127] {strides = array<i32>} : memref<128xf32, #tpu.memory_space<vmem>>, vector<16xf32>,
        tpu.vector_store %arg11[%swap3A_127], %get3A_126 {strides = array<i32>} : memref<128xf32, #tpu.memory_space<vmem>>, vector<16xf32>,
        %get3A_129 = arith.index_cast %add3A_39 : i32 to index
        %get3A_130 = arith.constant 96 : index
        %get3A_131 = tpu.vector_load %arg9[%get3A_129, %get3A_130] {strides = array<i32>} : memref<16x128xf32, #tpu.memory_space<vmem>>, vector<16xf32>,
        %swap3A_132 = arith.constant 96 : index
        %swap3A_133 = tpu.vector_load %arg11[%swap3A_132] {strides = array<i32>} : memref<128xf32, #tpu.memory_space<vmem>>, vector<16xf32>,
        tpu.vector_store %arg11[%swap3A_132], %get3A_131 {strides = array<i32>} : memref<128xf32, #tpu.memory_space<vmem>>, vector<16xf32>,
        %get3A_134 = arith.index_cast %add3A_39 : i32 to index
        %get3A_135 = arith.constant 112 : index
        %get3A_136 = tpu.vector_load %arg9[%get3A_134, %get3A_135] {strides = array<i32>} : memref<16x128xf32, #tpu.memory_space<vmem>>, vector<16xf32>,
        %swap3A_137 = arith.constant 112 : index
        %swap3A_138 = tpu.vector_load %arg11[%swap3A_137] {strides = array<i32>} : memref<128xf32, #tpu.memory_space<vmem>>, vector<16xf32>,
        tpu.vector_store %arg11[%swap3A_137], %get3A_136 {strides = array<i32>} : memref<128xf32, #tpu.memory_space<vmem>>, vector<16xf32>,
        %parallel_loop3A_139 = arith.constant 0 : i32
        %parallel_loop3A_140 = arith.constant 128 : i32
        %parallel_loop3A_141 = arith.constant 1 : i32
        scf.for %parallel_loop3A_142 = %parallel_loop3A_139 to %parallel_loop3A_140 step %parallel_loop3A_141  : i32 {
          %parallel_loop3A_143 = arith.constant 0 : i32
          %parallel_loop3A_144 = vector.broadcast %parallel_loop3A_143 : i32 to vector<16xi32>
          %parallel_loop3A_145 = vector.broadcast %parallel_loop3A_142 : i32 to vector<16xi32>
          %parallel_loop3A_146 = arith.addi %parallel_loop3A_144, %parallel_loop3A_145 : vector<16xi32>
          %parallel_loop3A_147 = tpu.vector_load_idx %arg11[%parallel_loop3A_146] : memref<128xf32, #tpu.memory_space<vmem>>[vector<16xi32>], vector<16xf32>,
          %parallel_loop3A_148 = arith.index_cast %parallel_loop3A_142 : i32 to index
          %parallel_loop3A_149 = arith.constant 0 : index
          %parallel_loop3A_150 = tpu.vector_load %arg13[%parallel_loop3A_148, %parallel_loop3A_149] {strides = array<i32>} : memref<128x64xf32, #tpu.memory_space<vmem>>, vector<16xf32>,
          %parallel_loop3A_151 = vector.bitcast %parallel_loop3A_150 : vector<16xf32> to vector<32xbf16>
          %parallel_loop3A_152 = tpu.unpack_subelements %parallel_loop3A_151, 0 {pack_format = #tpu.pack_format<interleaved>} : vector<32xbf16> -> vector<16xf32>
          %parallel_loop3A_153 = tpu.unpack_subelements %parallel_loop3A_151, 1 {pack_format = #tpu.pack_format<interleaved>} : vector<32xbf16> -> vector<16xf32>
          %parallel_loop3A_154 = arith.mulf %parallel_loop3A_152, %parallel_loop3A_147 : vector<16xf32>
          %parallel_loop3A_155 = arith.index_cast %parallel_loop3A_142 : i32 to index
          %parallel_loop3A_156 = arith.constant 0 : index
          %parallel_loop3A_157 = tpu.vector_load %arg14[%parallel_loop3A_155, %parallel_loop3A_156] {strides = array<i32>} : memref<128x128xf32, #tpu.memory_space<vmem>>, vector<16xf32>,
          tpu.vector_store %arg14[%parallel_loop3A_155, %parallel_loop3A_156], %parallel_loop3A_154 {strides = array<i32>} : memref<128x128xf32, #tpu.memory_space<vmem>>, vector<16xf32>,
          %parallel_loop3A_158 = arith.mulf %parallel_loop3A_153, %parallel_loop3A_147 : vector<16xf32>
          %parallel_loop3A_159 = arith.index_cast %parallel_loop3A_142 : i32 to index
          %parallel_loop3A_160 = arith.constant 16 : index
          %parallel_loop3A_161 = tpu.vector_load %arg14[%parallel_loop3A_159, %parallel_loop3A_160] {strides = array<i32>} : memref<128x128xf32, #tpu.memory_space<vmem>>, vector<16xf32>,
          tpu.vector_store %arg14[%parallel_loop3A_159, %parallel_loop3A_160], %parallel_loop3A_158 {strides = array<i32>} : memref<128x128xf32, #tpu.memory_space<vmem>>, vector<16xf32>,
          %parallel_loop3A_162 = arith.index_cast %parallel_loop3A_142 : i32 to index
          %parallel_loop3A_163 = arith.constant 16 : index
          %parallel_loop3A_164 = tpu.vector_load %arg13[%parallel_loop3A_162, %parallel_loop3A_163] {strides = array<i32>} : memref<128x64xf32, #tpu.memory_space<vmem>>, vector<16xf32>,
          %parallel_loop3A_165 = vector.bitcast %parallel_loop3A_164 : vector<16xf32> to vector<32xbf16>
          %parallel_loop3A_166 = tpu.unpack_subelements %parallel_loop3A_165, 0 {pack_format = #tpu.pack_format<interleaved>} : vector<32xbf16> -> vector<16xf32>
          %parallel_loop3A_167 = tpu.unpack_subelements %parallel_loop3A_165, 1 {pack_format = #tpu.pack_format<interleaved>} : vector<32xbf16> -> vector<16xf32>
          %parallel_loop3A_168 = arith.mulf %parallel_loop3A_166, %parallel_loop3A_147 : vector<16xf32>
          %parallel_loop3A_169 = arith.index_cast %parallel_loop3A_142 : i32 to index
          %parallel_loop3A_170 = arith.constant 32 : index
          %parallel_loop3A_171 = tpu.vector_load %arg14[%parallel_loop3A_169, %parallel_loop3A_170] {strides = array<i32>} : memref<128x128xf32, #tpu.memory_space<vmem>>, vector<16xf32>,
          tpu.vector_store %arg14[%parallel_loop3A_169, %parallel_loop3A_170], %parallel_loop3A_168 {strides = array<i32>} : memref<128x128xf32, #tpu.memory_space<vmem>>, vector<16xf32>,
          %parallel_loop3A_172 = arith.mulf %parallel_loop3A_167, %parallel_loop3A_147 : vector<16xf32>
          %parallel_loop3A_173 = arith.index_cast %parallel_loop3A_142 : i32 to index
          %parallel_loop3A_174 = arith.constant 48 : index
          %parallel_loop3A_175 = tpu.vector_load %arg14[%parallel_loop3A_173, %parallel_loop3A_174] {strides = array<i32>} : memref<128x128xf32, #tpu.memory_space<vmem>>, vector<16xf32>,
          tpu.vector_store %arg14[%parallel_loop3A_173, %parallel_loop3A_174], %parallel_loop3A_172 {strides = array<i32>} : memref<128x128xf32, #tpu.memory_space<vmem>>, vector<16xf32>,
          %parallel_loop3A_176 = arith.index_cast %parallel_loop3A_142 : i32 to index
          %parallel_loop3A_177 = arith.constant 32 : index
          %parallel_loop3A_178 = tpu.vector_load %arg13[%parallel_loop3A_176, %parallel_loop3A_177] {strides = array<i32>} : memref<128x64xf32, #tpu.memory_space<vmem>>, vector<16xf32>,
          %parallel_loop3A_179 = vector.bitcast %parallel_loop3A_178 : vector<16xf32> to vector<32xbf16>
          %parallel_loop3A_180 = tpu.unpack_subelements %parallel_loop3A_179, 0 {pack_format = #tpu.pack_format<interleaved>} : vector<32xbf16> -> vector<16xf32>
          %parallel_loop3A_181 = tpu.unpack_subelements %parallel_loop3A_179, 1 {pack_format = #tpu.pack_format<interleaved>} : vector<32xbf16> -> vector<16xf32>
          %parallel_loop3A_182 = arith.mulf %parallel_loop3A_180, %parallel_loop3A_147 : vector<16xf32>
          %parallel_loop3A_183 = arith.index_cast %parallel_loop3A_142 : i32 to index
          %parallel_loop3A_184 = arith.constant 64 : index
          %parallel_loop3A_185 = tpu.vector_load %arg14[%parallel_loop3A_183, %parallel_loop3A_184] {strides = array<i32>} : memref<128x128xf32, #tpu.memory_space<vmem>>, vector<16xf32>,
          tpu.vector_store %arg14[%parallel_loop3A_183, %parallel_loop3A_184], %parallel_loop3A_182 {strides = array<i32>} : memref<128x128xf32, #tpu.memory_space<vmem>>, vector<16xf32>,
          %parallel_loop3A_186 = arith.mulf %parallel_loop3A_181, %parallel_loop3A_147 : vector<16xf32>
          %parallel_loop3A_187 = arith.index_cast %parallel_loop3A_142 : i32 to index
          %parallel_loop3A_188 = arith.constant 80 : index
          %parallel_loop3A_189 = tpu.vector_load %arg14[%parallel_loop3A_187, %parallel_loop3A_188] {strides = array<i32>} : memref<128x128xf32, #tpu.memory_space<vmem>>, vector<16xf32>,
          tpu.vector_store %arg14[%parallel_loop3A_187, %parallel_loop3A_188], %parallel_loop3A_186 {strides = array<i32>} : memref<128x128xf32, #tpu.memory_space<vmem>>, vector<16xf32>,
          %parallel_loop3A_190 = arith.index_cast %parallel_loop3A_142 : i32 to index
          %parallel_loop3A_191 = arith.constant 48 : index
          %parallel_loop3A_192 = tpu.vector_load %arg13[%parallel_loop3A_190, %parallel_loop3A_191] {strides = array<i32>} : memref<128x64xf32, #tpu.memory_space<vmem>>, vector<16xf32>,
          %parallel_loop3A_193 = vector.bitcast %parallel_loop3A_192 : vector<16xf32> to vector<32xbf16>
          %parallel_loop3A_194 = tpu.unpack_subelements %parallel_loop3A_193, 0 {pack_format = #tpu.pack_format<interleaved>} : vector<32xbf16> -> vector<16xf32>
          %parallel_loop3A_195 = tpu.unpack_subelements %parallel_loop3A_193, 1 {pack_format = #tpu.pack_format<interleaved>} : vector<32xbf16> -> vector<16xf32>
          %parallel_loop3A_196 = arith.mulf %parallel_loop3A_194, %parallel_loop3A_147 : vector<16xf32>
          %parallel_loop3A_197 = arith.index_cast %parallel_loop3A_142 : i32 to index
          %parallel_loop3A_198 = arith.constant 96 : index
          %parallel_loop3A_199 = tpu.vector_load %arg14[%parallel_loop3A_197, %parallel_loop3A_198] {strides = array<i32>} : memref<128x128xf32, #tpu.memory_space<vmem>>, vector<16xf32>,
          tpu.vector_store %arg14[%parallel_loop3A_197, %parallel_loop3A_198], %parallel_loop3A_196 {strides = array<i32>} : memref<128x128xf32, #tpu.memory_space<vmem>>, vector<16xf32>,
          %parallel_loop3A_200 = arith.mulf %parallel_loop3A_195, %parallel_loop3A_147 : vector<16xf32>
          %parallel_loop3A_201 = arith.index_cast %parallel_loop3A_142 : i32 to index
          %parallel_loop3A_202 = arith.constant 112 : index
          %parallel_loop3A_203 = tpu.vector_load %arg14[%parallel_loop3A_201, %parallel_loop3A_202] {strides = array<i32>} : memref<128x128xf32, #tpu.memory_space<vmem>>, vector<16xf32>,
          tpu.vector_store %arg14[%parallel_loop3A_201, %parallel_loop3A_202], %parallel_loop3A_200 {strides = array<i32>} : memref<128x128xf32, #tpu.memory_space<vmem>>, vector<16xf32>,
        } {sc.loop_unroll_factor = 4 : i64, sc.parallel_access}
        "tpu.region"() ({
          %run_scoped3A = tpu.sem_alloc : memref<!tpu.dma_semaphore, #tpu.memory_space<semaphore_mem>>
          %dma_start3A_142 = arith.constant 0 : i32
          %dma_start3A_143 = tpu.memref_slice %arg8[%add3A_39, %dma_start3A_142] : memref<16x128xi32, #tpu.memory_space<vmem>> -> memref<1x128xi32, #tpu.memory_space<vmem>>
          %dma_start3A_144 = tpu.memref_squeeze %dma_start3A_143 : memref<1x128xi32, #tpu.memory_space<vmem>> -> memref<128xi32, #tpu.memory_space<vmem>>
          %dma_start3A_145 = arith.constant 0 : i32
          %dma_start3A_146 = arith.constant 0 : i32
          %dma_start3A_147 = tpu.memref_slice %arg15[%dma_start3A_145, %dma_start3A_146] : memref<10240x128xf32, #tpu.memory_space<vmem_shared>> -> memref<10240x128xf32, #tpu.memory_space<vmem_shared>>
          tpu.enqueue_indirect_dma source(%arg14 : memref<128x128xf32, #tpu.memory_space<vmem>>) target(%dma_start3A_147 : memref<10240x128xf32, #tpu.memory_space<vmem_shared>>) offsets(%dma_start3A_144 : memref<128xi32, #tpu.memory_space<vmem>>) semaphore(%run_scoped3A : memref<!tpu.dma_semaphore, #tpu.memory_space<semaphore_mem>>) {add = true}
          %dma_wait3A_148 = arith.constant 0 : i32
          %dma_wait3A_149 = tpu.memref_slice %arg8[%add3A_39, %dma_wait3A_148] : memref<16x128xi32, #tpu.memory_space<vmem>> -> memref<1x128xi32, #tpu.memory_space<vmem>>
          %dma_wait3A_150 = tpu.memref_squeeze %dma_wait3A_149 : memref<1x128xi32, #tpu.memory_space<vmem>> -> memref<128xi32, #tpu.memory_space<vmem>>
          %dma_wait3A_151 = arith.constant 0 : i32
          %dma_wait3A_152 = arith.constant 0 : i32
          %dma_wait3A_153 = tpu.memref_slice %arg15[%dma_wait3A_151, %dma_wait3A_152] : memref<10240x128xf32, #tpu.memory_space<vmem_shared>> -> memref<10240x128xf32, #tpu.memory_space<vmem_shared>>
          tpu.wait_indirect_dma semaphore(%run_scoped3A : memref<!tpu.dma_semaphore, #tpu.memory_space<semaphore_mem>>) src(%arg14 : memref<128x128xf32, #tpu.memory_space<vmem>>) dst(%dma_wait3A_153 : memref<10240x128xf32, #tpu.memory_space<vmem_shared>>)
          tpu.yield
        }) : () -> ()
      }
      %scan3A_32 = arith.constant 8 : i32
    }
    %scan3A_9 = arith.constant 5 : i32
    %barrier3A_10 = arith.constant 0 : index
    tpu.barrier barrier_id(%barrier3A_10)
    %mul3A_11 = arith.constant 640 : i32
    %mul3A_12 = arith.muli %arg1, %mul3A_11 : i32
    %mul3A_13 = arith.constant 640 : i32
    %mul3A_14 = arith.muli %arg1, %mul3A_13 : i32
    "tpu.region"() ({
      %run_scoped3A = tpu.sem_alloc : memref<!tpu.dma_semaphore, #tpu.memory_space<semaphore_mem>>
      %dma_start3A = arith.constant 0 : i32
      %dma_start3A_15 = tpu.memref_slice %arg7[%arg0, %mul3A_14, %dma_start3A] : memref<2x10240x128xf32, #tpu.memory_space<hbm>> -> memref<1x640x128xf32, #tpu.memory_space<hbm>>
      %dma_start3A_16 = tpu.memref_squeeze %dma_start3A_15 : memref<1x640x128xf32, #tpu.memory_space<hbm>> -> memref<640x128xf32, #tpu.memory_space<hbm>>
      %dma_start3A_17 = arith.constant 0 : i32
      %dma_start3A_18 = tpu.memref_slice %arg15[%mul3A_12, %dma_start3A_17] : memref<10240x128xf32, #tpu.memory_space<vmem_shared>> -> memref<640x128xf32, #tpu.memory_space<vmem_shared>>
      tpu.enqueue_dma source(%dma_start3A_18 : memref<640x128xf32, #tpu.memory_space<vmem_shared>>) target(%dma_start3A_16 : memref<640x128xf32, #tpu.memory_space<hbm>>) target_semaphore(%run_scoped3A : memref<!tpu.dma_semaphore, #tpu.memory_space<semaphore_mem>>)
      %dma_wait3A = arith.constant 0 : i32
      %dma_wait3A_19 = tpu.memref_slice %arg7[%arg0, %mul3A_14, %dma_wait3A] : memref<2x10240x128xf32, #tpu.memory_space<hbm>> -> memref<1x640x128xf32, #tpu.memory_space<hbm>>
      %dma_wait3A_20 = tpu.memref_squeeze %dma_wait3A_19 : memref<1x640x128xf32, #tpu.memory_space<hbm>> -> memref<640x128xf32, #tpu.memory_space<hbm>>
      %dma_wait3A_21 = arith.constant 0 : i32
      %dma_wait3A_22 = tpu.memref_slice %arg15[%mul3A_12, %dma_wait3A_21] : memref<10240x128xf32, #tpu.memory_space<vmem_shared>> -> memref<640x128xf32, #tpu.memory_space<vmem_shared>>
      tpu.wait_dma2 semaphore(%run_scoped3A : memref<!tpu.dma_semaphore, #tpu.memory_space<semaphore_mem>>) src(%dma_wait3A_22 : memref<640x128xf32, #tpu.memory_space<vmem_shared>>) dst(%dma_wait3A_20 : memref<640x128xf32, #tpu.memory_space<hbm>>)
      tpu.yield
    }) : () -> ()
    return
  }
}

module attributes {stable_mosaic.version = 14 : i64} {
  func.func @_first_body(%arg0: memref<10000x128xf32, #tpu.memory_space<vmem>>, %arg1: memref<128x128xf32, #tpu.memory_space<vmem>>, %arg2: memref<10240x1xf32, #tpu.memory_space<vmem>>, %arg3: memref<10240x1xf32, #tpu.memory_space<vmem>>, %arg4: memref<10000x128xf32, #tpu.memory_space<vmem>>, %arg5: memref<10000x128xbf16, #tpu.memory_space<vmem>>, %arg6: memref<10240x1xf32, #tpu.memory_space<vmem>>) attributes {dimension_semantics = [], scalar_prefetch = 0 : i64, scratch_operands = 0 : i64, tpu.core_type = #tpu.core_type<tc>} {
    %get3A = arith.constant 0 : index
    %get3A_0 = arith.constant 0 : index
    %get3A_1 = vector.load %arg2[%get3A, %get3A_0] : memref<10240x1xf32, #tpu.memory_space<vmem>>, vector<10240x1xf32>
    %add3A = arith.constant 1.000000e+00 : f32
    %add3A_2 = vector.broadcast %add3A : f32 to vector<10240x1xf32>
    %add3A_3 = arith.addf %add3A_2, %get3A_1 : vector<10240x1xf32>
    %get3A_4 = arith.constant 0 : index
    %get3A_5 = arith.constant 0 : index
    %get3A_6 = vector.load %arg3[%get3A_4, %get3A_5] : memref<10240x1xf32, #tpu.memory_space<vmem>>, vector<10240x1xf32>
    %add3A_7 = arith.addf %add3A_3, %get3A_6 : vector<10240x1xf32>
    %rsqrt3A = math.rsqrt %add3A_7 : vector<10240x1xf32>
    %swap3A = arith.constant 0 : index
    %swap3A_8 = arith.constant 0 : index
    %swap3A_9 = vector.load %arg6[%swap3A, %swap3A_8] : memref<10240x1xf32, #tpu.memory_space<vmem>>, vector<10240x1xf32>
    tpu.vector_store %arg6[%swap3A, %swap3A_8], %rsqrt3A {strides = array<i32>} : memref<10240x1xf32, #tpu.memory_space<vmem>>, vector<10240x1xf32>,
    %slice3A = vector.extract_strided_slice %rsqrt3A {offsets = [0, 0], sizes = [10000, 1], strides = [1, 1]} : vector<10240x1xf32> to vector<10000x1xf32>
    %get3A_10 = arith.constant 0 : index
    %get3A_11 = arith.constant 0 : index
    %get3A_12 = vector.load %arg0[%get3A_10, %get3A_11] : memref<10000x128xf32, #tpu.memory_space<vmem>>, vector<10000x128xf32>
    %get3A_13 = arith.constant 0 : index
    %get3A_14 = arith.constant 0 : index
    %get3A_15 = vector.load %arg1[%get3A_13, %get3A_14] : memref<128x128xf32, #tpu.memory_space<vmem>>, vector<128x128xf32>
    %dot_general3A = arith.constant dense<0.000000e+00> : vector<10000x128xf32>
    %dot_general3A_16 = tpu.matmul %get3A_12, %get3A_15, %dot_general3A {dimension_numbers = #tpu.dot_dimension_numbers<[1], [0], [0], [1], [0, 0, 1, 1], [], []>, transpose_lhs_hint = false} : vector<10000x128xf32>, vector<128x128xf32>, vector<10000x128xf32> -> vector<10000x128xf32>
    %mul3A = vector.broadcast %slice3A : vector<10000x1xf32> to vector<10000x128xf32>
    %mul3A_17 = arith.mulf %mul3A, %dot_general3A_16 : vector<10000x128xf32>
    %swap3A_18 = arith.constant 0 : index
    %swap3A_19 = arith.constant 0 : index
    %swap3A_20 = vector.load %arg4[%swap3A_18, %swap3A_19] : memref<10000x128xf32, #tpu.memory_space<vmem>>, vector<10000x128xf32>
    tpu.vector_store %arg4[%swap3A_18, %swap3A_19], %mul3A_17 {strides = array<i32>} : memref<10000x128xf32, #tpu.memory_space<vmem>>, vector<10000x128xf32>,
    %convert_element_type3A = arith.truncf %mul3A_17 : vector<10000x128xf32> to vector<10000x128xbf16>
    %swap3A_21 = arith.constant 0 : index
    %swap3A_22 = arith.constant 0 : index
    %swap3A_23 = vector.load %arg5[%swap3A_21, %swap3A_22] : memref<10000x128xbf16, #tpu.memory_space<vmem>>, vector<10000x128xbf16>
    tpu.vector_store %arg5[%swap3A_21, %swap3A_22], %convert_element_type3A {strides = array<i32>} : memref<10000x128xbf16, #tpu.memory_space<vmem>>, vector<10000x128xbf16>,
    return
  }
}

module attributes {stable_mosaic.version = 14 : i64} {
  func.func @_mid_body(%arg0: memref<10000x128xf32, #tpu.memory_space<vmem>>, %arg1: memref<10000x128xf32, #tpu.memory_space<vmem>>, %arg2: memref<10000x128xf32, #tpu.memory_space<vmem>>, %arg3: memref<10000x1xf32, #tpu.memory_space<vmem>>, %arg4: memref<1x128xf32, #tpu.memory_space<vmem>>, %arg5: memref<128x128xf32, #tpu.memory_space<vmem>>, %arg6: memref<128x128xf32, #tpu.memory_space<vmem>>, %arg7: memref<10000x128xf32, #tpu.memory_space<vmem>>, %arg8: memref<10000x128xbf16, #tpu.memory_space<vmem>>) attributes {dimension_semantics = [], scalar_prefetch = 0 : i64, scratch_operands = 0 : i64, tpu.core_type = #tpu.core_type<tc>} {
    %get3A = arith.constant 0 : index
    %get3A_0 = arith.constant 0 : index
    %get3A_1 = vector.load %arg3[%get3A, %get3A_0] : memref<10000x1xf32, #tpu.memory_space<vmem>>, vector<10000x1xf32>
    %get3A_2 = arith.constant 0 : index
    %get3A_3 = arith.constant 0 : index
    %get3A_4 = vector.load %arg0[%get3A_2, %get3A_3] : memref<10000x128xf32, #tpu.memory_space<vmem>>, vector<10000x128xf32>
    %get3A_5 = arith.constant 0 : index
    %get3A_6 = arith.constant 0 : index
    %get3A_7 = vector.load %arg1[%get3A_5, %get3A_6] : memref<10000x128xf32, #tpu.memory_space<vmem>>, vector<10000x128xf32>
    %add3A = arith.addf %get3A_4, %get3A_7 : vector<10000x128xf32>
    %get3A_8 = arith.constant 0 : index
    %get3A_9 = arith.constant 0 : index
    %get3A_10 = vector.load %arg6[%get3A_8, %get3A_9] : memref<128x128xf32, #tpu.memory_space<vmem>>, vector<128x128xf32>
    %dot_general3A = arith.constant dense<0.000000e+00> : vector<10000x128xf32>
    %dot_general3A_11 = tpu.matmul %add3A, %get3A_10, %dot_general3A {dimension_numbers = #tpu.dot_dimension_numbers<[1], [0], [0], [1], [0, 0, 1, 1], [], []>, transpose_lhs_hint = false} : vector<10000x128xf32>, vector<128x128xf32>, vector<10000x128xf32> -> vector<10000x128xf32>
    %get3A_12 = arith.constant 0 : index
    %get3A_13 = arith.constant 0 : index
    %get3A_14 = vector.load %arg2[%get3A_12, %get3A_13] : memref<10000x128xf32, #tpu.memory_space<vmem>>, vector<10000x128xf32>
    %add3A_15 = arith.addf %dot_general3A_11, %get3A_14 : vector<10000x128xf32>
    %mul3A = vector.broadcast %get3A_1 : vector<10000x1xf32> to vector<10000x128xf32>
    %mul3A_16 = arith.mulf %mul3A, %add3A_15 : vector<10000x128xf32>
    %get3A_17 = arith.constant 0 : index
    %get3A_18 = arith.constant 0 : index
    %get3A_19 = vector.load %arg4[%get3A_17, %get3A_18] : memref<1x128xf32, #tpu.memory_space<vmem>>, vector<1x128xf32>
    %add3A_20 = vector.broadcast %get3A_19 : vector<1x128xf32> to vector<10000x128xf32>
    %add3A_21 = arith.addf %mul3A_16, %add3A_20 : vector<10000x128xf32>
    %max3A = arith.constant 0.000000e+00 : f32
    %max3A_22 = vector.broadcast %max3A : f32 to vector<10000x128xf32>
    %max3A_23 = arith.maximumf %add3A_21, %max3A_22 : vector<10000x128xf32>
    %get3A_24 = arith.constant 0 : index
    %get3A_25 = arith.constant 0 : index
    %get3A_26 = vector.load %arg5[%get3A_24, %get3A_25] : memref<128x128xf32, #tpu.memory_space<vmem>>, vector<128x128xf32>
    %dot_general3A_27 = arith.constant dense<0.000000e+00> : vector<10000x128xf32>
    %dot_general3A_28 = tpu.matmul %max3A_23, %get3A_26, %dot_general3A_27 {dimension_numbers = #tpu.dot_dimension_numbers<[1], [0], [0], [1], [0, 0, 1, 1], [], []>, transpose_lhs_hint = false} : vector<10000x128xf32>, vector<128x128xf32>, vector<10000x128xf32> -> vector<10000x128xf32>
    %mul3A_29 = vector.broadcast %get3A_1 : vector<10000x1xf32> to vector<10000x128xf32>
    %mul3A_30 = arith.mulf %mul3A_29, %dot_general3A_28 : vector<10000x128xf32>
    %swap3A = arith.constant 0 : index
    %swap3A_31 = arith.constant 0 : index
    %swap3A_32 = vector.load %arg7[%swap3A, %swap3A_31] : memref<10000x128xf32, #tpu.memory_space<vmem>>, vector<10000x128xf32>
    tpu.vector_store %arg7[%swap3A, %swap3A_31], %mul3A_30 {strides = array<i32>} : memref<10000x128xf32, #tpu.memory_space<vmem>>, vector<10000x128xf32>,
    %convert_element_type3A = arith.truncf %mul3A_30 : vector<10000x128xf32> to vector<10000x128xbf16>
    %swap3A_33 = arith.constant 0 : index
    %swap3A_34 = arith.constant 0 : index
    %swap3A_35 = vector.load %arg8[%swap3A_33, %swap3A_34] : memref<10000x128xbf16, #tpu.memory_space<vmem>>, vector<10000x128xbf16>
    tpu.vector_store %arg8[%swap3A_33, %swap3A_34], %convert_element_type3A {strides = array<i32>} : memref<10000x128xbf16, #tpu.memory_space<vmem>>, vector<10000x128xbf16>,
    return
  }
}

module attributes {stable_mosaic.version = 14 : i64} {
  func.func @_head_body(%arg0: memref<10000x128xf32, #tpu.memory_space<vmem>>, %arg1: memref<10000x128xf32, #tpu.memory_space<vmem>>, %arg2: memref<10000x128xf32, #tpu.memory_space<vmem>>, %arg3: memref<10000x1xf32, #tpu.memory_space<vmem>>, %arg4: memref<1x128xf32, #tpu.memory_space<vmem>>, %arg5: memref<10000x16xf32, #tpu.memory_space<vmem>>, %arg6: memref<16x32xf32, #tpu.memory_space<vmem>>, %arg7: memref<1x32xf32, #tpu.memory_space<vmem>>, %arg8: memref<128x64xf32, #tpu.memory_space<vmem>>, %arg9: memref<32x64xf32, #tpu.memory_space<vmem>>, %arg10: memref<1x64xf32, #tpu.memory_space<vmem>>, %arg11: memref<128x128xf32, #tpu.memory_space<vmem>>, %arg12: memref<10000x64xf32, #tpu.memory_space<vmem>>) attributes {dimension_semantics = [], scalar_prefetch = 0 : i64, scratch_operands = 0 : i64, tpu.core_type = #tpu.core_type<tc>} {
    %get3A = arith.constant 0 : index
    %get3A_0 = arith.constant 0 : index
    %get3A_1 = vector.load %arg3[%get3A, %get3A_0] : memref<10000x1xf32, #tpu.memory_space<vmem>>, vector<10000x1xf32>
    %get3A_2 = arith.constant 0 : index
    %get3A_3 = arith.constant 0 : index
    %get3A_4 = vector.load %arg0[%get3A_2, %get3A_3] : memref<10000x128xf32, #tpu.memory_space<vmem>>, vector<10000x128xf32>
    %get3A_5 = arith.constant 0 : index
    %get3A_6 = arith.constant 0 : index
    %get3A_7 = vector.load %arg1[%get3A_5, %get3A_6] : memref<10000x128xf32, #tpu.memory_space<vmem>>, vector<10000x128xf32>
    %add3A = arith.addf %get3A_4, %get3A_7 : vector<10000x128xf32>
    %get3A_8 = arith.constant 0 : index
    %get3A_9 = arith.constant 0 : index
    %get3A_10 = vector.load %arg11[%get3A_8, %get3A_9] : memref<128x128xf32, #tpu.memory_space<vmem>>, vector<128x128xf32>
    %dot_general3A = arith.constant dense<0.000000e+00> : vector<10000x128xf32>
    %dot_general3A_11 = tpu.matmul %add3A, %get3A_10, %dot_general3A {dimension_numbers = #tpu.dot_dimension_numbers<[1], [0], [0], [1], [0, 0, 1, 1], [], []>, transpose_lhs_hint = false} : vector<10000x128xf32>, vector<128x128xf32>, vector<10000x128xf32> -> vector<10000x128xf32>
    %get3A_12 = arith.constant 0 : index
    %get3A_13 = arith.constant 0 : index
    %get3A_14 = vector.load %arg2[%get3A_12, %get3A_13] : memref<10000x128xf32, #tpu.memory_space<vmem>>, vector<10000x128xf32>
    %add3A_15 = arith.addf %dot_general3A_11, %get3A_14 : vector<10000x128xf32>
    %mul3A = vector.broadcast %get3A_1 : vector<10000x1xf32> to vector<10000x128xf32>
    %mul3A_16 = arith.mulf %mul3A, %add3A_15 : vector<10000x128xf32>
    %get3A_17 = arith.constant 0 : index
    %get3A_18 = arith.constant 0 : index
    %get3A_19 = vector.load %arg4[%get3A_17, %get3A_18] : memref<1x128xf32, #tpu.memory_space<vmem>>, vector<1x128xf32>
    %add3A_20 = vector.broadcast %get3A_19 : vector<1x128xf32> to vector<10000x128xf32>
    %add3A_21 = arith.addf %mul3A_16, %add3A_20 : vector<10000x128xf32>
    %get3A_22 = arith.constant 0 : index
    %get3A_23 = arith.constant 0 : index
    %get3A_24 = vector.load %arg5[%get3A_22, %get3A_23] : memref<10000x16xf32, #tpu.memory_space<vmem>>, vector<10000x16xf32>
    %get3A_25 = arith.constant 0 : index
    %get3A_26 = arith.constant 0 : index
    %get3A_27 = vector.load %arg6[%get3A_25, %get3A_26] : memref<16x32xf32, #tpu.memory_space<vmem>>, vector<16x32xf32>
    %dot_general3A_28 = arith.constant dense<0.000000e+00> : vector<10000x32xf32>
    %dot_general3A_29 = tpu.matmul %get3A_24, %get3A_27, %dot_general3A_28 {dimension_numbers = #tpu.dot_dimension_numbers<[1], [0], [0], [1], [0, 0, 1, 1], [], []>, transpose_lhs_hint = false} : vector<10000x16xf32>, vector<16x32xf32>, vector<10000x32xf32> -> vector<10000x32xf32>
    %get3A_30 = arith.constant 0 : index
    %get3A_31 = arith.constant 0 : index
    %get3A_32 = vector.load %arg7[%get3A_30, %get3A_31] : memref<1x32xf32, #tpu.memory_space<vmem>>, vector<1x32xf32>
    %add3A_33 = vector.broadcast %get3A_32 : vector<1x32xf32> to vector<10000x32xf32>
    %add3A_34 = arith.addf %dot_general3A_29, %add3A_33 : vector<10000x32xf32>
    %get3A_35 = arith.constant 0 : index
    %get3A_36 = arith.constant 0 : index
    %get3A_37 = vector.load %arg8[%get3A_35, %get3A_36] : memref<128x64xf32, #tpu.memory_space<vmem>>, vector<128x64xf32>
    %dot_general3A_38 = arith.constant dense<0.000000e+00> : vector<10000x64xf32>
    %dot_general3A_39 = tpu.matmul %add3A_21, %get3A_37, %dot_general3A_38 {dimension_numbers = #tpu.dot_dimension_numbers<[1], [0], [0], [1], [0, 0, 1, 1], [], []>, transpose_lhs_hint = false} : vector<10000x128xf32>, vector<128x64xf32>, vector<10000x64xf32> -> vector<10000x64xf32>
    %get3A_40 = arith.constant 0 : index
    %get3A_41 = arith.constant 0 : index
    %get3A_42 = vector.load %arg9[%get3A_40, %get3A_41] : memref<32x64xf32, #tpu.memory_space<vmem>>, vector<32x64xf32>
    %dot_general3A_43 = arith.constant dense<0.000000e+00> : vector<10000x64xf32>
    %dot_general3A_44 = tpu.matmul %add3A_34, %get3A_42, %dot_general3A_43 {dimension_numbers = #tpu.dot_dimension_numbers<[1], [0], [0], [1], [0, 0, 1, 1], [], []>, transpose_lhs_hint = false} : vector<10000x32xf32>, vector<32x64xf32>, vector<10000x64xf32> -> vector<10000x64xf32>
    %add3A_45 = arith.addf %dot_general3A_39, %dot_general3A_44 : vector<10000x64xf32>
    %get3A_46 = arith.constant 0 : index
    %get3A_47 = arith.constant 0 : index
    %get3A_48 = vector.load %arg10[%get3A_46, %get3A_47] : memref<1x64xf32, #tpu.memory_space<vmem>>, vector<1x64xf32>
    %add3A_49 = vector.broadcast %get3A_48 : vector<1x64xf32> to vector<10000x64xf32>
    %add3A_50 = arith.addf %add3A_45, %add3A_49 : vector<10000x64xf32>
    %max3A = arith.constant 0.000000e+00 : f32
    %max3A_51 = vector.broadcast %max3A : f32 to vector<10000x64xf32>
    %max3A_52 = arith.maximumf %add3A_50, %max3A_51 : vector<10000x64xf32>
    %swap3A = arith.constant 0 : index
    %swap3A_53 = arith.constant 0 : index
    %swap3A_54 = vector.load %arg12[%swap3A, %swap3A_53] : memref<10000x64xf32, #tpu.memory_space<vmem>>, vector<10000x64xf32>
    tpu.vector_store %arg12[%swap3A, %swap3A_53], %max3A_52 {strides = array<i32>} : memref<10000x64xf32, #tpu.memory_space<vmem>>, vector<10000x64xf32>,
    return
  }
}

</mosaic_0001>

<sc_bundles>
// kernel: kernel.11.cloned.1.call-start
scs
__scs_entry_jumppad:
0x0: {  	(pc) =	sbr.rel $0x88, $3  }
0x1: {  	(tag) =	ssettag $0x0;
	lr =	simm.s32 $0x1  }
0x2: {  	[smem:$0x3F95] =	sst lr;
	_ =	strace $0xD0000000  }
0x3: {  	_ = 	snop  }
0x4: {  	_ = 	snop  }
0x5: {  	_ = 	snop  }
0x6: {  	_ = 	snop  }
0x7: {  	_ = 	snop  }
__scs_overlays_trampoline_lowered:
0x8: {  	[smem:$0x3FA4] =	sst s0  }
0x9: {  	[smem:$0x3FA5] =	sst s1  }
0xa: {  	[smem:$0x3FA6] =	sst s2  }
0xb: {  	[smem:$0x3FA7] =	sst s3  }
0xc: {  	[smem:$0x3FA8] =	sst s4  }
0xd: {  	[smem:$0x3FA9] =	sst s5  }
0xe: {  	[smem:$0x3FAA] =	sst s6  }
0xf: {  	[smem:$0x3FAB] =	sst s7  }
0x10: {  	[smem:$0x3FAC] =	sst s8  }
0x11: {  	[smem:$0x3FAD] =	sst s9;
	s0 =	simm.s32 @!p0 $0x0  }
0x12: {  	s1 =	sld [smem:$0x3F93];
	s0 =	simm.s32 @p0 $0x1  }
0x13: {  	[smem:$0x3FAE] =	sst s0;
	s0 =	simm.s32 @!p1 $0x0  }
0x14: {  	s2 =	sld [smem:$0x3F92];
	s0 =	simm.s32 @p1 $0x1  }
0x15: {  	[smem:$0x3FAF] =	sst s0;
	s0 =	simm.s32 @!p2 $0x0  }
0x16: {  	s3 =	sld [smem:$0x3FDB];
	s0 =	simm.s32 @p2 $0x1  }
0x17: {  	s4 =	simm.s32 $0x1BF5;
	[smem:$0x3FB1] =	sst s0  }
0x18: {  	s0 =	sld [smem:$0x3F94];
	_ =	swait.ge [sflag:s4], $0x0  }
0x19: {  	s7 =	sld [smem:$0x3F95]  }
0x1a: {  	s8 =	sadd.s32 $0xFFFFE003, lr  }
0x1b: {  	s9 =	sadd.s32 $0xFFFFFEF7, lr;
	s5 =	simm.s32 $0xFFFFFFFF;
	p2 =	slt.u32 s8, $0xFFFFF086  }
0x1c: {  	p1 =	slt.u32 s9, $0xF7A;
	s5 =	simm.s32 @!p2 $0x0  }
0x1d: {  	s5 =	simm.s32 @p1 $0x1;
	p0 =	seq.s32 s7, s2  }
0x1e: {  	s7 =	smul.u32 @!p0 $0xF7A, s2;
	p2 =	seq.s32 @!p0 s5, $0x0  }
0x1f: {  	s9 =	smul.u32 $0xF7A, s1;
	s8 =	simm.s32 @!p0 $0x1BF5;
	p2 =	por !p2, p0  }
0x20: {  	[sflag:s8] =	ssyncset.s32 @!p0 $0xFFFFF086;
	s6 =	sadd.s32 @!p0 s3, s7;
	s7 =	simm.s32 @!p0 $0x108  }
0x21: {  	s3 =	sadd.s32 s3, s9;
	s6 =	sadd.s32 @!p0 $0x88, s6;
	s7 =	simm.s32 @p2 $0x1082  }
0x22: {  	[simem:s7], [sflag:s8] =	dma.local @!p0 [hbm:s6], $0xF7A  }
0x23: {  	s9 =	sor.u32 $0xD0000000, s2;
	s6 =	simm.s32 $0x108;
	_ =	swait.ge @!p0 [sflag:s8], $0x0  }
0x24: {  	s3 =	sadd.s32 $0x88, s3;
	s6 =	simm.s32 @!p1 $0x1082;
	[sflag:s4] =	ssyncset.s32 $0xFFFFF086  }
0x25: {  	[simem:s6], [sflag:s4] =	dma.local [hbm:s3], $0xF7A  }
0x26: {  	[smem:$0x3F95] =	sst s1;
	(tag) =	ssettag s2;
	_ =	strace s9  }
0x27: {  	s1 =	sld [smem:$0x3FA5]  }
0x28: {  	s2 =	sld [smem:$0x3FA6]  }
0x29: {  	s4 =	sld [smem:$0x3FA8]  }
0x2a: {  	p0 =	seq.s32 s5, $0x0;
	s5 =	sld [smem:$0x3FA9]  }
0x2b: {  	s6 =	sld [smem:$0x3FAA]  }
0x2c: {  	s7 =	sld [smem:$0x3FAB]  }
0x2d: {  	s3 =	simm.s32 $0x108;
	s8 =	sld [smem:$0x3FAC]  }
0x2e: {  	s3 =	simm.s32 @!p0 $0x1082;
	s9 =	sld [smem:$0x3FAD]  }
0x2f: {  	lr =	sadd.s32 s0, s3;
	s0 =	sld [smem:$0x3FA4]  }
0x30: {  	s3 =	sld [smem:$0x3FA7]  }
0x31: {  	[smem:$0x3FB0] =	sst s10  }
0x32: {  	s10 =	sld [smem:$0x3FAE];
	_ =	sdelay $0x3  }
0x33: {  	p0 =	seq.s32 s10, $0x1;
	s10 =	sld [smem:$0x3FB0];
	_ =	sdelay $0x3  }
0x34: {  	[smem:$0x3FB0] =	sst s10  }
0x35: {  	s10 =	sld [smem:$0x3FAF];
	_ =	sdelay $0x3  }
0x36: {  	p1 =	seq.s32 s10, $0x1;
	s10 =	sld [smem:$0x3FB0];
	_ =	sdelay $0x3  }
0x37: {  	[smem:$0x3FB0] =	sst s10  }
0x38: {  	s10 =	sld [smem:$0x3FB1]  }
0x39: {  	_ = 	snop;
	(pc) =	sbr.ind lr, $3  }
0x3a: {  	_ = 	snop  }
0x3b: {  	_ = 	snop  }
0x3c: {  	p2 =	seq.s32 s10, $0x1;
	s10 =	sld [smem:$0x3FB0]  }
0x3d: {  	_ =	shalt  }
0x3e: {  	_ =	shalt  }
0x3f: {  	_ =	shalt  }
0x40: {  	_ =	shalt  }
0x41: {  	_ =	shalt  }
0x42: {  	_ =	shalt  }
0x43: {  	_ =	shalt  }
0x44: {  	_ =	shalt  }
0x45: {  	_ =	shalt  }
0x46: {  	_ =	shalt  }
0x47: {  	_ =	shalt  }
0x48: {  	_ =	shalt  }
0x49: {  	_ =	shalt  }
0x4a: {  	_ =	shalt  }
0x4b: {  	_ =	shalt  }
0x4c: {  	_ =	shalt  }
0x4d: {  	_ =	shalt  }
0x4e: {  	_ =	shalt  }
0x4f: {  	_ =	shalt  }
0x50: {  	_ =	shalt  }
0x51: {  	_ =	shalt  }
0x52: {  	_ =	shalt  }
0x53: {  	_ =	shalt  }
0x54: {  	_ =	shalt  }
0x55: {  	_ =	shalt  }
0x56: {  	_ =	shalt  }
0x57: {  	_ =	shalt  }
0x58: {  	_ =	shalt  }
0x59: {  	_ =	shalt  }
0x5a: {  	_ =	shalt  }
0x5b: {  	_ =	shalt  }
0x5c: {  	_ =	shalt  }
0x5d: {  	_ =	shalt  }
0x5e: {  	_ =	shalt  }
0x5f: {  	_ =	shalt  }
0x60: {  	_ =	shalt  }
0x61: {  	_ =	shalt  }
0x62: {  	_ =	shalt  }
0x63: {  	_ =	shalt  }
0x64: {  	_ =	shalt  }
0x65: {  	_ =	shalt  }
0x66: {  	_ =	shalt  }
0x67: {  	_ =	shalt  }
0x68: {  	_ =	shalt  }
0x69: {  	_ =	shalt  }
0x6a: {  	_ =	shalt  }
0x6b: {  	_ =	shalt  }
0x6c: {  	_ =	shalt  }
0x6d: {  	_ =	shalt  }
0x6e: {  	_ =	shalt  }
0x6f: {  	_ =	shalt  }
0x70: {  	_ =	shalt  }
0x71: {  	_ =	shalt  }
0x72: {  	_ =	shalt  }
0x73: {  	_ =	shalt  }
0x74: {  	_ =	shalt  }
0x75: {  	_ =	shalt  }
0x76: {  	_ =	shalt  }
0x77: {  	_ =	shalt  }
0x78: {  	_ =	shalt  }
0x79: {  	_ =	shalt  }
0x7a: {  	_ =	shalt  }
0x7b: {  	_ =	shalt  }
0x7c: {  	_ =	shalt  }
0x7d: {  	_ =	shalt  }
0x7e: {  	_ =	shalt  }
0x7f: {  	_ =	shalt  }
0x80: {  	_ =	shalt  }
0x81: {  	_ =	shalt  }
0x82: {  	_ =	shalt  }
0x83: {  	_ =	shalt  }
0x84: {  	_ =	shalt  }
0x85: {  	_ =	shalt  }
0x86: {  	_ =	shalt  }
0x87: {  	_ =	shalt  }
.Lfunc_end0:
.L_simem_size_0:
called_computation.1_lowered:
.L_overlay_start_0:
0x88: {  	s2 =	sld [smem:$0x3FD9]  }
0x89: {  	s3 =	sld [smem:$0x3FFE];
	_ =	sdelay $0x1  }
0x8a: {  	s1 =	srdreg.scid  }
0x8b: {  	s0 =	sand.u32 $0x1, s1  }
0x8c: {  	s17 =	sshll.u32 s0, $0xA;
	s2 =	sadd.s32 s3, s2  }
0x8d: {  	s2 =	sadd.s32 s2, s17  }
0x8e: {  	[smem:$0x3FBC] =	sst s2  }
0x8f: {  	_ = 	snop  }
0x90: {  	s2 =	sld [smem:$0x3FD0];
	(tm) =	ssettm $0x1  }
0x91: {  	s18 =	sld [smem:$0x3FFB];
	_ =	sdelay $0x3  }
0x92: {  	_ =	strace s18  }
0x93: {  	s3 =	sld [smem:$0x3FFC];
	_ =	sdelay $0x3  }
0x94: {  	_ =	strace s3  }
0x95: {  	s3 =	sld [smem:$0x3FFD];
	_ =	sdelay $0x3  }
0x96: {  	_ =	strace s3  }
0x97: {  	_ =	strace $0x8FFFFFFF  }
0x98: {  	s19 =	sld [smem:$0x3FDB];
	_ =	sdelay $0x1  }
0x99: {  	s4 =	simm.s32 $_scs_section_size  }
0x9a: {  	s5 =	simm.s32 $_size__tile_overlayer_lowered;
	s6 =	simm.s32 $_tile_overlayer_lowered  }
0x9b: {  	s22 =	simm.s32 $0x1BFF;
	s21 =	sshll.u32 s6, $0x1;
	s3 =	sadd.s32 s4, s19  }
0x9c: {  	s7 =	simm.s32 $0x0;
	s20 =	sshll.u32 s5, $0x1;
	s5 =	sadd.s32 s21, s3  }
0x9d: {  	[timem:s7], [sflag:s22] =	dma.local [hbm:s5], s20  }
0x9e: {  	_ =	swait.ge [sflag:s22], s20  }
0x9f: {  	s4 =	ssub.s32 $0x0, s20;
	[sflag:s22] =	ssyncset.done $0x0  }
0xa0: {  	[sflag:s22] =	ssyncadd.s32 s4;
	_ =	sdelay $0x1  }
0xa1: {  	s23 =	simm.s32 $0x1B8B  }
0xa2: {  	_ =	swait.ge [sflag:s23], $0x1  }
0xa3: {  	[sflag:s23] =	ssyncset.done $0x0  }
0xa4: {  	s25 =	simm.s32 $0x1B8E;
	s24 =	sld [smem:$0x3FFE];
	[sflag:s23] =	ssyncadd.s32 $0xFFFFFFFF  }
0xa5: {  	s26 =	simm.s32 $execute0_lowered;
	[smem:$0x3FD2] =	sst s25  }
0xa6: {  	s5 =	sshll.u32 s26, $0x1;
	_ =	strace $0x80000049;
	[dreg:$0x1] =	wrdreg $0xFFFFFFFF  }
0xa7: {  	s28 =	simm.s32 $_size_execute0_lowered;
	s3 =	sadd.s32 s3, s5;
	[dreg:$0x0] =	wrdreg $0x0  }
0xa8: {  	s5 =	sshll.u32 s28, $0x1;
	[dreg:$0x2] =	wrdreg s3  }
0xa9: {  	[dreg:$0x3] =	wrdreg s5  }
0xaa: {  	[dreg:$0x4] =	wrdreg $0xC0  }
0xab: {  	_ =	task [dreg:s7], $0x5FFFF  }
0xac: {  	[dreg:$0x1] =	wrdreg $0xFFFFFFFF  }
0xad: {  	[dreg:$0x0] =	wrdreg $0x60  }
0xae: {  	[dreg:$0x2] =	wrdreg s2  }
0xaf: {  	[dreg:$0x3] =	wrdreg s24  }
0xb0: {  	[dreg:$0x4] =	wrdreg $0x98800  }
0xb1: {  	[dreg:$0x5] =	wrdreg $0x9  }
0xb2: {  	_ =	task.clear_ibuf [dreg:s7], $0x6FFFF;
	_ =	strace $0x90000049  }
0xb3: {  	s29 =	simm.s32 $0x9;
	_ =	strace $0x8000004B  }
0xb4: {  	_ =	swait.ge [sflag:s29], $0x1  }
0xb5: {  	[sflag:s29] =	ssyncadd.s32 $0xFFFFFFFF  }
0xb6: {  	_ =	strace $0x9000004B  }
0xb7: {  	_ =	sfence  }
0xb8: {  	s30 =	sld [smem:$0x0];
	_ =	sdelay $0x2  }
0xb9: {  	s31 =	sshll.u32 s1, $0xD;
	s1 =	sshrl.u32 s1, $0x2  }
0xba: {  	s3 =	sand.u32 $0x4000, s31;
	s1 =	sadd.s32 s1, s30  }
0xbb: {  	s0 =	sor.u32 s3, s0;
	s1 =	sshll.u32 s1, $0x11  }
0xbc: {  	s0 =	sor.u32 s1, s0  }
0xbd: {  	s0 =	sadd.s32 $0x8F2B, s0  }
0xbe: {  	[sflag:s0] =	ssyncadd.remote.s32 $0x1  }
0xbf: {  	_ =	sfence.sel $0xFFFF  }
0xc0: {  	[dreg:$0x0] =	wrdreg $0xFFFFFFFF;
	(pc) =	sbr.abs _section_cstart, $3  }
0xc1: {  	[dreg:$0x1] =	wrdreg $0xFFFFFFFF  }
0xc2: {  	_ =	task.clear_ibuf [dreg:s7], $0x2FFFF;
	_ =	strace $0x9FFFFFFF  }
0xc3: {  	(tm) =	ssettm $0x7FFFFFFF  }
tec
execute0_lowered:
.L_overlay_start_1:
0x0: {  	(tag) =	ssettag $0x1  }
0x1: {  	s1 =	rddreg [dreg:$0x0]  }
0x2: {  	s0 =	rddreg [dreg:$0x1]  }
0x3: {  	s3 =	rddreg [dreg:$0x2];
	s4 =	simm.s32 $0x0  }
0x4: {  	s14 =	stileid.u32;
	s2 =	srdreg.scid;
	s15 =	simm.s32 $0x800  }
0x5: {  	s16 =	simm.s32 $0x1000;
	s17 =	simm.s32 $0x80;
	s18 =	simm.s32 $0x1880  }
0x6: {  	s19 =	simm.s32 $0x1;
	s20 =	simm.s32 $0x3880;
	s21 =	simm.s32 $0x1800  }
0x7: {  	s22 =	simm.s32 $0x5880;
	s23 =	simm.s32 $0x2;
	s25 =	simm.s32 $0x0  }
0x8: {  	[smem:$0x7FF] =	sst s4;
	s8 =	smul.u32 $0x14000, s14;
	s2 =	sand.u32 $0x1, s2  }
0x9: {  	s5 =	sadd.s32 $0x21C00, s0;
	s6 =	sadd.s32 $0x2C00, s0;
	s7 =	sadd.s32 $0x16C00, s0  }
0xa: {  	s13 =	sshll.u32 s14, $0x1;
	s30 =	sshll.u32 s14, $0x6;
	s14 =	simm.s32 $0x3  }
0xb: {  	_ =	strace $0x8000004A;
	s9 =	smul.u32 $0x140000, s2;
	s11 =	ssub.s32 $0x2, s2  }
0xc: {  	s2 =	sor.u32 s2, s13;
	s10 =	sshrl.u32 s8, $0x3;
	s12 =	sshrl.u32 s11, $0x1  }
0xd: {  	s10 =	sadd.s32 s10, s0;
	s9 =	sadd.s32 s8, s9;
	s11 =	ssub.s32 s11, s12  }
0xe: {  	s8 =	sadd.s32 s8, s3;
	s9 =	sshrl.u32 s9, $0x3;
	s29 =	sadd.s32 $0x52E00, s10  }
0xf: {  	s31 =	smax.u32 s11, $0x1;
	s0 =	sadd.s32 s9, s0;
	[dreg:$0x4] =	wrdreg s29  }
0x10: {  	s10 =	smul.u32 $0x2800, s2;
	[dreg:$0x6] =	wrdreg s31;
	s0 =	sadd.s32 $0x7AE00, s0  }
0x11: {  	s13 =	sshrl.u32 s8, $0x3;
	s9 =	sor.u32 $0x1C03, s30;
	[dreg:$0x5] =	wrdreg s0  }
.LBB2_1:
0x12: {  	s0 =	rddreg [dreg:$0x4]  }
0x13: {  	[spmem:s13], [sflag:s9] =	dma.local [hbm:s0], $0x2800  }
0x14: {  	_ =	swait.ge [sflag:s14], $0x2800  }
0x15: {  	[sflag:s14] =	ssyncset.done $0x0  }
0x16: {  	[sflag:s14] =	ssyncadd.s32 $0xFFFFD800  }
0x17: {  	s24 =	simm.s32 $0x0;
	[bflag:$0x0] =	sbarrier.arrive $0xFFFF  }
.LBB2_2:
0x18: {  	s0 =	sshll.u32 s24, $0xB  }
0x19: {  	s0 =	sadd.s32 s10, s0  }
0x1a: {  	s0 =	sshrl.u32 s0, $0x3  }
0x1b: {  	s2 =	sadd.s32 s6, s0  }
0x1c: {  	[tilespmem:s25], [sflag:$0x3] =	stream.linear.gather [hbm4b:s2+s25], $0x800, $0x38;
	[tilespmem:$0x1D880] =	vst v63  }
0x1d: {  	_ =	swait.ge [sflag:s14], $0x800  }
0x1e: {  	[sflag:s14] =	ssyncset.done $0x0  }
0x1f: {  	s31 =	sadd.s32 s7, s0;
	[sflag:s14] =	ssyncadd.s32 $0xFFFFF800  }
0x20: {  	[tilespmem:s15], [sflag:$0x3] =	stream.linear.gather [hbm4b:s31+s25], $0x800, $0x38;
	[tilespmem:$0x1D880] =	vst v63  }
0x21: {  	_ =	swait.ge [sflag:s14], $0x800  }
0x22: {  	[sflag:s14] =	ssyncset.done $0x0  }
0x23: {  	s0 =	sadd.s32 s5, s0;
	[sflag:s14] =	ssyncadd.s32 $0xFFFFF800  }
0x24: {  	[tilespmem:s16], [sflag:$0x3] =	stream.linear.gather [hbm4b:s0+s25], $0x800, $0x38;
	[tilespmem:$0x1D880] =	vst v63  }
0x25: {  	_ =	swait.ge [sflag:s14], $0x800  }
0x26: {  	[sflag:s14] =	ssyncset.done $0x0  }
0x27: {  	s26 =	simm.s32 $0x0;
	[sflag:s14] =	ssyncadd.s32 $0xFFFFF800  }
0x28: {  	[tilespmem:s18], [sflag:$0x1] =	stream.indirect.gather [hbm4b:s1+s17], $0x40, s16, s17, $0xb8;
	[tilespmem:$0x1D880] =	vst v63  }
.LBB2_3:
0x29: {  	_ =	swait.ge [sflag:s19], $0x2000  }
0x2a: {  	s29 =	sshll.u32 s26, $0x8;
	[sflag:s19] =	ssyncset.done $0x0  }
0x2b: {  	s0 =	sadd.s32 $0x1080, s29;
	[sflag:s19] =	ssyncadd.s32 $0xFFFFE000  }
0x2c: {  	[tilespmem:s20], [sflag:$0x2] =	stream.indirect.gather [hbm4b:s1+s17], $0x40, s0, s17, $0xb8;
	[tilespmem:$0x1D880] =	vst v63  }
0x2d: {  	v0 =	vld [tilespmem:s29+$0x800];
	_ =	sdelay $0x4  }
0x2e: {  	[tilespmem:$0x1800] =	vst v0  }
0x2f: {  	v0 =	vld [tilespmem:s29+$0x810];
	_ =	sdelay $0x4  }
0x30: {  	[tilespmem:$0x1810] =	vst v0  }
0x31: {  	v0 =	vld [tilespmem:s29+$0x820];
	_ =	sdelay $0x4  }
0x32: {  	[tilespmem:$0x1820] =	vst v0  }
0x33: {  	v0 =	vld [tilespmem:s29+$0x830];
	_ =	sdelay $0x4  }
0x34: {  	[tilespmem:$0x1830] =	vst v0  }
0x35: {  	v0 =	vld [tilespmem:s29+$0x840];
	_ =	sdelay $0x4  }
0x36: {  	[tilespmem:$0x1840] =	vst v0  }
0x37: {  	v0 =	vld [tilespmem:s29+$0x850];
	_ =	sdelay $0x4  }
0x38: {  	[tilespmem:$0x1850] =	vst v0  }
0x39: {  	v0 =	vld [tilespmem:s29+$0x860];
	_ =	sdelay $0x4  }
0x3a: {  	s2 =	simm.s32 $0x2;
	[tilespmem:$0x1860] =	vst v0  }
0x3b: {  	v0 =	vmov s2;
	v1 =	vld [tilespmem:s29+$0x870]  }
0x3c: {  	v0 =	vand.u32 $0xFFFFFFFE, v0  }
0x3d: {  	s8 =	simm.s32 $0x1;
	v0 =	vbroadcast v0, $0x0  }
0x3e: {  	v2 =	vmov s8  }
0x3f: {  	v2 =	vand.u32 $0xFFFFFFFD, v2  }
0x40: {  	v2 =	vbroadcast v2, $0x0;
	[tilespmem:$0x1870] =	vst v1;
	v1 =	vmov s25  }
0x41: {  	s8 =	simm.s32 $0x1900;
	v1 =	vand.u32 $0xFFFFFFFC, v1  }
0x42: {  	v3 =	vld [tilespmem:s8+$0x0];
	v1 =	vbroadcast v1, $0x0  }
0x43: {  	s11 =	simm.s32 $0x3;
	v7 =	vld.idx.msk [tilespmem:v0+s21+$0x0], $0xffff  }
0x44: {  	v0 =	vmov s11  }
0x45: {  	v8 =	vld [tilespmem:s8+$0xFFFFFFC0]  }
0x46: {  	v6 =	vld.idx.msk [tilespmem:v2+s21+$0x0], $0xffff  }
0x47: {  	v9 =	vld [tilespmem:s8+$0xFFFFFF80];
	v2 =	vunpack.i.l.bf16.f32 v3  }
0x48: {  	v3 =	vunpack.i.u.bf16.f32 v3;
	v2 =	vmul.f32 v2, v7;
	v5 =	vld.idx.msk [tilespmem:v1+s21+$0x0], $0xffff  }
0x49: {  	s30 =	simm.s32 $0x5980;
	v4 =	vld.idx.msk [tilespmem:v0+s21+$0x0], $0xffff;
	v1 =	vmul.f32 v3, v7  }
0x4a: {  	v0 =	vunpack.i.l.bf16.f32 v8;
	v3 =	vld [tilespmem:s8+$0x40];
	[tilespmem:s30+$0x0] =	vst v2  }
0x4b: {  	v0 =	vmul.f32 v0, v6;
	[tilespmem:s30+$0x10] =	vst v1;
	v1 =	vunpack.i.u.bf16.f32 v8  }
0x4c: {  	v8 =	vunpack.i.l.bf16.f32 v9;
	v2 =	vld [tilespmem:s8+$0x10];
	v1 =	vmul.f32 v1, v6  }
0x4d: {  	v9 =	vunpack.i.u.bf16.f32 v9;
	[tilespmem:s30+$0xFFFFFF80] =	vst v0;
	v8 =	vmul.f32 v8, v5  }
0x4e: {  	v9 =	vmul.f32 v9, v5;
	[tilespmem:s30+$0xFFFFFF90] =	vst v1  }
0x4f: {  	v0 =	vunpack.i.l.bf16.f32 v3;
	v1 =	vunpack.i.u.bf16.f32 v3;
	v3 =	vld [tilespmem:s8+$0xFFFFFFD0];
	[tilespmem:s30+$0xFFFFFF00] =	vst v8  }
0x50: {  	v0 =	vmul.f32 v0, v4;
	[tilespmem:s30+$0xFFFFFF10] =	vst v9  }
0x51: {  	v1 =	vmul.f32 v1, v4;
	v8 =	vunpack.i.l.bf16.f32 v2;
	v9 =	vld [tilespmem:s8+$0xFFFFFF90]  }
0x52: {  	[tilespmem:s30+$0x80] =	vst v0;
	v0 =	vunpack.i.u.bf16.f32 v2;
	v2 =	vmul.f32 v8, v7  }
0x53: {  	[tilespmem:s30+$0x90] =	vst v1;
	v0 =	vmul.f32 v0, v7  }
0x54: {  	v1 =	vld [tilespmem:s8+$0x50];
	[tilespmem:s30+$0x20] =	vst v2;
	v2 =	vunpack.i.l.bf16.f32 v3  }
0x55: {  	[tilespmem:s30+$0x30] =	vst v0;
	v0 =	vunpack.i.u.bf16.f32 v3;
	v2 =	vmul.f32 v2, v6  }
0x56: {  	s12 =	simm.s32 $0x4;
	v3 =	vld [tilespmem:s8+$0x20];
	v0 =	vmul.f32 v0, v6;
	v10 =	vunpack.i.l.bf16.f32 v9  }
0x57: {  	v8 =	vmov s12;
	v9 =	vunpack.i.u.bf16.f32 v9;
	v10 =	vmul.f32 v10, v5;
	[tilespmem:s30+$0xFFFFFFA0] =	vst v2  }
0x58: {  	s2 =	simm.s32 $0x7;
	v2 =	vand.u32 $0xFFFFFFFC, v8;
	v8 =	vmul.f32 v9, v5;
	[tilespmem:s30+$0xFFFFFFB0] =	vst v0  }
0x59: {  	v11 =	vmov s2;
	s2 =	simm.s32 $0x6;
	v0 =	vunpack.i.l.bf16.f32 v1;
	v1 =	vunpack.i.u.bf16.f32 v1;
	[tilespmem:s30+$0xFFFFFF20] =	vst v10  }
0x5a: {  	v9 =	vld [tilespmem:s8+$0xFFFFFFE0];
	v0 =	vmul.f32 v0, v4;
	v1 =	vmul.f32 v1, v4;
	v10 =	vmov s2;
	[tilespmem:s30+$0xFFFFFF30] =	vst v8  }
0x5b: {  	v2 =	vbroadcast v2, $0x0;
	v8 =	vand.u32 $0xFFFFFFFE, v10;
	v10 =	vunpack.i.l.bf16.f32 v3;
	v12 =	vld [tilespmem:s8+$0xFFFFFFA0]  }
0x5c: {  	s0 =	simm.s32 $0x1A00;
	s11 =	simm.s32 $0x5;
	[tilespmem:s30+$0xA0] =	vst v0;
	v0 =	vunpack.i.u.bf16.f32 v3;
	v8 =	vbroadcast v8, $0x0;
	v3 =	vmul.f32 v10, v7  }
0x5d: {  	v14 =	vld [tilespmem:s0+$0x0];
	[tilespmem:s30+$0xB0] =	vst v1;
	v10 =	vmov s11;
	v1 =	vmul.f32 v0, v7  }
0x5e: {  	v0 =	vand.u32 $0xFFFFFFFD, v10;
	v10 =	vld [tilespmem:s8+$0x60];
	[tilespmem:s30+$0x40] =	vst v3  }
0x5f: {  	v13 =	vbroadcast v0, $0x0;
	v0 =	vld.idx.msk [tilespmem:v11+s21+$0x0], $0xffff;
	v3 =	vunpack.i.l.bf16.f32 v9;
	[tilespmem:s30+$0x50] =	vst v1;
	v1 =	vunpack.i.u.bf16.f32 v9  }
0x60: {  	v3 =	vmul.f32 v3, v6;
	v9 =	vld [tilespmem:s8+$0x30];
	v11 =	vmul.f32 v1, v6;
	v1 =	vunpack.i.l.bf16.f32 v12  }
0x61: {  	v15 =	vmul.f32 v1, v5;
	v1 =	vld.idx.msk [tilespmem:v2+s21+$0x0], $0xffff  }
0x62: {  	v12 =	vunpack.i.u.bf16.f32 v12;
	[tilespmem:s30+$0xFFFFFFC0] =	vst v3;
	v3 =	vld.idx.msk [tilespmem:v8+s21+$0x0], $0xffff  }
0x63: {  	[tilespmem:s30+$0xFFFFFFD0] =	vst v11;
	v8 =	vmul.f32 v12, v5;
	v2 =	vunpack.i.l.bf16.f32 v10;
	v12 =	vld [tilespmem:s0+$0xFFFFFFC0]  }
0x64: {  	v10 =	vunpack.i.u.bf16.f32 v10;
	[tilespmem:s30+$0xFFFFFF40] =	vst v15;
	v11 =	vmul.f32 v2, v4;
	v15 =	vld [tilespmem:s0+$0x40]  }
0x65: {  	v10 =	vmul.f32 v10, v4;
	v2 =	vld.idx.msk [tilespmem:v13+s21+$0x0], $0xffff;
	[tilespmem:s30+$0xFFFFFF50] =	vst v8;
	v8 =	vunpack.i.u.bf16.f32 v9  }
0x66: {  	v13 =	vld [tilespmem:s0+$0xFFFFFF80];
	[tilespmem:s30+$0xC0] =	vst v11;
	v8 =	vmul.f32 v8, v7;
	v11 =	vunpack.i.l.bf16.f32 v14  }
0x67: {  	[tilespmem:s30+$0xD0] =	vst v10;
	v10 =	vunpack.i.u.bf16.f32 v14;
	v11 =	vmul.f32 v11, v3  }
0x68: {  	s2 =	simm.s32 $0x5B80;
	v9 =	vunpack.i.l.bf16.f32 v9;
	v14 =	vld [tilespmem:s8+$0xFFFFFFF0];
	[tilespmem:s30+$0x70] =	vst v8;
	v8 =	vmul.f32 v10, v3  }
0x69: {  	v7 =	vmul.f32 v9, v7;
	v9 =	vld [tilespmem:s8+$0xFFFFFFB0];
	v10 =	vunpack.i.l.bf16.f32 v12;
	[tilespmem:s2+$0x0] =	vst v11  }
0x6a: {  	v12 =	vunpack.i.u.bf16.f32 v12;
	v16 =	vunpack.i.u.bf16.f32 v15;
	v10 =	vmul.f32 v10, v2;
	[tilespmem:s2+$0x10] =	vst v8  }
0x6b: {  	[tilespmem:s30+$0x60] =	vst v7;
	v8 =	vunpack.i.l.bf16.f32 v13;
	v7 =	vmul.f32 v12, v2;
	v13 =	vunpack.i.u.bf16.f32 v13;
	v12 =	vld [tilespmem:s0+$0x10]  }
0x6c: {  	v11 =	vld [tilespmem:s8+$0x70];
	v8 =	vmul.f32 v8, v1;
	v13 =	vmul.f32 v13, v1;
	[tilespmem:s2+$0xFFFFFF80] =	vst v10;
	v10 =	vunpack.i.l.bf16.f32 v15  }
0x6d: {  	v15 =	vunpack.i.u.bf16.f32 v14;
	[tilespmem:s2+$0xFFFFFF90] =	vst v7;
	v7 =	vunpack.i.l.bf16.f32 v14;
	v14 =	vmul.f32 v16, v0  }
0x6e: {  	v17 =	vunpack.i.u.bf16.f32 v9;
	v10 =	vmul.f32 v10, v0;
	v16 =	vld [tilespmem:s0+$0xFFFFFFD0];
	[tilespmem:s2+$0xFFFFFF10] =	vst v13;
	v13 =	vmul.f32 v7, v6  }
0x6f: {  	s11 =	simm.s32 $0xB;
	[tilespmem:s2+$0xFFFFFF00] =	vst v8;
	v8 =	vunpack.i.l.bf16.f32 v9;
	v15 =	vmul.f32 v15, v6;
	v7 =	vmul.f32 v17, v5  }
0x70: {  	v18 =	vld [tilespmem:s0+$0xFFFFFF90];
	v8 =	vmul.f32 v8, v5;
	[tilespmem:s2+$0x90] =	vst v14;
	v14 =	vmov s11;
	v6 =	vunpack.i.l.bf16.f32 v12  }
0x71: {  	v9 =	vunpack.i.u.bf16.f32 v11;
	[tilespmem:s2+$0x80] =	vst v10;
	v10 =	vunpack.i.u.bf16.f32 v12;
	v12 =	vmul.f32 v6, v3  }
0x72: {  	s12 =	simm.s32 $0x8;
	[tilespmem:s30+$0xFFFFFFE0] =	vst v13;
	v5 =	vmul.f32 v9, v4;
	v6 =	vunpack.i.l.bf16.f32 v11;
	v10 =	vmul.f32 v10, v3;
	v11 =	vld [tilespmem:s0+$0x50]  }
0x73: {  	v9 =	vmov s12;
	v6 =	vmul.f32 v6, v4;
	v4 =	vunpack.i.l.bf16.f32 v16;
	[tilespmem:s2+$0x20] =	vst v12  }
0x74: {  	v9 =	vand.u32 $0xFFFFFFFC, v9;
	v12 =	vunpack.i.u.bf16.f32 v16;
	v4 =	vmul.f32 v4, v2;
	[tilespmem:s2+$0x30] =	vst v10  }
0x75: {  	s11 =	simm.s32 $0x9;
	[tilespmem:s30+$0xFFFFFFF0] =	vst v15;
	v9 =	vbroadcast v9, $0x0;
	v13 =	vunpack.i.u.bf16.f32 v18;
	v10 =	vmul.f32 v12, v2;
	v16 =	vld [tilespmem:s0+$0x20]  }
0x76: {  	v12 =	vunpack.i.l.bf16.f32 v18;
	v15 =	vmul.f32 v13, v1;
	[tilespmem:s2+$0xFFFFFFA0] =	vst v4;
	v4 =	vmov s11  }
0x77: {  	v12 =	vmul.f32 v12, v1;
	[tilespmem:s2+$0xFFFFFFB0] =	vst v10;
	v10 =	vunpack.i.l.bf16.f32 v11;
	v4 =	vand.u32 $0xFFFFFFFD, v4  }
0x78: {  	s12 =	simm.s32 $0xA;
	v11 =	vunpack.i.u.bf16.f32 v11;
	[tilespmem:s2+$0xFFFFFF30] =	vst v15;
	v17 =	vmul.f32 v10, v0;
	v13 =	vld [tilespmem:s0+$0xFFFFFFE0];
	v10 =	vbroadcast v4, $0x0  }
0x79: {  	[tilespmem:s2+$0xFFFFFF20] =	vst v12;
	v63 =	vmul.f32 v11, v0;
	v11 =	vmov s12  }
0x7a: {  	s31 =	simm.s32 $0x5B80;
	v4 =	vand.u32 $0xFFFFFFFE, v11;
	v12 =	vld [tilespmem:s0+$0xFFFFFFA0];
	v19 =	vunpack.i.l.bf16.f32 v16;
	[tilespmem:s2+$0xA0] =	vst v17  }
0x7b: {  	s28 =	sor.u32 $0x80, s29;
	s8 =	simm.s32 $0x1A00;
	s11 =	simm.s32 $0xC;
	v11 =	vbroadcast v4, $0x0;
	v4 =	vld.idx.msk [tilespmem:v14+s21+$0x0], $0xffff;
	v15 =	vunpack.i.u.bf16.f32 v16;
	[tilespmem:s2+$0xB0] =	vst v63;
	v14 =	vmul.f32 v19, v3  }
.LBB2_4:
0x7c: {  	p0 =	slt.u32 s11, $0x7C;
	v15 =	vmul.f32 v15, v3;
	v16 =	vld [tilespmem:s0+$0x60];
	[tilespmem:s30+$0xFFFFFF60] =	vst v8  }
0x7d: {  	v9 =	vld.idx.msk [tilespmem:v9+s21+$0x0], $0xffff;
	v8 =	vunpack.i.u.bf16.f32 v13;
	v13 =	vunpack.i.l.bf16.f32 v13;
	[tilespmem:s2+$0x40] =	vst v14  }
0x7e: {  	v10 =	vld.idx.msk [tilespmem:v10+s21+$0x0], $0xffff;
	v13 =	vmul.f32 v13, v2;
	v8 =	vmul.f32 v8, v2;
	[tilespmem:s2+$0x50] =	vst v15  }
0x7f: {  	s0 =	sadd.s32 $0x100, s0;
	v14 =	vunpack.i.u.bf16.f32 v12;
	v12 =	vunpack.i.l.bf16.f32 v12;
	v15 =	vld [tilespmem:s8+$0x30];
	[tilespmem:s30+$0xFFFFFF70] =	vst v7  }
0x80: {  	v7 =	vld [tilespmem:s0+$0x0];
	v12 =	vmul.f32 v12, v1;
	v14 =	vmul.f32 v14, v1;
	[tilespmem:s2+$0xFFFFFFC0] =	vst v13  }
0x81: {  	v11 =	vld.idx.msk [tilespmem:v11+s21+$0x0], $0xffff;
	[tilespmem:s2+$0xFFFFFFD0] =	vst v8;
	v8 =	vunpack.i.u.bf16.f32 v16;
	v13 =	vunpack.i.l.bf16.f32 v16  }
0x82: {  	v16 =	vld [tilespmem:s0+$0xFFFFFF80];
	[tilespmem:s2+$0xFFFFFF40] =	vst v12;
	v12 =	vmul.f32 v13, v0;
	v8 =	vmul.f32 v8, v0  }
0x83: {  	v13 =	vld [tilespmem:s0+$0xFFFFFFC0];
	[tilespmem:s2+$0xFFFFFF50] =	vst v14  }
0x84: {  	v14 =	vld [tilespmem:s0+$0x40];
	v17 =	vunpack.i.u.bf16.f32 v15;
	v15 =	vunpack.i.l.bf16.f32 v15;
	[tilespmem:s2+$0xC0] =	vst v12  }
0x85: {  	v12 =	vld [tilespmem:s8+$0xFFFFFFF0];
	v15 =	vmul.f32 v15, v3;
	v19 =	vmul.f32 v17, v3;
	[tilespmem:s2+$0xD0] =	vst v8  }
0x86: {  	v8 =	vunpack.i.l.bf16.f32 v7;
	v17 =	vld [tilespmem:s8+$0xFFFFFFB0];
	[tilespmem:s30+$0xE0] =	vst v6  }
0x87: {  	v7 =	vunpack.i.u.bf16.f32 v7;
	v8 =	vmul.f32 v8, v11;
	v3 =	vmovc v11;
	v6 =	vunpack.i.u.bf16.f32 v16;
	[tilespmem:s2+$0x70] =	vst v19;
	v18 =	vld [tilespmem:s8+$0x70];
	s8 =	smov.u32 s0  }
0x88: {  	v11 =	vunpack.i.l.bf16.f32 v16;
	v7 =	vmul.f32 v7, v3;
	s2 =	sadd.s32 $0x200, s2;
	v16 =	vunpack.i.u.bf16.f32 v13;
	[tilespmem:s31+$0x60] =	vst v15  }
0x89: {  	v13 =	vunpack.i.l.bf16.f32 v13;
	[tilespmem:s2+$0x0] =	vst v8;
	v8 =	vunpack.i.u.bf16.f32 v14;
	v14 =	vunpack.i.l.bf16.f32 v14  }
0x8a: {  	v13 =	vmul.f32 v13, v10;
	v15 =	vmul.f32 v16, v10;
	[tilespmem:s2+$0x10] =	vst v7;
	v7 =	vunpack.i.u.bf16.f32 v12  }
0x8b: {  	v11 =	vmul.f32 v11, v9;
	v6 =	vmul.f32 v6, v9;
	v12 =	vunpack.i.l.bf16.f32 v12;
	v16 =	vld [tilespmem:s0+$0x10];
	[tilespmem:s30+$0xF0] =	vst v5;
	s30 =	smov.u32 s31;
	s31 =	smov.u32 s2  }
0x8c: {  	v5 =	vmul.f32 v14, v4;
	v14 =	vunpack.i.u.bf16.f32 v17;
	[tilespmem:s2+$0xFFFFFF80] =	vst v13;
	v13 =	vmul.f32 v8, v4  }
0x8d: {  	v8 =	vunpack.i.l.bf16.f32 v17;
	v17 =	vunpack.i.l.bf16.f32 v18;
	[tilespmem:s2+$0xFFFFFF90] =	vst v15;
	v15 =	vunpack.i.u.bf16.f32 v18  }
0x8e: {  	v12 =	vmul.f32 v12, v2;
	v18 =	vmul.f32 v7, v2;
	v2 =	vmov v10;
	[tilespmem:s2+$0xFFFFFF00] =	vst v11;
	v11 =	vld [tilespmem:s0+$0xFFFFFFD0]  }
0x8f: {  	v8 =	vmul.f32 v8, v1;
	v7 =	vmul.f32 v14, v1;
	v1 =	vmov v9;
	[tilespmem:s2+$0xFFFFFF10] =	vst v6  }
0x90: {  	v6 =	vmul.f32 v17, v0;
	v10 =	vld [tilespmem:s0+$0xFFFFFF90];
	v9 =	vunpack.i.l.bf16.f32 v16;
	[tilespmem:s2+$0x80] =	vst v5;
	v5 =	vmul.f32 v15, v0;
	v0 =	vmovc v4  }
0x91: {  	s12 =	sadd.s32 $0x3, s11;
	v4 =	vunpack.i.u.bf16.f32 v16;
	v9 =	vmul.f32 v9, v3;
	[tilespmem:s2+$0x90] =	vst v13  }
0x92: {  	v14 =	vmov s12;
	v13 =	vmov s11;
	v4 =	vmul.f32 v4, v3;
	v15 =	vld [tilespmem:s0+$0x50];
	[tilespmem:s30+$0xFFFFFFE0] =	vst v12  }
0x93: {  	s12 =	sadd.s32 $0x1, s11;
	v12 =	vand.u32 $0xFFFFFFFC, v13;
	v13 =	vunpack.i.u.bf16.f32 v11;
	v11 =	vunpack.i.l.bf16.f32 v11;
	[tilespmem:s2+$0x20] =	vst v9  }
0x94: {  	v16 =	vmov s12;
	v11 =	vmul.f32 v11, v2;
	v13 =	vmul.f32 v13, v2;
	[tilespmem:s2+$0x30] =	vst v4  }
0x95: {  	v9 =	vbroadcast v12, $0x0;
	v4 =	vunpack.i.u.bf16.f32 v10;
	v10 =	vunpack.i.l.bf16.f32 v10;
	v17 =	vld [tilespmem:s0+$0x20];
	[tilespmem:s30+$0xFFFFFFF0] =	vst v18  }
0x96: {  	v12 =	vand.u32 $0xFFFFFFFD, v16;
	v16 =	vmul.f32 v10, v1;
	v4 =	vmul.f32 v4, v1;
	[tilespmem:s2+$0xFFFFFFA0] =	vst v11  }
.Ltmp0:
0x97: {  	v10 =	vbroadcast v12, $0x0;
	[tilespmem:s2+$0xFFFFFFB0] =	vst v13;
	v11 =	vunpack.i.u.bf16.f32 v15;
	v12 =	vunpack.i.l.bf16.f32 v15;
	(pc) =	sbr.rel @p0 .LBB2_4-.Ltmp0, $4  }
0x98: {  	s12 =	sadd.s32 $0x2, s11;
	[tilespmem:s2+$0xFFFFFF20] =	vst v16;
	v13 =	vld [tilespmem:s0+$0xFFFFFFE0];
	v15 =	vmul.f32 v12, v0;
	v16 =	vmul.f32 v11, v0  }
0x99: {  	v11 =	vmov s12;
	[tilespmem:s2+$0xFFFFFF30] =	vst v4  }
0x9a: {  	v4 =	vand.u32 $0xFFFFFFFE, v11;
	v12 =	vld [tilespmem:s0+$0xFFFFFFA0];
	v18 =	vunpack.i.l.bf16.f32 v17;
	[tilespmem:s2+$0xA0] =	vst v15  }
0x9b: {  	s11 =	sadd.s32 $0x4, s11;
	v11 =	vbroadcast v4, $0x0;
	v15 =	vunpack.i.u.bf16.f32 v17;
	v4 =	vld.idx.msk [tilespmem:v14+s21+$0x0], $0xffff;
	v14 =	vmul.f32 v18, v3;
	[tilespmem:s2+$0xB0] =	vst v16  }
0x9c: {  	v15 =	vmul.f32 v15, v3;
	[tilespmem:s30+$0xFFFFFF60] =	vst v8  }
0x9d: {  	v16 =	vld [tilespmem:s0+$0x60];
	[tilespmem:s2+$0x40] =	vst v14  }
0x9e: {  	v8 =	vunpack.i.l.bf16.f32 v13;
	[tilespmem:s2+$0x50] =	vst v15  }
0x9f: {  	[tilespmem:s30+$0xFFFFFF70] =	vst v7;
	v13 =	vunpack.i.u.bf16.f32 v13;
	v8 =	vmul.f32 v8, v2;
	v15 =	vld [tilespmem:s8+$0x30]  }
0xa0: {  	s12 =	sadd.s32 $0x100, s0;
	[tilespmem:s30+$0xE0] =	vst v6;
	v13 =	vmul.f32 v13, v2;
	v14 =	vunpack.i.l.bf16.f32 v12  }
0xa1: {  	v7 =	vunpack.i.u.bf16.f32 v12;
	v12 =	vmul.f32 v14, v1;
	[tilespmem:s2+$0xFFFFFFC0] =	vst v8;
	v8 =	vld [tilespmem:s12+$0x0]  }
0xa2: {  	v11 =	vld.idx.msk [tilespmem:v11+s21+$0x0], $0xffff;
	v7 =	vmul.f32 v7, v1;
	[tilespmem:s2+$0xFFFFFFD0] =	vst v13;
	v13 =	vunpack.i.l.bf16.f32 v16  }
0xa3: {  	v14 =	vunpack.i.u.bf16.f32 v16;
	[tilespmem:s2+$0xFFFFFF40] =	vst v12;
	v12 =	vmul.f32 v13, v0  }
0xa4: {  	v13 =	vmul.f32 v14, v0;
	[tilespmem:s2+$0xFFFFFF50] =	vst v7;
	v7 =	vld [tilespmem:s12+$0xFFFFFFC0];
	v14 =	vunpack.i.u.bf16.f32 v15  }
0xa5: {  	v10 =	vld.idx.msk [tilespmem:v10+s21+$0x0], $0xffff;
	[tilespmem:s2+$0xC0] =	vst v12;
	v12 =	vunpack.i.l.bf16.f32 v15;
	v14 =	vmul.f32 v14, v3  }
0xa6: {  	[tilespmem:s2+$0xD0] =	vst v13;
	v13 =	vld [tilespmem:s12+$0xFFFFFF80];
	v3 =	vmul.f32 v12, v3;
	v12 =	vunpack.i.l.bf16.f32 v8  }
0xa7: {  	v6 =	vld.idx.msk [tilespmem:v9+s21+$0x0], $0xffff;
	v8 =	vunpack.i.u.bf16.f32 v8;
	v9 =	vmul.f32 v12, v11;
	[tilespmem:s2+$0x70] =	vst v14  }
0xa8: {  	s11 =	sadd.s32 $0x200, s2;
	v12 =	vld [tilespmem:s12+$0x40];
	v8 =	vmul.f32 v8, v11;
	[tilespmem:s31+$0x60] =	vst v3  }
0xa9: {  	v3 =	vunpack.i.l.bf16.f32 v7;
	[tilespmem:s11+$0x0] =	vst v9  }
0xaa: {  	v9 =	vld [tilespmem:s8+$0xFFFFFFF0];
	v7 =	vunpack.i.u.bf16.f32 v7;
	[tilespmem:s11+$0x10] =	vst v8;
	v3 =	vmul.f32 v3, v10  }
0xab: {  	[tilespmem:s30+$0xF0] =	vst v5;
	v8 =	vunpack.i.l.bf16.f32 v13;
	v7 =	vmul.f32 v7, v10;
	v14 =	vld [tilespmem:s12+$0x10]  }
0xac: {  	v5 =	vunpack.i.u.bf16.f32 v13;
	v8 =	vmul.f32 v8, v6;
	[tilespmem:s11+$0xFFFFFF80] =	vst v3  }
0xad: {  	v5 =	vmul.f32 v5, v6;
	v3 =	vunpack.i.l.bf16.f32 v12;
	[tilespmem:s11+$0xFFFFFF90] =	vst v7  }
0xae: {  	v7 =	vunpack.i.u.bf16.f32 v12;
	v3 =	vmul.f32 v3, v4;
	[tilespmem:s11+$0xFFFFFF00] =	vst v8;
	v8 =	vld [tilespmem:s12+$0xFFFFFFD0]  }
0xaf: {  	v7 =	vmul.f32 v7, v4;
	[tilespmem:s11+$0xFFFFFF10] =	vst v5;
	v12 =	vunpack.i.l.bf16.f32 v9  }
0xb0: {  	v5 =	vmul.f32 v12, v2;
	v12 =	vld [tilespmem:s12+$0xFFFFFF90];
	v13 =	vunpack.i.l.bf16.f32 v14;
	[tilespmem:s11+$0x80] =	vst v3  }
0xb1: {  	v3 =	vunpack.i.u.bf16.f32 v14;
	[tilespmem:s11+$0x90] =	vst v7;
	v13 =	vmul.f32 v13, v11  }
0xb2: {  	v7 =	vunpack.i.u.bf16.f32 v9;
	v3 =	vmul.f32 v3, v11;
	v9 =	vld [tilespmem:s12+$0x50];
	[tilespmem:s31+$0xFFFFFFE0] =	vst v5  }
0xb3: {  	v2 =	vmul.f32 v7, v2;
	v5 =	vunpack.i.l.bf16.f32 v8;
	[tilespmem:s11+$0x20] =	vst v13  }
0xb4: {  	v7 =	vld [tilespmem:s8+$0xFFFFFFB0];
	v8 =	vunpack.i.u.bf16.f32 v8;
	[tilespmem:s11+$0x30] =	vst v3;
	v5 =	vmul.f32 v5, v10  }
0xb5: {  	[tilespmem:s31+$0xFFFFFFF0] =	vst v2;
	v3 =	vmul.f32 v8, v10;
	v13 =	vld [tilespmem:s12+$0x20];
	v8 =	vunpack.i.l.bf16.f32 v12  }
0xb6: {  	v2 =	vunpack.i.u.bf16.f32 v12;
	v8 =	vmul.f32 v8, v6;
	[tilespmem:s11+$0xFFFFFFA0] =	vst v5  }
0xb7: {  	v2 =	vmul.f32 v2, v6;
	[tilespmem:s11+$0xFFFFFFB0] =	vst v3;
	v3 =	vunpack.i.l.bf16.f32 v9  }
0xb8: {  	v5 =	vunpack.i.u.bf16.f32 v9;
	v3 =	vmul.f32 v3, v4;
	[tilespmem:s11+$0xFFFFFF20] =	vst v8;
	v8 =	vld [tilespmem:s12+$0xFFFFFFE0]  }
0xb9: {  	v9 =	vunpack.i.l.bf16.f32 v7;
	v5 =	vmul.f32 v5, v4;
	[tilespmem:s11+$0xFFFFFF30] =	vst v2  }
0xba: {  	v2 =	vmul.f32 v9, v1;
	v9 =	vld [tilespmem:s12+$0xFFFFFFA0];
	v12 =	vunpack.i.l.bf16.f32 v13;
	[tilespmem:s11+$0xA0] =	vst v3  }
0xbb: {  	v3 =	vunpack.i.u.bf16.f32 v13;
	[tilespmem:s11+$0xB0] =	vst v5;
	v12 =	vmul.f32 v12, v11  }
0xbc: {  	v5 =	vunpack.i.u.bf16.f32 v7;
	v3 =	vmul.f32 v3, v11;
	v7 =	vld [tilespmem:s12+$0x60];
	[tilespmem:s31+$0xFFFFFF60] =	vst v2  }
0xbd: {  	v1 =	vmul.f32 v5, v1;
	[tilespmem:s11+$0x40] =	vst v12;
	v2 =	vunpack.i.l.bf16.f32 v8  }
0xbe: {  	v5 =	vld [tilespmem:s8+$0x70];
	[tilespmem:s11+$0x50] =	vst v3;
	v8 =	vunpack.i.u.bf16.f32 v8;
	v2 =	vmul.f32 v2, v10  }
0xbf: {  	[tilespmem:s31+$0xFFFFFF70] =	vst v1;
	v12 =	vld [tilespmem:s12+$0x30];
	v3 =	vmul.f32 v8, v10;
	v8 =	vunpack.i.l.bf16.f32 v9  }
0xc0: {  	v1 =	vunpack.i.u.bf16.f32 v9;
	v8 =	vmul.f32 v8, v6;
	[tilespmem:s11+$0xFFFFFFC0] =	vst v2  }
0xc1: {  	v1 =	vmul.f32 v1, v6;
	[tilespmem:s11+$0xFFFFFFD0] =	vst v3;
	v2 =	vunpack.i.l.bf16.f32 v7  }
0xc2: {  	v3 =	vunpack.i.u.bf16.f32 v7;
	[tilespmem:s11+$0xFFFFFF40] =	vst v8;
	v2 =	vmul.f32 v2, v4;
	v7 =	vld [tilespmem:s12+$0xFFFFFFF0]  }
0xc3: {  	v8 =	vunpack.i.l.bf16.f32 v5;
	v3 =	vmul.f32 v3, v4;
	[tilespmem:s11+$0xFFFFFF50] =	vst v1  }
0xc4: {  	v1 =	vmul.f32 v8, v0;
	v8 =	vunpack.i.u.bf16.f32 v12;
	[tilespmem:s11+$0xC0] =	vst v2;
	v2 =	vld [tilespmem:s12+$0xFFFFFFB0]  }
0xc5: {  	v9 =	vunpack.i.l.bf16.f32 v12;
	v8 =	vmul.f32 v8, v11;
	[tilespmem:s11+$0xD0] =	vst v3  }
0xc6: {  	v3 =	vunpack.i.u.bf16.f32 v5;
	v5 =	vmul.f32 v9, v11;
	[tilespmem:s31+$0xE0] =	vst v1;
	v1 =	vld [tilespmem:s12+$0x70]  }
0xc7: {  	v0 =	vmul.f32 v3, v0;
	[tilespmem:s11+$0x70] =	vst v8;
	v3 =	vunpack.i.l.bf16.f32 v7  }
0xc8: {  	[tilespmem:s11+$0x60] =	vst v5;
	v5 =	vunpack.i.u.bf16.f32 v7;
	v3 =	vmul.f32 v3, v10  }
0xc9: {  	[tilespmem:s31+$0xF0] =	vst v0;
	v5 =	vmul.f32 v5, v10;
	v0 =	vunpack.i.l.bf16.f32 v2  }
0xca: {  	v2 =	vunpack.i.u.bf16.f32 v2;
	v0 =	vmul.f32 v0, v6;
	[tilespmem:s11+$0xFFFFFFE0] =	vst v3  }
0xcb: {  	v3 =	vunpack.i.l.bf16.f32 v1;
	v2 =	vmul.f32 v2, v6;
	[tilespmem:s11+$0xFFFFFFF0] =	vst v5  }
0xcc: {  	v1 =	vunpack.i.u.bf16.f32 v1;
	v3 =	vmul.f32 v3, v4;
	[tilespmem:s11+$0xFFFFFF60] =	vst v0  }
0xcd: {  	v0 =	vmul.f32 v1, v4;
	[tilespmem:s11+$0xFFFFFF70] =	vst v2  }
0xce: {  	[tilespmem:s11+$0xE0] =	vst v3  }
0xcf: {  	[tilespmem:s11+$0xF0] =	vst v0  }
0xd0: {  	[spmem:s3] =	stream.indirect.scatter.add.f32 [tilespmem:s22], [sflag:$0x3], $0x80, s29, s17, $0xb8;
	[tilespmem:$0x1D880] =	vst v63  }
0xd1: {  	_ =	swait.ge [sflag:s14], $0x4000  }
0xd2: {  	p0 =	seq.s32 s26, $0x7;
	[sflag:s14] =	ssyncset.done $0x0  }
0xd3: {  	s0 =	sshll.u32 @!p0 s26, $0x8;
	[sflag:s14] =	ssyncadd.s32 $0xFFFFC000  }
0xd4: {  	s0 =	sand.u32 @!p0 $0x3FFFFF00, s0;
	_ =	swait.ge [sflag:s23], $0x2000  }
0xd5: {  	s0 =	sadd.s32 @!p0 $0x1100, s0;
	[sflag:s23] =	ssyncset.done $0x0  }
0xd6: {  	s2 =	simm.s32 @!p0 $0x80;
	s8 =	simm.s32 @!p0 $0x1880;
	[sflag:s23] =	ssyncadd.s32 $0xFFFFE000  }
0xd7: {  	[tilespmem:s8], [sflag:$0x1] =	stream.indirect.gather @!p0 [hbm4b:s1+s2], $0x40, s0, s2, $0xb8;
	[tilespmem:$0x1D880] =	vst v63  }
0xd8: {  	v0 =	vld [tilespmem:s28+$0x800];
	_ =	sdelay $0x4  }
0xd9: {  	[tilespmem:$0x1800] =	vst v0  }
0xda: {  	v0 =	vld [tilespmem:s29+$0x890];
	_ =	sdelay $0x4  }
0xdb: {  	[tilespmem:$0x1810] =	vst v0  }
0xdc: {  	v0 =	vld [tilespmem:s29+$0x8A0];
	_ =	sdelay $0x4  }
0xdd: {  	[tilespmem:$0x1820] =	vst v0  }
0xde: {  	v0 =	vld [tilespmem:s29+$0x8B0];
	_ =	sdelay $0x4  }
0xdf: {  	[tilespmem:$0x1830] =	vst v0  }
0xe0: {  	v0 =	vld [tilespmem:s29+$0x8C0];
	_ =	sdelay $0x4  }
0xe1: {  	[tilespmem:$0x1840] =	vst v0  }
0xe2: {  	v0 =	vld [tilespmem:s29+$0x8D0];
	_ =	sdelay $0x4  }
0xe3: {  	[tilespmem:$0x1850] =	vst v0  }
0xe4: {  	v0 =	vld [tilespmem:s29+$0x8E0];
	_ =	sdelay $0x4  }
0xe5: {  	s12 =	simm.s32 $0x2;
	[tilespmem:$0x1860] =	vst v0  }
0xe6: {  	v0 =	vmov s12;
	v1 =	vld [tilespmem:s29+$0x8F0]  }
0xe7: {  	v0 =	vand.u32 $0xFFFFFFFE, v0  }
0xe8: {  	s31 =	simm.s32 $0x1;
	v0 =	vbroadcast v0, $0x0  }
0xe9: {  	v2 =	vmov s31  }
0xea: {  	v2 =	vand.u32 $0xFFFFFFFD, v2;
	s2 =	simm.s32 $0x0  }
0xeb: {  	v2 =	vbroadcast v2, $0x0;
	[tilespmem:$0x1870] =	vst v1;
	v1 =	vmov s2  }
0xec: {  	s8 =	simm.s32 $0x3900;
	v1 =	vand.u32 $0xFFFFFFFC, v1  }
0xed: {  	v3 =	vld [tilespmem:s8+$0x0];
	v1 =	vbroadcast v1, $0x0  }
0xee: {  	s11 =	simm.s32 $0x3;
	v7 =	vld.idx.msk [tilespmem:v0+s21+$0x0], $0xffff  }
0xef: {  	v0 =	vmov s11  }
0xf0: {  	v8 =	vld [tilespmem:s8+$0xFFFFFFC0]  }
0xf1: {  	v6 =	vld.idx.msk [tilespmem:v2+s21+$0x0], $0xffff  }
0xf2: {  	v9 =	vld [tilespmem:s8+$0xFFFFFF80];
	v2 =	vunpack.i.l.bf16.f32 v3  }
0xf3: {  	v3 =	vunpack.i.u.bf16.f32 v3;
	v2 =	vmul.f32 v2, v7;
	v5 =	vld.idx.msk [tilespmem:v1+s21+$0x0], $0xffff  }
0xf4: {  	s29 =	simm.s32 $0x5980;
	v4 =	vld.idx.msk [tilespmem:v0+s21+$0x0], $0xffff;
	v1 =	vmul.f32 v3, v7  }
0xf5: {  	v0 =	vunpack.i.l.bf16.f32 v8;
	v3 =	vld [tilespmem:s8+$0x40];
	[tilespmem:s29+$0x0] =	vst v2  }
0xf6: {  	v0 =	vmul.f32 v0, v6;
	[tilespmem:s29+$0x10] =	vst v1;
	v1 =	vunpack.i.u.bf16.f32 v8  }
0xf7: {  	v8 =	vunpack.i.l.bf16.f32 v9;
	v2 =	vld [tilespmem:s8+$0x10];
	v1 =	vmul.f32 v1, v6  }
0xf8: {  	v9 =	vunpack.i.u.bf16.f32 v9;
	[tilespmem:s29+$0xFFFFFF80] =	vst v0;
	v8 =	vmul.f32 v8, v5  }
0xf9: {  	v9 =	vmul.f32 v9, v5;
	[tilespmem:s29+$0xFFFFFF90] =	vst v1  }
0xfa: {  	v0 =	vunpack.i.l.bf16.f32 v3;
	v1 =	vunpack.i.u.bf16.f32 v3;
	v3 =	vld [tilespmem:s8+$0xFFFFFFD0];
	[tilespmem:s29+$0xFFFFFF00] =	vst v8  }
0xfb: {  	v0 =	vmul.f32 v0, v4;
	[tilespmem:s29+$0xFFFFFF10] =	vst v9  }
0xfc: {  	v1 =	vmul.f32 v1, v4;
	v8 =	vunpack.i.l.bf16.f32 v2;
	v9 =	vld [tilespmem:s8+$0xFFFFFF90]  }
0xfd: {  	[tilespmem:s29+$0x80] =	vst v0;
	v0 =	vunpack.i.u.bf16.f32 v2;
	v2 =	vmul.f32 v8, v7  }
0xfe: {  	[tilespmem:s29+$0x90] =	vst v1;
	v0 =	vmul.f32 v0, v7  }
0xff: {  	v1 =	vld [tilespmem:s8+$0x50];
	[tilespmem:s29+$0x20] =	vst v2;
	v2 =	vunpack.i.l.bf16.f32 v3  }
0x100: {  	[tilespmem:s29+$0x30] =	vst v0;
	v0 =	vunpack.i.u.bf16.f32 v3;
	v2 =	vmul.f32 v2, v6  }
0x101: {  	s12 =	simm.s32 $0x4;
	v3 =	vld [tilespmem:s8+$0x20];
	v0 =	vmul.f32 v0, v6;
	v10 =	vunpack.i.l.bf16.f32 v9  }
0x102: {  	v8 =	vmov s12;
	v9 =	vunpack.i.u.bf16.f32 v9;
	v10 =	vmul.f32 v10, v5;
	[tilespmem:s29+$0xFFFFFFA0] =	vst v2  }
0x103: {  	s31 =	simm.s32 $0x7;
	v2 =	vand.u32 $0xFFFFFFFC, v8;
	v8 =	vmul.f32 v9, v5;
	[tilespmem:s29+$0xFFFFFFB0] =	vst v0  }
0x104: {  	v11 =	vmov s31;
	s11 =	simm.s32 $0x6;
	v0 =	vunpack.i.l.bf16.f32 v1;
	v1 =	vunpack.i.u.bf16.f32 v1;
	[tilespmem:s29+$0xFFFFFF20] =	vst v10  }
0x105: {  	v9 =	vld [tilespmem:s8+$0xFFFFFFE0];
	v0 =	vmul.f32 v0, v4;
	v1 =	vmul.f32 v1, v4;
	v10 =	vmov s11;
	[tilespmem:s29+$0xFFFFFF30] =	vst v8  }
0x106: {  	v2 =	vbroadcast v2, $0x0;
	v8 =	vand.u32 $0xFFFFFFFE, v10;
	v10 =	vunpack.i.l.bf16.f32 v3;
	v12 =	vld [tilespmem:s8+$0xFFFFFFA0]  }
0x107: {  	s0 =	simm.s32 $0x3A00;
	s12 =	simm.s32 $0x5;
	[tilespmem:s29+$0xA0] =	vst v0;
	v0 =	vunpack.i.u.bf16.f32 v3;
	v8 =	vbroadcast v8, $0x0;
	v3 =	vmul.f32 v10, v7  }
0x108: {  	v14 =	vld [tilespmem:s0+$0x0];
	[tilespmem:s29+$0xB0] =	vst v1;
	v10 =	vmov s12;
	v1 =	vmul.f32 v0, v7  }
0x109: {  	v0 =	vand.u32 $0xFFFFFFFD, v10;
	v10 =	vld [tilespmem:s8+$0x60];
	[tilespmem:s29+$0x40] =	vst v3  }
0x10a: {  	v13 =	vbroadcast v0, $0x0;
	v0 =	vld.idx.msk [tilespmem:v11+s21+$0x0], $0xffff;
	v3 =	vunpack.i.l.bf16.f32 v9;
	[tilespmem:s29+$0x50] =	vst v1;
	v1 =	vunpack.i.u.bf16.f32 v9  }
0x10b: {  	v3 =	vmul.f32 v3, v6;
	v9 =	vld [tilespmem:s8+$0x30];
	v11 =	vmul.f32 v1, v6;
	v1 =	vunpack.i.l.bf16.f32 v12  }
0x10c: {  	v15 =	vmul.f32 v1, v5;
	v1 =	vld.idx.msk [tilespmem:v2+s21+$0x0], $0xffff  }
0x10d: {  	v12 =	vunpack.i.u.bf16.f32 v12;
	[tilespmem:s29+$0xFFFFFFC0] =	vst v3;
	v3 =	vld.idx.msk [tilespmem:v8+s21+$0x0], $0xffff  }
0x10e: {  	[tilespmem:s29+$0xFFFFFFD0] =	vst v11;
	v8 =	vmul.f32 v12, v5;
	v2 =	vunpack.i.l.bf16.f32 v10;
	v12 =	vld [tilespmem:s0+$0xFFFFFFC0]  }
0x10f: {  	v10 =	vunpack.i.u.bf16.f32 v10;
	[tilespmem:s29+$0xFFFFFF40] =	vst v15;
	v11 =	vmul.f32 v2, v4;
	v15 =	vld [tilespmem:s0+$0x40]  }
0x110: {  	v10 =	vmul.f32 v10, v4;
	v2 =	vld.idx.msk [tilespmem:v13+s21+$0x0], $0xffff;
	[tilespmem:s29+$0xFFFFFF50] =	vst v8;
	v8 =	vunpack.i.u.bf16.f32 v9  }
0x111: {  	v13 =	vld [tilespmem:s0+$0xFFFFFF80];
	[tilespmem:s29+$0xC0] =	vst v11;
	v8 =	vmul.f32 v8, v7;
	v11 =	vunpack.i.l.bf16.f32 v14  }
0x112: {  	[tilespmem:s29+$0xD0] =	vst v10;
	v10 =	vunpack.i.u.bf16.f32 v14;
	v11 =	vmul.f32 v11, v3  }
0x113: {  	s2 =	simm.s32 $0x5B80;
	v9 =	vunpack.i.l.bf16.f32 v9;
	v14 =	vld [tilespmem:s8+$0xFFFFFFF0];
	[tilespmem:s29+$0x70] =	vst v8;
	v8 =	vmul.f32 v10, v3  }
0x114: {  	v7 =	vmul.f32 v9, v7;
	v9 =	vld [tilespmem:s8+$0xFFFFFFB0];
	v10 =	vunpack.i.l.bf16.f32 v12;
	[tilespmem:s2+$0x0] =	vst v11  }
0x115: {  	v12 =	vunpack.i.u.bf16.f32 v12;
	v16 =	vunpack.i.u.bf16.f32 v15;
	v10 =	vmul.f32 v10, v2;
	[tilespmem:s2+$0x10] =	vst v8  }
0x116: {  	[tilespmem:s29+$0x60] =	vst v7;
	v8 =	vunpack.i.l.bf16.f32 v13;
	v7 =	vmul.f32 v12, v2;
	v13 =	vunpack.i.u.bf16.f32 v13;
	v12 =	vld [tilespmem:s0+$0x10]  }
0x117: {  	v11 =	vld [tilespmem:s8+$0x70];
	v8 =	vmul.f32 v8, v1;
	v13 =	vmul.f32 v13, v1;
	[tilespmem:s2+$0xFFFFFF80] =	vst v10;
	v10 =	vunpack.i.l.bf16.f32 v15  }
0x118: {  	v15 =	vunpack.i.u.bf16.f32 v14;
	[tilespmem:s2+$0xFFFFFF90] =	vst v7;
	v7 =	vunpack.i.l.bf16.f32 v14;
	v14 =	vmul.f32 v16, v0  }
0x119: {  	v17 =	vunpack.i.u.bf16.f32 v9;
	v10 =	vmul.f32 v10, v0;
	v16 =	vld [tilespmem:s0+$0xFFFFFFD0];
	[tilespmem:s2+$0xFFFFFF10] =	vst v13;
	v13 =	vmul.f32 v7, v6  }
0x11a: {  	s11 =	simm.s32 $0xB;
	[tilespmem:s2+$0xFFFFFF00] =	vst v8;
	v8 =	vunpack.i.l.bf16.f32 v9;
	v15 =	vmul.f32 v15, v6;
	v7 =	vmul.f32 v17, v5  }
0x11b: {  	v18 =	vld [tilespmem:s0+$0xFFFFFF90];
	v8 =	vmul.f32 v8, v5;
	[tilespmem:s2+$0x90] =	vst v14;
	v14 =	vmov s11;
	v6 =	vunpack.i.l.bf16.f32 v12  }
0x11c: {  	v9 =	vunpack.i.u.bf16.f32 v11;
	[tilespmem:s2+$0x80] =	vst v10;
	v10 =	vunpack.i.u.bf16.f32 v12;
	v12 =	vmul.f32 v6, v3  }
0x11d: {  	s31 =	simm.s32 $0x8;
	[tilespmem:s29+$0xFFFFFFE0] =	vst v13;
	v5 =	vmul.f32 v9, v4;
	v6 =	vunpack.i.l.bf16.f32 v11;
	v10 =	vmul.f32 v10, v3;
	v11 =	vld [tilespmem:s0+$0x50]  }
0x11e: {  	v9 =	vmov s31;
	v6 =	vmul.f32 v6, v4;
	v4 =	vunpack.i.l.bf16.f32 v16;
	[tilespmem:s2+$0x20] =	vst v12  }
0x11f: {  	v9 =	vand.u32 $0xFFFFFFFC, v9;
	v12 =	vunpack.i.u.bf16.f32 v16;
	v4 =	vmul.f32 v4, v2;
	[tilespmem:s2+$0x30] =	vst v10  }
0x120: {  	s12 =	simm.s32 $0x9;
	[tilespmem:s29+$0xFFFFFFF0] =	vst v15;
	v9 =	vbroadcast v9, $0x0;
	v13 =	vunpack.i.u.bf16.f32 v18;
	v10 =	vmul.f32 v12, v2;
	v16 =	vld [tilespmem:s0+$0x20]  }
0x121: {  	v12 =	vunpack.i.l.bf16.f32 v18;
	v15 =	vmul.f32 v13, v1;
	[tilespmem:s2+$0xFFFFFFA0] =	vst v4;
	v4 =	vmov s12  }
0x122: {  	v12 =	vmul.f32 v12, v1;
	[tilespmem:s2+$0xFFFFFFB0] =	vst v10;
	v10 =	vunpack.i.l.bf16.f32 v11;
	v4 =	vand.u32 $0xFFFFFFFD, v4  }
0x123: {  	s31 =	simm.s32 $0xA;
	v11 =	vunpack.i.u.bf16.f32 v11;
	[tilespmem:s2+$0xFFFFFF30] =	vst v15;
	v17 =	vmul.f32 v10, v0;
	v13 =	vld [tilespmem:s0+$0xFFFFFFE0];
	v10 =	vbroadcast v4, $0x0  }
0x124: {  	[tilespmem:s2+$0xFFFFFF20] =	vst v12;
	v63 =	vmul.f32 v11, v0;
	v11 =	vmov s31  }
0x125: {  	v4 =	vand.u32 $0xFFFFFFFE, v11;
	v12 =	vld [tilespmem:s0+$0xFFFFFFA0];
	v19 =	vunpack.i.l.bf16.f32 v16;
	[tilespmem:s2+$0xA0] =	vst v17  }
0x126: {  	s30 =	simm.s32 $0x5B80;
	s8 =	simm.s32 $0x3A00;
	s11 =	simm.s32 $0xC;
	v11 =	vbroadcast v4, $0x0;
	v4 =	vld.idx.msk [tilespmem:v14+s21+$0x0], $0xffff;
	v15 =	vunpack.i.u.bf16.f32 v16;
	[tilespmem:s2+$0xB0] =	vst v63;
	v14 =	vmul.f32 v19, v3  }
.LBB2_6:
0x127: {  	p0 =	slt.u32 s11, $0x7C;
	v15 =	vmul.f32 v15, v3;
	v16 =	vld [tilespmem:s0+$0x60];
	[tilespmem:s29+$0xFFFFFF60] =	vst v8  }
0x128: {  	v9 =	vld.idx.msk [tilespmem:v9+s21+$0x0], $0xffff;
	v8 =	vunpack.i.u.bf16.f32 v13;
	v13 =	vunpack.i.l.bf16.f32 v13;
	[tilespmem:s2+$0x40] =	vst v14  }
0x129: {  	v10 =	vld.idx.msk [tilespmem:v10+s21+$0x0], $0xffff;
	v13 =	vmul.f32 v13, v2;
	v8 =	vmul.f32 v8, v2;
	[tilespmem:s2+$0x50] =	vst v15  }
0x12a: {  	s0 =	sadd.s32 $0x100, s0;
	v14 =	vunpack.i.u.bf16.f32 v12;
	v12 =	vunpack.i.l.bf16.f32 v12;
	v15 =	vld [tilespmem:s8+$0x30];
	[tilespmem:s29+$0xFFFFFF70] =	vst v7  }
0x12b: {  	v7 =	vld [tilespmem:s0+$0x0];
	v12 =	vmul.f32 v12, v1;
	v14 =	vmul.f32 v14, v1;
	[tilespmem:s2+$0xFFFFFFC0] =	vst v13  }
0x12c: {  	v11 =	vld.idx.msk [tilespmem:v11+s21+$0x0], $0xffff;
	[tilespmem:s2+$0xFFFFFFD0] =	vst v8;
	v8 =	vunpack.i.u.bf16.f32 v16;
	v13 =	vunpack.i.l.bf16.f32 v16  }
0x12d: {  	v16 =	vld [tilespmem:s0+$0xFFFFFF80];
	[tilespmem:s2+$0xFFFFFF40] =	vst v12;
	v12 =	vmul.f32 v13, v0;
	v8 =	vmul.f32 v8, v0  }
0x12e: {  	v13 =	vld [tilespmem:s0+$0xFFFFFFC0];
	[tilespmem:s2+$0xFFFFFF50] =	vst v14  }
0x12f: {  	v14 =	vld [tilespmem:s0+$0x40];
	v17 =	vunpack.i.u.bf16.f32 v15;
	v15 =	vunpack.i.l.bf16.f32 v15;
	[tilespmem:s2+$0xC0] =	vst v12  }
0x130: {  	v12 =	vld [tilespmem:s8+$0xFFFFFFF0];
	v15 =	vmul.f32 v15, v3;
	v19 =	vmul.f32 v17, v3;
	[tilespmem:s2+$0xD0] =	vst v8  }
0x131: {  	v8 =	vunpack.i.l.bf16.f32 v7;
	v17 =	vld [tilespmem:s8+$0xFFFFFFB0];
	[tilespmem:s29+$0xE0] =	vst v6  }
0x132: {  	v7 =	vunpack.i.u.bf16.f32 v7;
	v8 =	vmul.f32 v8, v11;
	v3 =	vmovc v11;
	v6 =	vunpack.i.u.bf16.f32 v16;
	[tilespmem:s2+$0x70] =	vst v19;
	v18 =	vld [tilespmem:s8+$0x70];
	s8 =	smov.u32 s0  }
0x133: {  	v11 =	vunpack.i.l.bf16.f32 v16;
	v7 =	vmul.f32 v7, v3;
	s2 =	sadd.s32 $0x200, s2;
	v16 =	vunpack.i.u.bf16.f32 v13;
	[tilespmem:s30+$0x60] =	vst v15  }
0x134: {  	v13 =	vunpack.i.l.bf16.f32 v13;
	[tilespmem:s2+$0x0] =	vst v8;
	v8 =	vunpack.i.u.bf16.f32 v14;
	v14 =	vunpack.i.l.bf16.f32 v14  }
0x135: {  	v13 =	vmul.f32 v13, v10;
	v15 =	vmul.f32 v16, v10;
	[tilespmem:s2+$0x10] =	vst v7;
	v7 =	vunpack.i.u.bf16.f32 v12  }
0x136: {  	v11 =	vmul.f32 v11, v9;
	v6 =	vmul.f32 v6, v9;
	v12 =	vunpack.i.l.bf16.f32 v12;
	v16 =	vld [tilespmem:s0+$0x10];
	[tilespmem:s29+$0xF0] =	vst v5;
	s29 =	smov.u32 s30;
	s30 =	smov.u32 s2  }
0x137: {  	v5 =	vmul.f32 v14, v4;
	v14 =	vunpack.i.u.bf16.f32 v17;
	[tilespmem:s2+$0xFFFFFF80] =	vst v13;
	v13 =	vmul.f32 v8, v4  }
0x138: {  	v8 =	vunpack.i.l.bf16.f32 v17;
	v17 =	vunpack.i.l.bf16.f32 v18;
	[tilespmem:s2+$0xFFFFFF90] =	vst v15;
	v15 =	vunpack.i.u.bf16.f32 v18  }
0x139: {  	v12 =	vmul.f32 v12, v2;
	v18 =	vmul.f32 v7, v2;
	v2 =	vmov v10;
	[tilespmem:s2+$0xFFFFFF00] =	vst v11;
	v11 =	vld [tilespmem:s0+$0xFFFFFFD0]  }
0x13a: {  	v8 =	vmul.f32 v8, v1;
	v7 =	vmul.f32 v14, v1;
	v1 =	vmov v9;
	[tilespmem:s2+$0xFFFFFF10] =	vst v6  }
0x13b: {  	v6 =	vmul.f32 v17, v0;
	v10 =	vld [tilespmem:s0+$0xFFFFFF90];
	v9 =	vunpack.i.l.bf16.f32 v16;
	[tilespmem:s2+$0x80] =	vst v5;
	v5 =	vmul.f32 v15, v0;
	v0 =	vmovc v4  }
0x13c: {  	s12 =	sadd.s32 $0x3, s11;
	v4 =	vunpack.i.u.bf16.f32 v16;
	v9 =	vmul.f32 v9, v3;
	[tilespmem:s2+$0x90] =	vst v13  }
0x13d: {  	v14 =	vmov s12;
	v13 =	vmov s11;
	v4 =	vmul.f32 v4, v3;
	v15 =	vld [tilespmem:s0+$0x50];
	[tilespmem:s29+$0xFFFFFFE0] =	vst v12  }
0x13e: {  	s12 =	sadd.s32 $0x1, s11;
	v12 =	vand.u32 $0xFFFFFFFC, v13;
	v13 =	vunpack.i.u.bf16.f32 v11;
	v11 =	vunpack.i.l.bf16.f32 v11;
	[tilespmem:s2+$0x20] =	vst v9  }
0x13f: {  	v16 =	vmov s12;
	v11 =	vmul.f32 v11, v2;
	v13 =	vmul.f32 v13, v2;
	[tilespmem:s2+$0x30] =	vst v4  }
0x140: {  	v9 =	vbroadcast v12, $0x0;
	v4 =	vunpack.i.u.bf16.f32 v10;
	v10 =	vunpack.i.l.bf16.f32 v10;
	v17 =	vld [tilespmem:s0+$0x20];
	[tilespmem:s29+$0xFFFFFFF0] =	vst v18  }
0x141: {  	v12 =	vand.u32 $0xFFFFFFFD, v16;
	v16 =	vmul.f32 v10, v1;
	v4 =	vmul.f32 v4, v1;
	[tilespmem:s2+$0xFFFFFFA0] =	vst v11  }
.Ltmp1:
0x142: {  	v10 =	vbroadcast v12, $0x0;
	[tilespmem:s2+$0xFFFFFFB0] =	vst v13;
	v11 =	vunpack.i.u.bf16.f32 v15;
	v12 =	vunpack.i.l.bf16.f32 v15;
	(pc) =	sbr.rel @p0 .LBB2_6-.Ltmp1, $4  }
0x143: {  	s12 =	sadd.s32 $0x2, s11;
	[tilespmem:s2+$0xFFFFFF20] =	vst v16;
	v13 =	vld [tilespmem:s0+$0xFFFFFFE0];
	v15 =	vmul.f32 v12, v0;
	v16 =	vmul.f32 v11, v0  }
0x144: {  	v11 =	vmov s12;
	[tilespmem:s2+$0xFFFFFF30] =	vst v4  }
0x145: {  	v4 =	vand.u32 $0xFFFFFFFE, v11;
	v12 =	vld [tilespmem:s0+$0xFFFFFFA0];
	v18 =	vunpack.i.l.bf16.f32 v17;
	[tilespmem:s2+$0xA0] =	vst v15  }
0x146: {  	s11 =	sadd.s32 $0x4, s11;
	v11 =	vbroadcast v4, $0x0;
	v15 =	vunpack.i.u.bf16.f32 v17;
	v4 =	vld.idx.msk [tilespmem:v14+s21+$0x0], $0xffff;
	v14 =	vmul.f32 v18, v3;
	[tilespmem:s2+$0xB0] =	vst v16  }
0x147: {  	_ =	sdelay $0x1  }
0x148: {  	[tilespmem:s29+$0xFFFFFF60] =	vst v8  }
0x149: {  	v16 =	vld [tilespmem:s0+$0x60];
	[tilespmem:s29+$0xFFFFFF70] =	vst v7  }
0x14a: {  	v10 =	vld.idx.msk [tilespmem:v10+s21+$0x0], $0xffff;
	[tilespmem:s29+$0xE0] =	vst v6  }
0x14b: {  	v15 =	vmul.f32 v15, v3;
	s12 =	sadd.s32 $0x100, s0;
	v6 =	vld.idx.msk [tilespmem:v9+s21+$0x0], $0xffff;
	[tilespmem:s29+$0xF0] =	vst v5;
	v42 =	vunpack.i.l.bf16.f32 v13  }
0x14c: {  	[tilespmem:s2+$0x40] =	vst v14;
	v43 =	vunpack.i.u.bf16.f32 v13;
	v47 =	vld [tilespmem:s12+$0x0];
	v8 =	vmul.f32 v42, v2  }
0x14d: {  	v11 =	vld.idx.msk [tilespmem:v11+s21+$0x0], $0xffff;
	[tilespmem:s2+$0x50] =	vst v15;
	v13 =	vmul.f32 v43, v2;
	v44 =	vunpack.i.l.bf16.f32 v12  }
0x14e: {  	v52 =	vld [tilespmem:s12+$0xFFFFFFC0];
	v45 =	vunpack.i.u.bf16.f32 v12;
	v46 =	vmul.f32 v44, v1;
	[tilespmem:s2+$0xFFFFFFC0] =	vst v8  }
0x14f: {  	v55 =	vld [tilespmem:s12+$0xFFFFFF80];
	v7 =	vmul.f32 v45, v1;
	[tilespmem:s2+$0xFFFFFFD0] =	vst v13;
	v48 =	vunpack.i.l.bf16.f32 v16  }
0x150: {  	v15 =	vld [tilespmem:s8+$0x30];
	v49 =	vunpack.i.u.bf16.f32 v16;
	[tilespmem:s2+$0xFFFFFF40] =	vst v46;
	v50 =	vmul.f32 v48, v0  }
0x151: {  	v51 =	vmul.f32 v49, v0;
	[tilespmem:s2+$0xFFFFFF50] =	vst v7;
	v57 =	vunpack.i.l.bf16.f32 v47  }
0x152: {  	v8 =	vunpack.i.u.bf16.f32 v47;
	v58 =	vmul.f32 v57, v11;
	[tilespmem:s2+$0xC0] =	vst v50  }
0x153: {  	s31 =	sadd.s32 $0x200, s2;
	v59 =	vld [tilespmem:s12+$0x40];
	v7 =	vunpack.i.u.bf16.f32 v52;
	v8 =	vmul.f32 v8, v11;
	[tilespmem:s2+$0xD0] =	vst v51  }
0x154: {  	v13 =	vunpack.i.u.bf16.f32 v55;
	v7 =	vmul.f32 v7, v10;
	[tilespmem:s31+$0x0] =	vst v58  }
0x155: {  	v5 =	vmul.f32 v13, v6;
	v53 =	vunpack.i.u.bf16.f32 v15;
	[tilespmem:s31+$0x10] =	vst v8  }
0x156: {  	v61 =	vld [tilespmem:s8+$0xFFFFFFF0];
	v60 =	vunpack.i.l.bf16.f32 v52;
	v54 =	vunpack.i.l.bf16.f32 v15;
	v14 =	vmul.f32 v53, v3;
	[tilespmem:s31+$0xFFFFFF90] =	vst v7  }
0x157: {  	v62 =	vunpack.i.l.bf16.f32 v55;
	v56 =	vmul.f32 v54, v3;
	v3 =	vmul.f32 v60, v10;
	[tilespmem:s31+$0xFFFFFF10] =	vst v5  }
0x158: {  	v16 =	vunpack.i.u.bf16.f32 v59;
	v8 =	vmul.f32 v62, v6;
	v63 =	vld [tilespmem:s12+$0x10];
	[tilespmem:s2+$0x70] =	vst v14  }
0x159: {  	v7 =	vmul.f32 v16, v4;
	[tilespmem:s31+$0xFFFFFF80] =	vst v3  }
0x15a: {  	v15 =	vunpack.i.l.bf16.f32 v59;
	[tilespmem:s31+$0xFFFFFF00] =	vst v8;
	v17 =	vld [tilespmem:s12+$0xFFFFFFD0]  }
0x15b: {  	v18 =	vunpack.i.l.bf16.f32 v61;
	v3 =	vmul.f32 v15, v4;
	[tilespmem:s31+$0x90] =	vst v7  }
0x15c: {  	v23 =	vunpack.i.u.bf16.f32 v61;
	v19 =	vmul.f32 v18, v2;
	[tilespmem:s30+$0x60] =	vst v56;
	v20 =	vld [tilespmem:s12+$0xFFFFFF90]  }
0x15d: {  	v25 =	vmul.f32 v23, v2;
	[tilespmem:s31+$0x80] =	vst v3;
	v21 =	vunpack.i.l.bf16.f32 v63  }
0x15e: {  	[tilespmem:s30+$0xFFFFFFE0] =	vst v19;
	v24 =	vld [tilespmem:s12+$0x50];
	v22 =	vunpack.i.u.bf16.f32 v63;
	v13 =	vmul.f32 v21, v11  }
0x15f: {  	[tilespmem:s30+$0xFFFFFFF0] =	vst v25;
	v3 =	vmul.f32 v22, v11;
	v26 =	vunpack.i.l.bf16.f32 v17  }
0x160: {  	v27 =	vld [tilespmem:s8+$0xFFFFFFB0];
	v8 =	vunpack.i.u.bf16.f32 v17;
	[tilespmem:s31+$0x20] =	vst v13;
	v5 =	vmul.f32 v26, v10  }
0x161: {  	v29 =	vunpack.i.l.bf16.f32 v20;
	[tilespmem:s31+$0x30] =	vst v3;
	v28 =	vmul.f32 v8, v10  }
0x162: {  	v30 =	vunpack.i.u.bf16.f32 v20;
	v8 =	vmul.f32 v29, v6;
	v13 =	vld [tilespmem:s12+$0x20];
	[tilespmem:s31+$0xFFFFFFA0] =	vst v5  }
0x163: {  	v2 =	vmul.f32 v30, v6;
	v31 =	vunpack.i.l.bf16.f32 v24;
	[tilespmem:s31+$0xFFFFFFB0] =	vst v28  }
0x164: {  	v32 =	vunpack.i.u.bf16.f32 v24;
	[tilespmem:s31+$0xFFFFFF20] =	vst v8;
	v3 =	vmul.f32 v31, v4;
	v33 =	vld [tilespmem:s12+$0xFFFFFFE0]  }
0x165: {  	v34 =	vunpack.i.l.bf16.f32 v27;
	v5 =	vmul.f32 v32, v4;
	[tilespmem:s31+$0xFFFFFF30] =	vst v2  }
0x166: {  	v39 =	vunpack.i.u.bf16.f32 v27;
	v35 =	vmul.f32 v34, v1;
	v36 =	vld [tilespmem:s12+$0xFFFFFFA0];
	[tilespmem:s31+$0xA0] =	vst v3  }
0x167: {  	v41 =	vmul.f32 v39, v1;
	[tilespmem:s31+$0xB0] =	vst v5;
	v37 =	vunpack.i.l.bf16.f32 v13  }
0x168: {  	[tilespmem:s30+$0xFFFFFF60] =	vst v35;
	v40 =	vld [tilespmem:s12+$0x60];
	v38 =	vunpack.i.u.bf16.f32 v13;
	v12 =	vmul.f32 v37, v11  }
0x169: {  	[tilespmem:s30+$0xFFFFFF70] =	vst v41;
	v3 =	vmul.f32 v38, v11;
	v42 =	vunpack.i.l.bf16.f32 v33  }
0x16a: {  	v43 =	vld [tilespmem:s8+$0x70];
	v8 =	vunpack.i.u.bf16.f32 v33;
	[tilespmem:s31+$0x40] =	vst v12;
	v2 =	vmul.f32 v42, v10  }
0x16b: {  	v45 =	vunpack.i.l.bf16.f32 v36;
	[tilespmem:s31+$0x50] =	vst v3;
	v44 =	vmul.f32 v8, v10  }
0x16c: {  	v46 =	vunpack.i.u.bf16.f32 v36;
	v8 =	vmul.f32 v45, v6;
	v12 =	vld [tilespmem:s12+$0x30];
	[tilespmem:s31+$0xFFFFFFC0] =	vst v2  }
0x16d: {  	v1 =	vmul.f32 v46, v6;
	v47 =	vunpack.i.l.bf16.f32 v40;
	[tilespmem:s31+$0xFFFFFFD0] =	vst v44  }
0x16e: {  	v48 =	vunpack.i.u.bf16.f32 v40;
	[tilespmem:s31+$0xFFFFFF40] =	vst v8;
	v2 =	vmul.f32 v47, v4;
	v49 =	vld [tilespmem:s12+$0xFFFFFFF0]  }
0x16f: {  	v50 =	vunpack.i.l.bf16.f32 v43;
	v3 =	vmul.f32 v48, v4;
	[tilespmem:s31+$0xFFFFFF50] =	vst v1  }
0x170: {  	v55 =	vunpack.i.u.bf16.f32 v43;
	v51 =	vmul.f32 v50, v0;
	v53 =	vld [tilespmem:s12+$0xFFFFFFB0];
	[tilespmem:s31+$0xC0] =	vst v2  }
0x171: {  	v58 =	vmul.f32 v55, v0;
	[tilespmem:s31+$0xD0] =	vst v3;
	v52 =	vunpack.i.u.bf16.f32 v12  }
0x172: {  	[tilespmem:s30+$0xE0] =	vst v51;
	v57 =	vld [tilespmem:s12+$0x70];
	v54 =	vunpack.i.l.bf16.f32 v12;
	v8 =	vmul.f32 v52, v11  }
0x173: {  	[tilespmem:s30+$0xF0] =	vst v58;
	v56 =	vmul.f32 v54, v11;
	v59 =	vunpack.i.l.bf16.f32 v49  }
0x174: {  	v60 =	vunpack.i.u.bf16.f32 v49;
	[tilespmem:s31+$0x70] =	vst v8;
	v3 =	vmul.f32 v59, v10  }
0x175: {  	v61 =	vunpack.i.l.bf16.f32 v53;
	[tilespmem:s31+$0x60] =	vst v56;
	v5 =	vmul.f32 v60, v10  }
0x176: {  	v2 =	vunpack.i.u.bf16.f32 v53;
	v0 =	vmul.f32 v61, v6;
	[tilespmem:s31+$0xFFFFFFE0] =	vst v3  }
0x177: {  	v2 =	vmul.f32 v2, v6;
	v62 =	vunpack.i.l.bf16.f32 v57;
	[tilespmem:s31+$0xFFFFFFF0] =	vst v5  }
0x178: {  	v1 =	vunpack.i.u.bf16.f32 v57;
	v3 =	vmul.f32 v62, v4;
	[tilespmem:s31+$0xFFFFFF60] =	vst v0  }
0x179: {  	s26 =	sadd.s32 $0x1, s26;
	v63 =	vmul.f32 v1, v4;
	[tilespmem:s31+$0xFFFFFF70] =	vst v2  }
0x17a: {  	p0 =	sne.s32 s26, $0x8;
	[tilespmem:s31+$0xE0] =	vst v3  }
.Ltmp2:
0x17b: {  	[tilespmem:s31+$0xF0] =	vst v63;
	(pc) =	sbr.rel @p0 .LBB2_3-.Ltmp2, $4  }
0x17c: {  	[spmem:s3] =	stream.indirect.scatter.add.f32 [tilespmem:s22], [sflag:$0x3], $0x80, s28, s17, $0xb8;
	[tilespmem:$0x1D880] =	vst v63  }
0x17d: {  	_ =	swait.ge [sflag:s14], $0x4000  }
0x17e: {  	[sflag:s14] =	ssyncset.done $0x0  }
0x17f: {  	[sflag:s14] =	ssyncadd.s32 $0xFFFFC000  }
0x180: {  	s24 =	sadd.s32 $0x1, s24  }
0x181: {  	p0 =	sne.s32 s24, $0x5  }
.Ltmp3:
0x182: {  	_ = 	snop;
	(pc) =	sbr.rel @p0 .LBB2_2-.Ltmp3, $1  }
0x183: {  	_ =	sdelay $0x3  }
0x184: {  	[bflag:$0x0] =	sbarrier.arrive $0xFFFF  }
0x185: {  	s0 =	rddreg [dreg:$0x5]  }
0x186: {  	[hbm:s0], [sflag:s9] =	dma.local [spmem:s13], $0x2800  }
0x187: {  	_ =	swait.ge [sflag:s14], $0x2800  }
0x188: {  	s4 =	sadd.s32 $0x1, s4;
	s31 =	rddreg [dreg:$0x6]  }
0x189: {  	p0 =	sne.s32 s4, s31  }
.Ltmp4:
0x18a: {  	_ = 	snop;
	(pc) =	sbr.rel @p0 .LBB2_1-.Ltmp4, $3  }
0x18b: {  	_ =	sdelay $0x1  }
0x18c: {  	[sflag:s14] =	ssyncset.done $0x0  }
0x18d: {  	[sflag:s14] =	ssyncadd.s32 $0xFFFFD800  }
0x18e: {  	_ =	sfence.sel $0x180000  }
0x18f: {  	[bflag:$0x0] =	sbarrier.arrive $0xFFFF  }
0x190: {  	_ =	strace $0x9000004A  }
0x191: {  	s0 =	stileid.u32;
	[bflag:$0x2] =	sbarrier.arrive $0xFFFF  }
0x192: {  	p0 =	sne.s32 s0, $0x0;
	s0 =	rddreg [dreg:$0x3]  }
0x193: {  	s0 =	sadd.s32 @!p0 $0x100000, s0  }
0x194: {  	[sflag:s0] =	ssyncadd.tile.s32 @!p0 $0x1;
	_ =	shalt  }
.Lfunc_end2:
_tile_overlayer_lowered:
.L_overlay_start_2:
0x195: {  	(tag) =	ssettag $0x2  }
0x196: {  	s0 =	rddreg [dreg:$0x0];
	s2 =	stileid.u32  }
0x197: {  	s1 =	rddreg [dreg:$0x1];
	p0 =	sne.s32 s2, $0x0  }
0x198: {  	s3 =	rddreg [dreg:$0x2];
	[bflag:$0x3] =	sbarrier.arrive $0xFFFF;
	s2 =	simm.s32 @!p0 $0x1C03  }
0x199: {  	[timem:s3], [sflag:s2] =	dma.local @!p0 [hbm:s0], s1  }
0x19a: {  	s0 =	simm.s32 @!p0 $0x3  }
0x19b: {  	_ =	swait.ge @!p0 [sflag:s0], s1  }
0x19c: {  	s1 =	ssub.s32 @!p0 $0x0, s1;
	[sflag:s0] =	ssyncset.done @!p0 $0x0  }
0x19d: {  	[sflag:s0] =	ssyncadd.s32 @!p0 s1  }
0x19e: {  	[bflag:$0x3] =	sbarrier.arrive $0xFFFF  }
0x19f: {  	_ =	shalt  }

// kernel: kernel.14.cloned.1.call-start
scs
__scs_entry_jumppad:
0x0: {  	(pc) =	sbr.rel $0x88, $3  }
0x1: {  	(tag) =	ssettag $0x0;
	lr =	simm.s32 $0x1  }
0x2: {  	[smem:$0x3F95] =	sst lr;
	_ =	strace $0xD0000000  }
0x3: {  	_ = 	snop  }
0x4: {  	_ = 	snop  }
0x5: {  	_ = 	snop  }
0x6: {  	_ = 	snop  }
0x7: {  	_ = 	snop  }
__scs_overlays_trampoline_lowered:
0x8: {  	[smem:$0x3FA4] =	sst s0  }
0x9: {  	[smem:$0x3FA5] =	sst s1  }
0xa: {  	[smem:$0x3FA6] =	sst s2  }
0xb: {  	[smem:$0x3FA7] =	sst s3  }
0xc: {  	[smem:$0x3FA8] =	sst s4  }
0xd: {  	[smem:$0x3FA9] =	sst s5  }
0xe: {  	[smem:$0x3FAA] =	sst s6  }
0xf: {  	[smem:$0x3FAB] =	sst s7  }
0x10: {  	[smem:$0x3FAC] =	sst s8  }
0x11: {  	[smem:$0x3FAD] =	sst s9;
	s0 =	simm.s32 @!p0 $0x0  }
0x12: {  	s1 =	sld [smem:$0x3F93];
	s0 =	simm.s32 @p0 $0x1  }
0x13: {  	[smem:$0x3FAE] =	sst s0;
	s0 =	simm.s32 @!p1 $0x0  }
0x14: {  	s2 =	sld [smem:$0x3F92];
	s0 =	simm.s32 @p1 $0x1  }
0x15: {  	[smem:$0x3FAF] =	sst s0;
	s0 =	simm.s32 @!p2 $0x0  }
0x16: {  	s3 =	sld [smem:$0x3FDB];
	s0 =	simm.s32 @p2 $0x1  }
0x17: {  	s4 =	simm.s32 $0x1BF5;
	[smem:$0x3FB1] =	sst s0  }
0x18: {  	s0 =	sld [smem:$0x3F94];
	_ =	swait.ge [sflag:s4], $0x0  }
0x19: {  	s7 =	sld [smem:$0x3F95]  }
0x1a: {  	s8 =	sadd.s32 $0xFFFFE003, lr  }
0x1b: {  	s9 =	sadd.s32 $0xFFFFFEF7, lr;
	s5 =	simm.s32 $0xFFFFFFFF;
	p2 =	slt.u32 s8, $0xFFFFF086  }
0x1c: {  	p1 =	slt.u32 s9, $0xF7A;
	s5 =	simm.s32 @!p2 $0x0  }
0x1d: {  	s5 =	simm.s32 @p1 $0x1;
	p0 =	seq.s32 s7, s2  }
0x1e: {  	s7 =	smul.u32 @!p0 $0xF7A, s2;
	p2 =	seq.s32 @!p0 s5, $0x0  }
0x1f: {  	s9 =	smul.u32 $0xF7A, s1;
	s8 =	simm.s32 @!p0 $0x1BF5;
	p2 =	por !p2, p0  }
0x20: {  	[sflag:s8] =	ssyncset.s32 @!p0 $0xFFFFF086;
	s6 =	sadd.s32 @!p0 s3, s7;
	s7 =	simm.s32 @!p0 $0x108  }
0x21: {  	s3 =	sadd.s32 s3, s9;
	s6 =	sadd.s32 @!p0 $0x88, s6;
	s7 =	simm.s32 @p2 $0x1082  }
0x22: {  	[simem:s7], [sflag:s8] =	dma.local @!p0 [hbm:s6], $0xF7A  }
0x23: {  	s9 =	sor.u32 $0xD0000000, s2;
	s6 =	simm.s32 $0x108;
	_ =	swait.ge @!p0 [sflag:s8], $0x0  }
0x24: {  	s3 =	sadd.s32 $0x88, s3;
	s6 =	simm.s32 @!p1 $0x1082;
	[sflag:s4] =	ssyncset.s32 $0xFFFFF086  }
0x25: {  	[simem:s6], [sflag:s4] =	dma.local [hbm:s3], $0xF7A  }
0x26: {  	[smem:$0x3F95] =	sst s1;
	(tag) =	ssettag s2;
	_ =	strace s9  }
0x27: {  	s1 =	sld [smem:$0x3FA5]  }
0x28: {  	s2 =	sld [smem:$0x3FA6]  }
0x29: {  	s4 =	sld [smem:$0x3FA8]  }
0x2a: {  	p0 =	seq.s32 s5, $0x0;
	s5 =	sld [smem:$0x3FA9]  }
0x2b: {  	s6 =	sld [smem:$0x3FAA]  }
0x2c: {  	s7 =	sld [smem:$0x3FAB]  }
0x2d: {  	s3 =	simm.s32 $0x108;
	s8 =	sld [smem:$0x3FAC]  }
0x2e: {  	s3 =	simm.s32 @!p0 $0x1082;
	s9 =	sld [smem:$0x3FAD]  }
0x2f: {  	lr =	sadd.s32 s0, s3;
	s0 =	sld [smem:$0x3FA4]  }
0x30: {  	s3 =	sld [smem:$0x3FA7]  }
0x31: {  	[smem:$0x3FB0] =	sst s10  }
0x32: {  	s10 =	sld [smem:$0x3FAE];
	_ =	sdelay $0x3  }
0x33: {  	p0 =	seq.s32 s10, $0x1;
	s10 =	sld [smem:$0x3FB0];
	_ =	sdelay $0x3  }
0x34: {  	[smem:$0x3FB0] =	sst s10  }
0x35: {  	s10 =	sld [smem:$0x3FAF];
	_ =	sdelay $0x3  }
0x36: {  	p1 =	seq.s32 s10, $0x1;
	s10 =	sld [smem:$0x3FB0];
	_ =	sdelay $0x3  }
0x37: {  	[smem:$0x3FB0] =	sst s10  }
0x38: {  	s10 =	sld [smem:$0x3FB1]  }
0x39: {  	_ = 	snop;
	(pc) =	sbr.ind lr, $3  }
0x3a: {  	_ = 	snop  }
0x3b: {  	_ = 	snop  }
0x3c: {  	p2 =	seq.s32 s10, $0x1;
	s10 =	sld [smem:$0x3FB0]  }
0x3d: {  	_ =	shalt  }
0x3e: {  	_ =	shalt  }
0x3f: {  	_ =	shalt  }
0x40: {  	_ =	shalt  }
0x41: {  	_ =	shalt  }
0x42: {  	_ =	shalt  }
0x43: {  	_ =	shalt  }
0x44: {  	_ =	shalt  }
0x45: {  	_ =	shalt  }
0x46: {  	_ =	shalt  }
0x47: {  	_ =	shalt  }
0x48: {  	_ =	shalt  }
0x49: {  	_ =	shalt  }
0x4a: {  	_ =	shalt  }
0x4b: {  	_ =	shalt  }
0x4c: {  	_ =	shalt  }
0x4d: {  	_ =	shalt  }
0x4e: {  	_ =	shalt  }
0x4f: {  	_ =	shalt  }
0x50: {  	_ =	shalt  }
0x51: {  	_ =	shalt  }
0x52: {  	_ =	shalt  }
0x53: {  	_ =	shalt  }
0x54: {  	_ =	shalt  }
0x55: {  	_ =	shalt  }
0x56: {  	_ =	shalt  }
0x57: {  	_ =	shalt  }
0x58: {  	_ =	shalt  }
0x59: {  	_ =	shalt  }
0x5a: {  	_ =	shalt  }
0x5b: {  	_ =	shalt  }
0x5c: {  	_ =	shalt  }
0x5d: {  	_ =	shalt  }
0x5e: {  	_ =	shalt  }
0x5f: {  	_ =	shalt  }
0x60: {  	_ =	shalt  }
0x61: {  	_ =	shalt  }
0x62: {  	_ =	shalt  }
0x63: {  	_ =	shalt  }
0x64: {  	_ =	shalt  }
0x65: {  	_ =	shalt  }
0x66: {  	_ =	shalt  }
0x67: {  	_ =	shalt  }
0x68: {  	_ =	shalt  }
0x69: {  	_ =	shalt  }
0x6a: {  	_ =	shalt  }
0x6b: {  	_ =	shalt  }
0x6c: {  	_ =	shalt  }
0x6d: {  	_ =	shalt  }
0x6e: {  	_ =	shalt  }
0x6f: {  	_ =	shalt  }
0x70: {  	_ =	shalt  }
0x71: {  	_ =	shalt  }
0x72: {  	_ =	shalt  }
0x73: {  	_ =	shalt  }
0x74: {  	_ =	shalt  }
0x75: {  	_ =	shalt  }
0x76: {  	_ =	shalt  }
0x77: {  	_ =	shalt  }
0x78: {  	_ =	shalt  }
0x79: {  	_ =	shalt  }
0x7a: {  	_ =	shalt  }
0x7b: {  	_ =	shalt  }
0x7c: {  	_ =	shalt  }
0x7d: {  	_ =	shalt  }
0x7e: {  	_ =	shalt  }
0x7f: {  	_ =	shalt  }
0x80: {  	_ =	shalt  }
0x81: {  	_ =	shalt  }
0x82: {  	_ =	shalt  }
0x83: {  	_ =	shalt  }
0x84: {  	_ =	shalt  }
0x85: {  	_ =	shalt  }
0x86: {  	_ =	shalt  }
0x87: {  	_ =	shalt  }
.Lfunc_end0:
.L_simem_size_0:
called_computation.2_lowered:
.L_overlay_start_0:
0x88: {  	s2 =	sld [smem:$0x3FD9]  }
0x89: {  	s3 =	sld [smem:$0x3FFE];
	_ =	sdelay $0x1  }
0x8a: {  	s1 =	srdreg.scid  }
0x8b: {  	s0 =	sand.u32 $0x1, s1  }
0x8c: {  	s17 =	sshll.u32 s0, $0xA;
	s2 =	sadd.s32 s3, s2  }
0x8d: {  	s2 =	sadd.s32 s2, s17  }
0x8e: {  	[smem:$0x3FBC] =	sst s2  }
0x8f: {  	_ = 	snop  }
0x90: {  	s2 =	sld [smem:$0x3FD0];
	(tm) =	ssettm $0x1  }
0x91: {  	s18 =	sld [smem:$0x3FFB];
	_ =	sdelay $0x3  }
0x92: {  	_ =	strace s18  }
0x93: {  	s3 =	sld [smem:$0x3FFC];
	_ =	sdelay $0x3  }
0x94: {  	_ =	strace s3  }
0x95: {  	s3 =	sld [smem:$0x3FFD];
	_ =	sdelay $0x3  }
0x96: {  	_ =	strace s3  }
0x97: {  	_ =	strace $0x8FFFFFFF  }
0x98: {  	s19 =	sld [smem:$0x3FDB];
	_ =	sdelay $0x1  }
0x99: {  	s4 =	simm.s32 $_scs_section_size  }
0x9a: {  	s5 =	simm.s32 $_size__tile_overlayer_lowered;
	s6 =	simm.s32 $_tile_overlayer_lowered  }
0x9b: {  	s22 =	simm.s32 $0x1BFF;
	s21 =	sshll.u32 s6, $0x1;
	s3 =	sadd.s32 s4, s19  }
0x9c: {  	s7 =	simm.s32 $0x0;
	s20 =	sshll.u32 s5, $0x1;
	s5 =	sadd.s32 s21, s3  }
0x9d: {  	[timem:s7], [sflag:s22] =	dma.local [hbm:s5], s20  }
0x9e: {  	_ =	swait.ge [sflag:s22], s20  }
0x9f: {  	s4 =	ssub.s32 $0x0, s20;
	[sflag:s22] =	ssyncset.done $0x0  }
0xa0: {  	[sflag:s22] =	ssyncadd.s32 s4;
	_ =	sdelay $0x1  }
0xa1: {  	s23 =	simm.s32 $0x1B8B  }
0xa2: {  	_ =	swait.ge [sflag:s23], $0x1  }
0xa3: {  	[sflag:s23] =	ssyncset.done $0x0  }
0xa4: {  	s25 =	simm.s32 $0x1B8E;
	s24 =	sld [smem:$0x3FFE];
	[sflag:s23] =	ssyncadd.s32 $0xFFFFFFFF  }
0xa5: {  	s26 =	simm.s32 $execute0_lowered;
	[smem:$0x3FD2] =	sst s25  }
0xa6: {  	s5 =	sshll.u32 s26, $0x1;
	_ =	strace $0x8000004C;
	[dreg:$0x1] =	wrdreg $0xFFFFFFFF  }
0xa7: {  	s28 =	simm.s32 $_size_execute0_lowered;
	s3 =	sadd.s32 s3, s5;
	[dreg:$0x0] =	wrdreg $0x0  }
0xa8: {  	s5 =	sshll.u32 s28, $0x1;
	[dreg:$0x2] =	wrdreg s3  }
0xa9: {  	[dreg:$0x3] =	wrdreg s5  }
0xaa: {  	[dreg:$0x4] =	wrdreg $0xC0  }
0xab: {  	_ =	task [dreg:s7], $0x5FFFF  }
0xac: {  	[dreg:$0x1] =	wrdreg $0xFFFFFFFF  }
0xad: {  	[dreg:$0x0] =	wrdreg $0x60  }
0xae: {  	[dreg:$0x2] =	wrdreg s2  }
0xaf: {  	[dreg:$0x3] =	wrdreg s24  }
0xb0: {  	[dreg:$0x4] =	wrdreg $0x98800  }
0xb1: {  	[dreg:$0x5] =	wrdreg $0x9  }
0xb2: {  	_ =	task.clear_ibuf [dreg:s7], $0x6FFFF;
	_ =	strace $0x9000004C  }
0xb3: {  	s29 =	simm.s32 $0x9;
	_ =	strace $0x8000004E  }
0xb4: {  	_ =	swait.ge [sflag:s29], $0x1  }
0xb5: {  	[sflag:s29] =	ssyncadd.s32 $0xFFFFFFFF  }
0xb6: {  	_ =	strace $0x9000004E  }
0xb7: {  	_ =	sfence  }
0xb8: {  	s30 =	sld [smem:$0x0];
	_ =	sdelay $0x2  }
0xb9: {  	s31 =	sshll.u32 s1, $0xD;
	s1 =	sshrl.u32 s1, $0x2  }
0xba: {  	s3 =	sand.u32 $0x4000, s31;
	s1 =	sadd.s32 s1, s30  }
0xbb: {  	s0 =	sor.u32 s3, s0;
	s1 =	sshll.u32 s1, $0x11  }
0xbc: {  	s0 =	sor.u32 s1, s0  }
0xbd: {  	s0 =	sadd.s32 $0x8F2B, s0  }
0xbe: {  	[sflag:s0] =	ssyncadd.remote.s32 $0x1  }
0xbf: {  	_ =	sfence.sel $0xFFFF  }
0xc0: {  	[dreg:$0x0] =	wrdreg $0xFFFFFFFF;
	(pc) =	sbr.abs _section_cstart, $3  }
0xc1: {  	[dreg:$0x1] =	wrdreg $0xFFFFFFFF  }
0xc2: {  	_ =	task.clear_ibuf [dreg:s7], $0x2FFFF;
	_ =	strace $0x9FFFFFFF  }
0xc3: {  	(tm) =	ssettm $0x7FFFFFFF  }
tec
execute0_lowered:
.L_overlay_start_1:
0x0: {  	(tag) =	ssettag $0x1  }
0x1: {  	s1 =	rddreg [dreg:$0x0]  }
0x2: {  	s0 =	rddreg [dreg:$0x1]  }
0x3: {  	s3 =	rddreg [dreg:$0x2];
	s4 =	simm.s32 $0x0  }
0x4: {  	s14 =	stileid.u32;
	s2 =	srdreg.scid;
	s15 =	simm.s32 $0x800  }
0x5: {  	s16 =	simm.s32 $0x1000;
	s17 =	simm.s32 $0x80;
	s18 =	simm.s32 $0x1880  }
0x6: {  	s19 =	simm.s32 $0x1;
	s20 =	simm.s32 $0x3880;
	s21 =	simm.s32 $0x1800  }
0x7: {  	s22 =	simm.s32 $0x5880;
	s23 =	simm.s32 $0x2;
	s25 =	simm.s32 $0x0  }
0x8: {  	[smem:$0x7FF] =	sst s4;
	s8 =	smul.u32 $0x14000, s14;
	s2 =	sand.u32 $0x1, s2  }
0x9: {  	s5 =	sadd.s32 $0x21C00, s0;
	s6 =	sadd.s32 $0x2C00, s0;
	s7 =	sadd.s32 $0x16C00, s0  }
0xa: {  	s13 =	sshll.u32 s14, $0x1;
	s30 =	sshll.u32 s14, $0x6;
	s14 =	simm.s32 $0x3  }
0xb: {  	_ =	strace $0x8000004D;
	s9 =	smul.u32 $0x140000, s2;
	s11 =	ssub.s32 $0x2, s2  }
0xc: {  	s2 =	sor.u32 s2, s13;
	s10 =	sshrl.u32 s8, $0x3;
	s12 =	sshrl.u32 s11, $0x1  }
0xd: {  	s10 =	sadd.s32 s10, s0;
	s9 =	sadd.s32 s8, s9;
	s11 =	ssub.s32 s11, s12  }
0xe: {  	s8 =	sadd.s32 s8, s3;
	s9 =	sshrl.u32 s9, $0x3;
	s29 =	sadd.s32 $0x52E00, s10  }
0xf: {  	s31 =	smax.u32 s11, $0x1;
	s0 =	sadd.s32 s9, s0;
	[dreg:$0x4] =	wrdreg s29  }
0x10: {  	s10 =	smul.u32 $0x2800, s2;
	[dreg:$0x6] =	wrdreg s31;
	s0 =	sadd.s32 $0x7AE00, s0  }
0x11: {  	s13 =	sshrl.u32 s8, $0x3;
	s9 =	sor.u32 $0x1C03, s30;
	[dreg:$0x5] =	wrdreg s0  }
.LBB2_1:
0x12: {  	s0 =	rddreg [dreg:$0x4]  }
0x13: {  	[spmem:s13], [sflag:s9] =	dma.local [hbm:s0], $0x2800  }
0x14: {  	_ =	swait.ge [sflag:s14], $0x2800  }
0x15: {  	[sflag:s14] =	ssyncset.done $0x0  }
0x16: {  	[sflag:s14] =	ssyncadd.s32 $0xFFFFD800  }
0x17: {  	s24 =	simm.s32 $0x0;
	[bflag:$0x0] =	sbarrier.arrive $0xFFFF  }
.LBB2_2:
0x18: {  	s0 =	sshll.u32 s24, $0xB  }
0x19: {  	s0 =	sadd.s32 s10, s0  }
0x1a: {  	s0 =	sshrl.u32 s0, $0x3  }
0x1b: {  	s2 =	sadd.s32 s6, s0  }
0x1c: {  	[tilespmem:s25], [sflag:$0x3] =	stream.linear.gather [hbm4b:s2+s25], $0x800, $0x38;
	[tilespmem:$0x1D880] =	vst v63  }
0x1d: {  	_ =	swait.ge [sflag:s14], $0x800  }
0x1e: {  	[sflag:s14] =	ssyncset.done $0x0  }
0x1f: {  	s31 =	sadd.s32 s7, s0;
	[sflag:s14] =	ssyncadd.s32 $0xFFFFF800  }
0x20: {  	[tilespmem:s15], [sflag:$0x3] =	stream.linear.gather [hbm4b:s31+s25], $0x800, $0x38;
	[tilespmem:$0x1D880] =	vst v63  }
0x21: {  	_ =	swait.ge [sflag:s14], $0x800  }
0x22: {  	[sflag:s14] =	ssyncset.done $0x0  }
0x23: {  	s0 =	sadd.s32 s5, s0;
	[sflag:s14] =	ssyncadd.s32 $0xFFFFF800  }
0x24: {  	[tilespmem:s16], [sflag:$0x3] =	stream.linear.gather [hbm4b:s0+s25], $0x800, $0x38;
	[tilespmem:$0x1D880] =	vst v63  }
0x25: {  	_ =	swait.ge [sflag:s14], $0x800  }
0x26: {  	[sflag:s14] =	ssyncset.done $0x0  }
0x27: {  	s26 =	simm.s32 $0x0;
	[sflag:s14] =	ssyncadd.s32 $0xFFFFF800  }
0x28: {  	[tilespmem:s18], [sflag:$0x1] =	stream.indirect.gather [hbm4b:s1+s17], $0x40, s16, s17, $0xb8;
	[tilespmem:$0x1D880] =	vst v63  }
.LBB2_3:
0x29: {  	_ =	swait.ge [sflag:s19], $0x2000  }
0x2a: {  	s29 =	sshll.u32 s26, $0x8;
	[sflag:s19] =	ssyncset.done $0x0  }
0x2b: {  	s0 =	sadd.s32 $0x1080, s29;
	[sflag:s19] =	ssyncadd.s32 $0xFFFFE000  }
0x2c: {  	[tilespmem:s20], [sflag:$0x2] =	stream.indirect.gather [hbm4b:s1+s17], $0x40, s0, s17, $0xb8;
	[tilespmem:$0x1D880] =	vst v63  }
0x2d: {  	v0 =	vld [tilespmem:s29+$0x800];
	_ =	sdelay $0x4  }
0x2e: {  	[tilespmem:$0x1800] =	vst v0  }
0x2f: {  	v0 =	vld [tilespmem:s29+$0x810];
	_ =	sdelay $0x4  }
0x30: {  	[tilespmem:$0x1810] =	vst v0  }
0x31: {  	v0 =	vld [tilespmem:s29+$0x820];
	_ =	sdelay $0x4  }
0x32: {  	[tilespmem:$0x1820] =	vst v0  }
0x33: {  	v0 =	vld [tilespmem:s29+$0x830];
	_ =	sdelay $0x4  }
0x34: {  	[tilespmem:$0x1830] =	vst v0  }
0x35: {  	v0 =	vld [tilespmem:s29+$0x840];
	_ =	sdelay $0x4  }
0x36: {  	[tilespmem:$0x1840] =	vst v0  }
0x37: {  	v0 =	vld [tilespmem:s29+$0x850];
	_ =	sdelay $0x4  }
0x38: {  	[tilespmem:$0x1850] =	vst v0  }
0x39: {  	v0 =	vld [tilespmem:s29+$0x860];
	_ =	sdelay $0x4  }
0x3a: {  	s2 =	simm.s32 $0x2;
	[tilespmem:$0x1860] =	vst v0  }
0x3b: {  	v0 =	vmov s2;
	v1 =	vld [tilespmem:s29+$0x870]  }
0x3c: {  	v0 =	vand.u32 $0xFFFFFFFE, v0  }
0x3d: {  	s8 =	simm.s32 $0x1;
	v0 =	vbroadcast v0, $0x0  }
0x3e: {  	v2 =	vmov s8  }
0x3f: {  	v2 =	vand.u32 $0xFFFFFFFD, v2  }
0x40: {  	v2 =	vbroadcast v2, $0x0;
	[tilespmem:$0x1870] =	vst v1;
	v1 =	vmov s25  }
0x41: {  	s8 =	simm.s32 $0x1900;
	v1 =	vand.u32 $0xFFFFFFFC, v1  }
0x42: {  	v3 =	vld [tilespmem:s8+$0x0];
	v1 =	vbroadcast v1, $0x0  }
0x43: {  	s11 =	simm.s32 $0x3;
	v7 =	vld.idx.msk [tilespmem:v0+s21+$0x0], $0xffff  }
0x44: {  	v0 =	vmov s11  }
0x45: {  	v8 =	vld [tilespmem:s8+$0xFFFFFFC0]  }
0x46: {  	v6 =	vld.idx.msk [tilespmem:v2+s21+$0x0], $0xffff  }
0x47: {  	v9 =	vld [tilespmem:s8+$0xFFFFFF80];
	v2 =	vunpack.i.l.bf16.f32 v3  }
0x48: {  	v3 =	vunpack.i.u.bf16.f32 v3;
	v2 =	vmul.f32 v2, v7;
	v5 =	vld.idx.msk [tilespmem:v1+s21+$0x0], $0xffff  }
0x49: {  	s30 =	simm.s32 $0x5980;
	v4 =	vld.idx.msk [tilespmem:v0+s21+$0x0], $0xffff;
	v1 =	vmul.f32 v3, v7  }
0x4a: {  	v0 =	vunpack.i.l.bf16.f32 v8;
	v3 =	vld [tilespmem:s8+$0x40];
	[tilespmem:s30+$0x0] =	vst v2  }
0x4b: {  	v0 =	vmul.f32 v0, v6;
	[tilespmem:s30+$0x10] =	vst v1;
	v1 =	vunpack.i.u.bf16.f32 v8  }
0x4c: {  	v8 =	vunpack.i.l.bf16.f32 v9;
	v2 =	vld [tilespmem:s8+$0x10];
	v1 =	vmul.f32 v1, v6  }
0x4d: {  	v9 =	vunpack.i.u.bf16.f32 v9;
	[tilespmem:s30+$0xFFFFFF80] =	vst v0;
	v8 =	vmul.f32 v8, v5  }
0x4e: {  	v9 =	vmul.f32 v9, v5;
	[tilespmem:s30+$0xFFFFFF90] =	vst v1  }
0x4f: {  	v0 =	vunpack.i.l.bf16.f32 v3;
	v1 =	vunpack.i.u.bf16.f32 v3;
	v3 =	vld [tilespmem:s8+$0xFFFFFFD0];
	[tilespmem:s30+$0xFFFFFF00] =	vst v8  }
0x50: {  	v0 =	vmul.f32 v0, v4;
	[tilespmem:s30+$0xFFFFFF10] =	vst v9  }
0x51: {  	v1 =	vmul.f32 v1, v4;
	v8 =	vunpack.i.l.bf16.f32 v2;
	v9 =	vld [tilespmem:s8+$0xFFFFFF90]  }
0x52: {  	[tilespmem:s30+$0x80] =	vst v0;
	v0 =	vunpack.i.u.bf16.f32 v2;
	v2 =	vmul.f32 v8, v7  }
0x53: {  	[tilespmem:s30+$0x90] =	vst v1;
	v0 =	vmul.f32 v0, v7  }
0x54: {  	v1 =	vld [tilespmem:s8+$0x50];
	[tilespmem:s30+$0x20] =	vst v2;
	v2 =	vunpack.i.l.bf16.f32 v3  }
0x55: {  	[tilespmem:s30+$0x30] =	vst v0;
	v0 =	vunpack.i.u.bf16.f32 v3;
	v2 =	vmul.f32 v2, v6  }
0x56: {  	s12 =	simm.s32 $0x4;
	v3 =	vld [tilespmem:s8+$0x20];
	v0 =	vmul.f32 v0, v6;
	v10 =	vunpack.i.l.bf16.f32 v9  }
0x57: {  	v8 =	vmov s12;
	v9 =	vunpack.i.u.bf16.f32 v9;
	v10 =	vmul.f32 v10, v5;
	[tilespmem:s30+$0xFFFFFFA0] =	vst v2  }
0x58: {  	s2 =	simm.s32 $0x7;
	v2 =	vand.u32 $0xFFFFFFFC, v8;
	v8 =	vmul.f32 v9, v5;
	[tilespmem:s30+$0xFFFFFFB0] =	vst v0  }
0x59: {  	v11 =	vmov s2;
	s2 =	simm.s32 $0x6;
	v0 =	vunpack.i.l.bf16.f32 v1;
	v1 =	vunpack.i.u.bf16.f32 v1;
	[tilespmem:s30+$0xFFFFFF20] =	vst v10  }
0x5a: {  	v9 =	vld [tilespmem:s8+$0xFFFFFFE0];
	v0 =	vmul.f32 v0, v4;
	v1 =	vmul.f32 v1, v4;
	v10 =	vmov s2;
	[tilespmem:s30+$0xFFFFFF30] =	vst v8  }
0x5b: {  	v2 =	vbroadcast v2, $0x0;
	v8 =	vand.u32 $0xFFFFFFFE, v10;
	v10 =	vunpack.i.l.bf16.f32 v3;
	v12 =	vld [tilespmem:s8+$0xFFFFFFA0]  }
0x5c: {  	s0 =	simm.s32 $0x1A00;
	s11 =	simm.s32 $0x5;
	[tilespmem:s30+$0xA0] =	vst v0;
	v0 =	vunpack.i.u.bf16.f32 v3;
	v8 =	vbroadcast v8, $0x0;
	v3 =	vmul.f32 v10, v7  }
0x5d: {  	v14 =	vld [tilespmem:s0+$0x0];
	[tilespmem:s30+$0xB0] =	vst v1;
	v10 =	vmov s11;
	v1 =	vmul.f32 v0, v7  }
0x5e: {  	v0 =	vand.u32 $0xFFFFFFFD, v10;
	v10 =	vld [tilespmem:s8+$0x60];
	[tilespmem:s30+$0x40] =	vst v3  }
0x5f: {  	v13 =	vbroadcast v0, $0x0;
	v0 =	vld.idx.msk [tilespmem:v11+s21+$0x0], $0xffff;
	v3 =	vunpack.i.l.bf16.f32 v9;
	[tilespmem:s30+$0x50] =	vst v1;
	v1 =	vunpack.i.u.bf16.f32 v9  }
0x60: {  	v3 =	vmul.f32 v3, v6;
	v9 =	vld [tilespmem:s8+$0x30];
	v11 =	vmul.f32 v1, v6;
	v1 =	vunpack.i.l.bf16.f32 v12  }
0x61: {  	v15 =	vmul.f32 v1, v5;
	v1 =	vld.idx.msk [tilespmem:v2+s21+$0x0], $0xffff  }
0x62: {  	v12 =	vunpack.i.u.bf16.f32 v12;
	[tilespmem:s30+$0xFFFFFFC0] =	vst v3;
	v3 =	vld.idx.msk [tilespmem:v8+s21+$0x0], $0xffff  }
0x63: {  	[tilespmem:s30+$0xFFFFFFD0] =	vst v11;
	v8 =	vmul.f32 v12, v5;
	v2 =	vunpack.i.l.bf16.f32 v10;
	v12 =	vld [tilespmem:s0+$0xFFFFFFC0]  }
0x64: {  	v10 =	vunpack.i.u.bf16.f32 v10;
	[tilespmem:s30+$0xFFFFFF40] =	vst v15;
	v11 =	vmul.f32 v2, v4;
	v15 =	vld [tilespmem:s0+$0x40]  }
0x65: {  	v10 =	vmul.f32 v10, v4;
	v2 =	vld.idx.msk [tilespmem:v13+s21+$0x0], $0xffff;
	[tilespmem:s30+$0xFFFFFF50] =	vst v8;
	v8 =	vunpack.i.u.bf16.f32 v9  }
0x66: {  	v13 =	vld [tilespmem:s0+$0xFFFFFF80];
	[tilespmem:s30+$0xC0] =	vst v11;
	v8 =	vmul.f32 v8, v7;
	v11 =	vunpack.i.l.bf16.f32 v14  }
0x67: {  	[tilespmem:s30+$0xD0] =	vst v10;
	v10 =	vunpack.i.u.bf16.f32 v14;
	v11 =	vmul.f32 v11, v3  }
0x68: {  	s2 =	simm.s32 $0x5B80;
	v9 =	vunpack.i.l.bf16.f32 v9;
	v14 =	vld [tilespmem:s8+$0xFFFFFFF0];
	[tilespmem:s30+$0x70] =	vst v8;
	v8 =	vmul.f32 v10, v3  }
0x69: {  	v7 =	vmul.f32 v9, v7;
	v9 =	vld [tilespmem:s8+$0xFFFFFFB0];
	v10 =	vunpack.i.l.bf16.f32 v12;
	[tilespmem:s2+$0x0] =	vst v11  }
0x6a: {  	v12 =	vunpack.i.u.bf16.f32 v12;
	v16 =	vunpack.i.u.bf16.f32 v15;
	v10 =	vmul.f32 v10, v2;
	[tilespmem:s2+$0x10] =	vst v8  }
0x6b: {  	[tilespmem:s30+$0x60] =	vst v7;
	v8 =	vunpack.i.l.bf16.f32 v13;
	v7 =	vmul.f32 v12, v2;
	v13 =	vunpack.i.u.bf16.f32 v13;
	v12 =	vld [tilespmem:s0+$0x10]  }
0x6c: {  	v11 =	vld [tilespmem:s8+$0x70];
	v8 =	vmul.f32 v8, v1;
	v13 =	vmul.f32 v13, v1;
	[tilespmem:s2+$0xFFFFFF80] =	vst v10;
	v10 =	vunpack.i.l.bf16.f32 v15  }
0x6d: {  	v15 =	vunpack.i.u.bf16.f32 v14;
	[tilespmem:s2+$0xFFFFFF90] =	vst v7;
	v7 =	vunpack.i.l.bf16.f32 v14;
	v14 =	vmul.f32 v16, v0  }
0x6e: {  	v17 =	vunpack.i.u.bf16.f32 v9;
	v10 =	vmul.f32 v10, v0;
	v16 =	vld [tilespmem:s0+$0xFFFFFFD0];
	[tilespmem:s2+$0xFFFFFF10] =	vst v13;
	v13 =	vmul.f32 v7, v6  }
0x6f: {  	s11 =	simm.s32 $0xB;
	[tilespmem:s2+$0xFFFFFF00] =	vst v8;
	v8 =	vunpack.i.l.bf16.f32 v9;
	v15 =	vmul.f32 v15, v6;
	v7 =	vmul.f32 v17, v5  }
0x70: {  	v18 =	vld [tilespmem:s0+$0xFFFFFF90];
	v8 =	vmul.f32 v8, v5;
	[tilespmem:s2+$0x90] =	vst v14;
	v14 =	vmov s11;
	v6 =	vunpack.i.l.bf16.f32 v12  }
0x71: {  	v9 =	vunpack.i.u.bf16.f32 v11;
	[tilespmem:s2+$0x80] =	vst v10;
	v10 =	vunpack.i.u.bf16.f32 v12;
	v12 =	vmul.f32 v6, v3  }
0x72: {  	s12 =	simm.s32 $0x8;
	[tilespmem:s30+$0xFFFFFFE0] =	vst v13;
	v5 =	vmul.f32 v9, v4;
	v6 =	vunpack.i.l.bf16.f32 v11;
	v10 =	vmul.f32 v10, v3;
	v11 =	vld [tilespmem:s0+$0x50]  }
0x73: {  	v9 =	vmov s12;
	v6 =	vmul.f32 v6, v4;
	v4 =	vunpack.i.l.bf16.f32 v16;
	[tilespmem:s2+$0x20] =	vst v12  }
0x74: {  	v9 =	vand.u32 $0xFFFFFFFC, v9;
	v12 =	vunpack.i.u.bf16.f32 v16;
	v4 =	vmul.f32 v4, v2;
	[tilespmem:s2+$0x30] =	vst v10  }
0x75: {  	s11 =	simm.s32 $0x9;
	[tilespmem:s30+$0xFFFFFFF0] =	vst v15;
	v9 =	vbroadcast v9, $0x0;
	v13 =	vunpack.i.u.bf16.f32 v18;
	v10 =	vmul.f32 v12, v2;
	v16 =	vld [tilespmem:s0+$0x20]  }
0x76: {  	v12 =	vunpack.i.l.bf16.f32 v18;
	v15 =	vmul.f32 v13, v1;
	[tilespmem:s2+$0xFFFFFFA0] =	vst v4;
	v4 =	vmov s11  }
0x77: {  	v12 =	vmul.f32 v12, v1;
	[tilespmem:s2+$0xFFFFFFB0] =	vst v10;
	v10 =	vunpack.i.l.bf16.f32 v11;
	v4 =	vand.u32 $0xFFFFFFFD, v4  }
0x78: {  	s12 =	simm.s32 $0xA;
	v11 =	vunpack.i.u.bf16.f32 v11;
	[tilespmem:s2+$0xFFFFFF30] =	vst v15;
	v17 =	vmul.f32 v10, v0;
	v13 =	vld [tilespmem:s0+$0xFFFFFFE0];
	v10 =	vbroadcast v4, $0x0  }
0x79: {  	[tilespmem:s2+$0xFFFFFF20] =	vst v12;
	v63 =	vmul.f32 v11, v0;
	v11 =	vmov s12  }
0x7a: {  	s31 =	simm.s32 $0x5B80;
	v4 =	vand.u32 $0xFFFFFFFE, v11;
	v12 =	vld [tilespmem:s0+$0xFFFFFFA0];
	v19 =	vunpack.i.l.bf16.f32 v16;
	[tilespmem:s2+$0xA0] =	vst v17  }
0x7b: {  	s28 =	sor.u32 $0x80, s29;
	s8 =	simm.s32 $0x1A00;
	s11 =	simm.s32 $0xC;
	v11 =	vbroadcast v4, $0x0;
	v4 =	vld.idx.msk [tilespmem:v14+s21+$0x0], $0xffff;
	v15 =	vunpack.i.u.bf16.f32 v16;
	[tilespmem:s2+$0xB0] =	vst v63;
	v14 =	vmul.f32 v19, v3  }
.LBB2_4:
0x7c: {  	p0 =	slt.u32 s11, $0x7C;
	v15 =	vmul.f32 v15, v3;
	v16 =	vld [tilespmem:s0+$0x60];
	[tilespmem:s30+$0xFFFFFF60] =	vst v8  }
0x7d: {  	v9 =	vld.idx.msk [tilespmem:v9+s21+$0x0], $0xffff;
	v8 =	vunpack.i.u.bf16.f32 v13;
	v13 =	vunpack.i.l.bf16.f32 v13;
	[tilespmem:s2+$0x40] =	vst v14  }
0x7e: {  	v10 =	vld.idx.msk [tilespmem:v10+s21+$0x0], $0xffff;
	v13 =	vmul.f32 v13, v2;
	v8 =	vmul.f32 v8, v2;
	[tilespmem:s2+$0x50] =	vst v15  }
0x7f: {  	s0 =	sadd.s32 $0x100, s0;
	v14 =	vunpack.i.u.bf16.f32 v12;
	v12 =	vunpack.i.l.bf16.f32 v12;
	v15 =	vld [tilespmem:s8+$0x30];
	[tilespmem:s30+$0xFFFFFF70] =	vst v7  }
0x80: {  	v7 =	vld [tilespmem:s0+$0x0];
	v12 =	vmul.f32 v12, v1;
	v14 =	vmul.f32 v14, v1;
	[tilespmem:s2+$0xFFFFFFC0] =	vst v13  }
0x81: {  	v11 =	vld.idx.msk [tilespmem:v11+s21+$0x0], $0xffff;
	[tilespmem:s2+$0xFFFFFFD0] =	vst v8;
	v8 =	vunpack.i.u.bf16.f32 v16;
	v13 =	vunpack.i.l.bf16.f32 v16  }
0x82: {  	v16 =	vld [tilespmem:s0+$0xFFFFFF80];
	[tilespmem:s2+$0xFFFFFF40] =	vst v12;
	v12 =	vmul.f32 v13, v0;
	v8 =	vmul.f32 v8, v0  }
0x83: {  	v13 =	vld [tilespmem:s0+$0xFFFFFFC0];
	[tilespmem:s2+$0xFFFFFF50] =	vst v14  }
0x84: {  	v14 =	vld [tilespmem:s0+$0x40];
	v17 =	vunpack.i.u.bf16.f32 v15;
	v15 =	vunpack.i.l.bf16.f32 v15;
	[tilespmem:s2+$0xC0] =	vst v12  }
0x85: {  	v12 =	vld [tilespmem:s8+$0xFFFFFFF0];
	v15 =	vmul.f32 v15, v3;
	v19 =	vmul.f32 v17, v3;
	[tilespmem:s2+$0xD0] =	vst v8  }
0x86: {  	v8 =	vunpack.i.l.bf16.f32 v7;
	v17 =	vld [tilespmem:s8+$0xFFFFFFB0];
	[tilespmem:s30+$0xE0] =	vst v6  }
0x87: {  	v7 =	vunpack.i.u.bf16.f32 v7;
	v8 =	vmul.f32 v8, v11;
	v3 =	vmovc v11;
	v6 =	vunpack.i.u.bf16.f32 v16;
	[tilespmem:s2+$0x70] =	vst v19;
	v18 =	vld [tilespmem:s8+$0x70];
	s8 =	smov.u32 s0  }
0x88: {  	v11 =	vunpack.i.l.bf16.f32 v16;
	v7 =	vmul.f32 v7, v3;
	s2 =	sadd.s32 $0x200, s2;
	v16 =	vunpack.i.u.bf16.f32 v13;
	[tilespmem:s31+$0x60] =	vst v15  }
0x89: {  	v13 =	vunpack.i.l.bf16.f32 v13;
	[tilespmem:s2+$0x0] =	vst v8;
	v8 =	vunpack.i.u.bf16.f32 v14;
	v14 =	vunpack.i.l.bf16.f32 v14  }
0x8a: {  	v13 =	vmul.f32 v13, v10;
	v15 =	vmul.f32 v16, v10;
	[tilespmem:s2+$0x10] =	vst v7;
	v7 =	vunpack.i.u.bf16.f32 v12  }
0x8b: {  	v11 =	vmul.f32 v11, v9;
	v6 =	vmul.f32 v6, v9;
	v12 =	vunpack.i.l.bf16.f32 v12;
	v16 =	vld [tilespmem:s0+$0x10];
	[tilespmem:s30+$0xF0] =	vst v5;
	s30 =	smov.u32 s31;
	s31 =	smov.u32 s2  }
0x8c: {  	v5 =	vmul.f32 v14, v4;
	v14 =	vunpack.i.u.bf16.f32 v17;
	[tilespmem:s2+$0xFFFFFF80] =	vst v13;
	v13 =	vmul.f32 v8, v4  }
0x8d: {  	v8 =	vunpack.i.l.bf16.f32 v17;
	v17 =	vunpack.i.l.bf16.f32 v18;
	[tilespmem:s2+$0xFFFFFF90] =	vst v15;
	v15 =	vunpack.i.u.bf16.f32 v18  }
0x8e: {  	v12 =	vmul.f32 v12, v2;
	v18 =	vmul.f32 v7, v2;
	v2 =	vmov v10;
	[tilespmem:s2+$0xFFFFFF00] =	vst v11;
	v11 =	vld [tilespmem:s0+$0xFFFFFFD0]  }
0x8f: {  	v8 =	vmul.f32 v8, v1;
	v7 =	vmul.f32 v14, v1;
	v1 =	vmov v9;
	[tilespmem:s2+$0xFFFFFF10] =	vst v6  }
0x90: {  	v6 =	vmul.f32 v17, v0;
	v10 =	vld [tilespmem:s0+$0xFFFFFF90];
	v9 =	vunpack.i.l.bf16.f32 v16;
	[tilespmem:s2+$0x80] =	vst v5;
	v5 =	vmul.f32 v15, v0;
	v0 =	vmovc v4  }
0x91: {  	s12 =	sadd.s32 $0x3, s11;
	v4 =	vunpack.i.u.bf16.f32 v16;
	v9 =	vmul.f32 v9, v3;
	[tilespmem:s2+$0x90] =	vst v13  }
0x92: {  	v14 =	vmov s12;
	v13 =	vmov s11;
	v4 =	vmul.f32 v4, v3;
	v15 =	vld [tilespmem:s0+$0x50];
	[tilespmem:s30+$0xFFFFFFE0] =	vst v12  }
0x93: {  	s12 =	sadd.s32 $0x1, s11;
	v12 =	vand.u32 $0xFFFFFFFC, v13;
	v13 =	vunpack.i.u.bf16.f32 v11;
	v11 =	vunpack.i.l.bf16.f32 v11;
	[tilespmem:s2+$0x20] =	vst v9  }
0x94: {  	v16 =	vmov s12;
	v11 =	vmul.f32 v11, v2;
	v13 =	vmul.f32 v13, v2;
	[tilespmem:s2+$0x30] =	vst v4  }
0x95: {  	v9 =	vbroadcast v12, $0x0;
	v4 =	vunpack.i.u.bf16.f32 v10;
	v10 =	vunpack.i.l.bf16.f32 v10;
	v17 =	vld [tilespmem:s0+$0x20];
	[tilespmem:s30+$0xFFFFFFF0] =	vst v18  }
0x96: {  	v12 =	vand.u32 $0xFFFFFFFD, v16;
	v16 =	vmul.f32 v10, v1;
	v4 =	vmul.f32 v4, v1;
	[tilespmem:s2+$0xFFFFFFA0] =	vst v11  }
.Ltmp0:
0x97: {  	v10 =	vbroadcast v12, $0x0;
	[tilespmem:s2+$0xFFFFFFB0] =	vst v13;
	v11 =	vunpack.i.u.bf16.f32 v15;
	v12 =	vunpack.i.l.bf16.f32 v15;
	(pc) =	sbr.rel @p0 .LBB2_4-.Ltmp0, $4  }
0x98: {  	s12 =	sadd.s32 $0x2, s11;
	[tilespmem:s2+$0xFFFFFF20] =	vst v16;
	v13 =	vld [tilespmem:s0+$0xFFFFFFE0];
	v15 =	vmul.f32 v12, v0;
	v16 =	vmul.f32 v11, v0  }
0x99: {  	v11 =	vmov s12;
	[tilespmem:s2+$0xFFFFFF30] =	vst v4  }
0x9a: {  	v4 =	vand.u32 $0xFFFFFFFE, v11;
	v12 =	vld [tilespmem:s0+$0xFFFFFFA0];
	v18 =	vunpack.i.l.bf16.f32 v17;
	[tilespmem:s2+$0xA0] =	vst v15  }
0x9b: {  	s11 =	sadd.s32 $0x4, s11;
	v11 =	vbroadcast v4, $0x0;
	v15 =	vunpack.i.u.bf16.f32 v17;
	v4 =	vld.idx.msk [tilespmem:v14+s21+$0x0], $0xffff;
	v14 =	vmul.f32 v18, v3;
	[tilespmem:s2+$0xB0] =	vst v16  }
0x9c: {  	v15 =	vmul.f32 v15, v3;
	[tilespmem:s30+$0xFFFFFF60] =	vst v8  }
0x9d: {  	v16 =	vld [tilespmem:s0+$0x60];
	[tilespmem:s2+$0x40] =	vst v14  }
0x9e: {  	v8 =	vunpack.i.l.bf16.f32 v13;
	[tilespmem:s2+$0x50] =	vst v15  }
0x9f: {  	[tilespmem:s30+$0xFFFFFF70] =	vst v7;
	v13 =	vunpack.i.u.bf16.f32 v13;
	v8 =	vmul.f32 v8, v2;
	v15 =	vld [tilespmem:s8+$0x30]  }
0xa0: {  	s12 =	sadd.s32 $0x100, s0;
	[tilespmem:s30+$0xE0] =	vst v6;
	v13 =	vmul.f32 v13, v2;
	v14 =	vunpack.i.l.bf16.f32 v12  }
0xa1: {  	v7 =	vunpack.i.u.bf16.f32 v12;
	v12 =	vmul.f32 v14, v1;
	[tilespmem:s2+$0xFFFFFFC0] =	vst v8;
	v8 =	vld [tilespmem:s12+$0x0]  }
0xa2: {  	v11 =	vld.idx.msk [tilespmem:v11+s21+$0x0], $0xffff;
	v7 =	vmul.f32 v7, v1;
	[tilespmem:s2+$0xFFFFFFD0] =	vst v13;
	v13 =	vunpack.i.l.bf16.f32 v16  }
0xa3: {  	v14 =	vunpack.i.u.bf16.f32 v16;
	[tilespmem:s2+$0xFFFFFF40] =	vst v12;
	v12 =	vmul.f32 v13, v0  }
0xa4: {  	v13 =	vmul.f32 v14, v0;
	[tilespmem:s2+$0xFFFFFF50] =	vst v7;
	v7 =	vld [tilespmem:s12+$0xFFFFFFC0];
	v14 =	vunpack.i.u.bf16.f32 v15  }
0xa5: {  	v10 =	vld.idx.msk [tilespmem:v10+s21+$0x0], $0xffff;
	[tilespmem:s2+$0xC0] =	vst v12;
	v12 =	vunpack.i.l.bf16.f32 v15;
	v14 =	vmul.f32 v14, v3  }
0xa6: {  	[tilespmem:s2+$0xD0] =	vst v13;
	v13 =	vld [tilespmem:s12+$0xFFFFFF80];
	v3 =	vmul.f32 v12, v3;
	v12 =	vunpack.i.l.bf16.f32 v8  }
0xa7: {  	v6 =	vld.idx.msk [tilespmem:v9+s21+$0x0], $0xffff;
	v8 =	vunpack.i.u.bf16.f32 v8;
	v9 =	vmul.f32 v12, v11;
	[tilespmem:s2+$0x70] =	vst v14  }
0xa8: {  	s11 =	sadd.s32 $0x200, s2;
	v12 =	vld [tilespmem:s12+$0x40];
	v8 =	vmul.f32 v8, v11;
	[tilespmem:s31+$0x60] =	vst v3  }
0xa9: {  	v3 =	vunpack.i.l.bf16.f32 v7;
	[tilespmem:s11+$0x0] =	vst v9  }
0xaa: {  	v9 =	vld [tilespmem:s8+$0xFFFFFFF0];
	v7 =	vunpack.i.u.bf16.f32 v7;
	[tilespmem:s11+$0x10] =	vst v8;
	v3 =	vmul.f32 v3, v10  }
0xab: {  	[tilespmem:s30+$0xF0] =	vst v5;
	v8 =	vunpack.i.l.bf16.f32 v13;
	v7 =	vmul.f32 v7, v10;
	v14 =	vld [tilespmem:s12+$0x10]  }
0xac: {  	v5 =	vunpack.i.u.bf16.f32 v13;
	v8 =	vmul.f32 v8, v6;
	[tilespmem:s11+$0xFFFFFF80] =	vst v3  }
0xad: {  	v5 =	vmul.f32 v5, v6;
	v3 =	vunpack.i.l.bf16.f32 v12;
	[tilespmem:s11+$0xFFFFFF90] =	vst v7  }
0xae: {  	v7 =	vunpack.i.u.bf16.f32 v12;
	v3 =	vmul.f32 v3, v4;
	[tilespmem:s11+$0xFFFFFF00] =	vst v8;
	v8 =	vld [tilespmem:s12+$0xFFFFFFD0]  }
0xaf: {  	v7 =	vmul.f32 v7, v4;
	[tilespmem:s11+$0xFFFFFF10] =	vst v5;
	v12 =	vunpack.i.l.bf16.f32 v9  }
0xb0: {  	v5 =	vmul.f32 v12, v2;
	v12 =	vld [tilespmem:s12+$0xFFFFFF90];
	v13 =	vunpack.i.l.bf16.f32 v14;
	[tilespmem:s11+$0x80] =	vst v3  }
0xb1: {  	v3 =	vunpack.i.u.bf16.f32 v14;
	[tilespmem:s11+$0x90] =	vst v7;
	v13 =	vmul.f32 v13, v11  }
0xb2: {  	v7 =	vunpack.i.u.bf16.f32 v9;
	v3 =	vmul.f32 v3, v11;
	v9 =	vld [tilespmem:s12+$0x50];
	[tilespmem:s31+$0xFFFFFFE0] =	vst v5  }
0xb3: {  	v2 =	vmul.f32 v7, v2;
	v5 =	vunpack.i.l.bf16.f32 v8;
	[tilespmem:s11+$0x20] =	vst v13  }
0xb4: {  	v7 =	vld [tilespmem:s8+$0xFFFFFFB0];
	v8 =	vunpack.i.u.bf16.f32 v8;
	[tilespmem:s11+$0x30] =	vst v3;
	v5 =	vmul.f32 v5, v10  }
0xb5: {  	[tilespmem:s31+$0xFFFFFFF0] =	vst v2;
	v3 =	vmul.f32 v8, v10;
	v13 =	vld [tilespmem:s12+$0x20];
	v8 =	vunpack.i.l.bf16.f32 v12  }
0xb6: {  	v2 =	vunpack.i.u.bf16.f32 v12;
	v8 =	vmul.f32 v8, v6;
	[tilespmem:s11+$0xFFFFFFA0] =	vst v5  }
0xb7: {  	v2 =	vmul.f32 v2, v6;
	[tilespmem:s11+$0xFFFFFFB0] =	vst v3;
	v3 =	vunpack.i.l.bf16.f32 v9  }
0xb8: {  	v5 =	vunpack.i.u.bf16.f32 v9;
	v3 =	vmul.f32 v3, v4;
	[tilespmem:s11+$0xFFFFFF20] =	vst v8;
	v8 =	vld [tilespmem:s12+$0xFFFFFFE0]  }
0xb9: {  	v9 =	vunpack.i.l.bf16.f32 v7;
	v5 =	vmul.f32 v5, v4;
	[tilespmem:s11+$0xFFFFFF30] =	vst v2  }
0xba: {  	v2 =	vmul.f32 v9, v1;
	v9 =	vld [tilespmem:s12+$0xFFFFFFA0];
	v12 =	vunpack.i.l.bf16.f32 v13;
	[tilespmem:s11+$0xA0] =	vst v3  }
0xbb: {  	v3 =	vunpack.i.u.bf16.f32 v13;
	[tilespmem:s11+$0xB0] =	vst v5;
	v12 =	vmul.f32 v12, v11  }
0xbc: {  	v5 =	vunpack.i.u.bf16.f32 v7;
	v3 =	vmul.f32 v3, v11;
	v7 =	vld [tilespmem:s12+$0x60];
	[tilespmem:s31+$0xFFFFFF60] =	vst v2  }
0xbd: {  	v1 =	vmul.f32 v5, v1;
	[tilespmem:s11+$0x40] =	vst v12;
	v2 =	vunpack.i.l.bf16.f32 v8  }
0xbe: {  	v5 =	vld [tilespmem:s8+$0x70];
	[tilespmem:s11+$0x50] =	vst v3;
	v8 =	vunpack.i.u.bf16.f32 v8;
	v2 =	vmul.f32 v2, v10  }
0xbf: {  	[tilespmem:s31+$0xFFFFFF70] =	vst v1;
	v12 =	vld [tilespmem:s12+$0x30];
	v3 =	vmul.f32 v8, v10;
	v8 =	vunpack.i.l.bf16.f32 v9  }
0xc0: {  	v1 =	vunpack.i.u.bf16.f32 v9;
	v8 =	vmul.f32 v8, v6;
	[tilespmem:s11+$0xFFFFFFC0] =	vst v2  }
0xc1: {  	v1 =	vmul.f32 v1, v6;
	[tilespmem:s11+$0xFFFFFFD0] =	vst v3;
	v2 =	vunpack.i.l.bf16.f32 v7  }
0xc2: {  	v3 =	vunpack.i.u.bf16.f32 v7;
	[tilespmem:s11+$0xFFFFFF40] =	vst v8;
	v2 =	vmul.f32 v2, v4;
	v7 =	vld [tilespmem:s12+$0xFFFFFFF0]  }
0xc3: {  	v8 =	vunpack.i.l.bf16.f32 v5;
	v3 =	vmul.f32 v3, v4;
	[tilespmem:s11+$0xFFFFFF50] =	vst v1  }
0xc4: {  	v1 =	vmul.f32 v8, v0;
	v8 =	vunpack.i.u.bf16.f32 v12;
	[tilespmem:s11+$0xC0] =	vst v2;
	v2 =	vld [tilespmem:s12+$0xFFFFFFB0]  }
0xc5: {  	v9 =	vunpack.i.l.bf16.f32 v12;
	v8 =	vmul.f32 v8, v11;
	[tilespmem:s11+$0xD0] =	vst v3  }
0xc6: {  	v3 =	vunpack.i.u.bf16.f32 v5;
	v5 =	vmul.f32 v9, v11;
	[tilespmem:s31+$0xE0] =	vst v1;
	v1 =	vld [tilespmem:s12+$0x70]  }
0xc7: {  	v0 =	vmul.f32 v3, v0;
	[tilespmem:s11+$0x70] =	vst v8;
	v3 =	vunpack.i.l.bf16.f32 v7  }
0xc8: {  	[tilespmem:s11+$0x60] =	vst v5;
	v5 =	vunpack.i.u.bf16.f32 v7;
	v3 =	vmul.f32 v3, v10  }
0xc9: {  	[tilespmem:s31+$0xF0] =	vst v0;
	v5 =	vmul.f32 v5, v10;
	v0 =	vunpack.i.l.bf16.f32 v2  }
0xca: {  	v2 =	vunpack.i.u.bf16.f32 v2;
	v0 =	vmul.f32 v0, v6;
	[tilespmem:s11+$0xFFFFFFE0] =	vst v3  }
0xcb: {  	v3 =	vunpack.i.l.bf16.f32 v1;
	v2 =	vmul.f32 v2, v6;
	[tilespmem:s11+$0xFFFFFFF0] =	vst v5  }
0xcc: {  	v1 =	vunpack.i.u.bf16.f32 v1;
	v3 =	vmul.f32 v3, v4;
	[tilespmem:s11+$0xFFFFFF60] =	vst v0  }
0xcd: {  	v0 =	vmul.f32 v1, v4;
	[tilespmem:s11+$0xFFFFFF70] =	vst v2  }
0xce: {  	[tilespmem:s11+$0xE0] =	vst v3  }
0xcf: {  	[tilespmem:s11+$0xF0] =	vst v0  }
0xd0: {  	[spmem:s3] =	stream.indirect.scatter.add.f32 [tilespmem:s22], [sflag:$0x3], $0x80, s29, s17, $0xb8;
	[tilespmem:$0x1D880] =	vst v63  }
0xd1: {  	_ =	swait.ge [sflag:s14], $0x4000  }
0xd2: {  	p0 =	seq.s32 s26, $0x7;
	[sflag:s14] =	ssyncset.done $0x0  }
0xd3: {  	s0 =	sshll.u32 @!p0 s26, $0x8;
	[sflag:s14] =	ssyncadd.s32 $0xFFFFC000  }
0xd4: {  	s0 =	sand.u32 @!p0 $0x3FFFFF00, s0;
	_ =	swait.ge [sflag:s23], $0x2000  }
0xd5: {  	s0 =	sadd.s32 @!p0 $0x1100, s0;
	[sflag:s23] =	ssyncset.done $0x0  }
0xd6: {  	s2 =	simm.s32 @!p0 $0x80;
	s8 =	simm.s32 @!p0 $0x1880;
	[sflag:s23] =	ssyncadd.s32 $0xFFFFE000  }
0xd7: {  	[tilespmem:s8], [sflag:$0x1] =	stream.indirect.gather @!p0 [hbm4b:s1+s2], $0x40, s0, s2, $0xb8;
	[tilespmem:$0x1D880] =	vst v63  }
0xd8: {  	v0 =	vld [tilespmem:s28+$0x800];
	_ =	sdelay $0x4  }
0xd9: {  	[tilespmem:$0x1800] =	vst v0  }
0xda: {  	v0 =	vld [tilespmem:s29+$0x890];
	_ =	sdelay $0x4  }
0xdb: {  	[tilespmem:$0x1810] =	vst v0  }
0xdc: {  	v0 =	vld [tilespmem:s29+$0x8A0];
	_ =	sdelay $0x4  }
0xdd: {  	[tilespmem:$0x1820] =	vst v0  }
0xde: {  	v0 =	vld [tilespmem:s29+$0x8B0];
	_ =	sdelay $0x4  }
0xdf: {  	[tilespmem:$0x1830] =	vst v0  }
0xe0: {  	v0 =	vld [tilespmem:s29+$0x8C0];
	_ =	sdelay $0x4  }
0xe1: {  	[tilespmem:$0x1840] =	vst v0  }
0xe2: {  	v0 =	vld [tilespmem:s29+$0x8D0];
	_ =	sdelay $0x4  }
0xe3: {  	[tilespmem:$0x1850] =	vst v0  }
0xe4: {  	v0 =	vld [tilespmem:s29+$0x8E0];
	_ =	sdelay $0x4  }
0xe5: {  	s12 =	simm.s32 $0x2;
	[tilespmem:$0x1860] =	vst v0  }
0xe6: {  	v0 =	vmov s12;
	v1 =	vld [tilespmem:s29+$0x8F0]  }
0xe7: {  	v0 =	vand.u32 $0xFFFFFFFE, v0  }
0xe8: {  	s31 =	simm.s32 $0x1;
	v0 =	vbroadcast v0, $0x0  }
0xe9: {  	v2 =	vmov s31  }
0xea: {  	v2 =	vand.u32 $0xFFFFFFFD, v2;
	s2 =	simm.s32 $0x0  }
0xeb: {  	v2 =	vbroadcast v2, $0x0;
	[tilespmem:$0x1870] =	vst v1;
	v1 =	vmov s2  }
0xec: {  	s8 =	simm.s32 $0x3900;
	v1 =	vand.u32 $0xFFFFFFFC, v1  }
0xed: {  	v3 =	vld [tilespmem:s8+$0x0];
	v1 =	vbroadcast v1, $0x0  }
0xee: {  	s11 =	simm.s32 $0x3;
	v7 =	vld.idx.msk [tilespmem:v0+s21+$0x0], $0xffff  }
0xef: {  	v0 =	vmov s11  }
0xf0: {  	v8 =	vld [tilespmem:s8+$0xFFFFFFC0]  }
0xf1: {  	v6 =	vld.idx.msk [tilespmem:v2+s21+$0x0], $0xffff  }
0xf2: {  	v9 =	vld [tilespmem:s8+$0xFFFFFF80];
	v2 =	vunpack.i.l.bf16.f32 v3  }
0xf3: {  	v3 =	vunpack.i.u.bf16.f32 v3;
	v2 =	vmul.f32 v2, v7;
	v5 =	vld.idx.msk [tilespmem:v1+s21+$0x0], $0xffff  }
0xf4: {  	s29 =	simm.s32 $0x5980;
	v4 =	vld.idx.msk [tilespmem:v0+s21+$0x0], $0xffff;
	v1 =	vmul.f32 v3, v7  }
0xf5: {  	v0 =	vunpack.i.l.bf16.f32 v8;
	v3 =	vld [tilespmem:s8+$0x40];
	[tilespmem:s29+$0x0] =	vst v2  }
0xf6: {  	v0 =	vmul.f32 v0, v6;
	[tilespmem:s29+$0x10] =	vst v1;
	v1 =	vunpack.i.u.bf16.f32 v8  }
0xf7: {  	v8 =	vunpack.i.l.bf16.f32 v9;
	v2 =	vld [tilespmem:s8+$0x10];
	v1 =	vmul.f32 v1, v6  }
0xf8: {  	v9 =	vunpack.i.u.bf16.f32 v9;
	[tilespmem:s29+$0xFFFFFF80] =	vst v0;
	v8 =	vmul.f32 v8, v5  }
0xf9: {  	v9 =	vmul.f32 v9, v5;
	[tilespmem:s29+$0xFFFFFF90] =	vst v1  }
0xfa: {  	v0 =	vunpack.i.l.bf16.f32 v3;
	v1 =	vunpack.i.u.bf16.f32 v3;
	v3 =	vld [tilespmem:s8+$0xFFFFFFD0];
	[tilespmem:s29+$0xFFFFFF00] =	vst v8  }
0xfb: {  	v0 =	vmul.f32 v0, v4;
	[tilespmem:s29+$0xFFFFFF10] =	vst v9  }
0xfc: {  	v1 =	vmul.f32 v1, v4;
	v8 =	vunpack.i.l.bf16.f32 v2;
	v9 =	vld [tilespmem:s8+$0xFFFFFF90]  }
0xfd: {  	[tilespmem:s29+$0x80] =	vst v0;
	v0 =	vunpack.i.u.bf16.f32 v2;
	v2 =	vmul.f32 v8, v7  }
0xfe: {  	[tilespmem:s29+$0x90] =	vst v1;
	v0 =	vmul.f32 v0, v7  }
0xff: {  	v1 =	vld [tilespmem:s8+$0x50];
	[tilespmem:s29+$0x20] =	vst v2;
	v2 =	vunpack.i.l.bf16.f32 v3  }
0x100: {  	[tilespmem:s29+$0x30] =	vst v0;
	v0 =	vunpack.i.u.bf16.f32 v3;
	v2 =	vmul.f32 v2, v6  }
0x101: {  	s12 =	simm.s32 $0x4;
	v3 =	vld [tilespmem:s8+$0x20];
	v0 =	vmul.f32 v0, v6;
	v10 =	vunpack.i.l.bf16.f32 v9  }
0x102: {  	v8 =	vmov s12;
	v9 =	vunpack.i.u.bf16.f32 v9;
	v10 =	vmul.f32 v10, v5;
	[tilespmem:s29+$0xFFFFFFA0] =	vst v2  }
0x103: {  	s31 =	simm.s32 $0x7;
	v2 =	vand.u32 $0xFFFFFFFC, v8;
	v8 =	vmul.f32 v9, v5;
	[tilespmem:s29+$0xFFFFFFB0] =	vst v0  }
0x104: {  	v11 =	vmov s31;
	s11 =	simm.s32 $0x6;
	v0 =	vunpack.i.l.bf16.f32 v1;
	v1 =	vunpack.i.u.bf16.f32 v1;
	[tilespmem:s29+$0xFFFFFF20] =	vst v10  }
0x105: {  	v9 =	vld [tilespmem:s8+$0xFFFFFFE0];
	v0 =	vmul.f32 v0, v4;
	v1 =	vmul.f32 v1, v4;
	v10 =	vmov s11;
	[tilespmem:s29+$0xFFFFFF30] =	vst v8  }
0x106: {  	v2 =	vbroadcast v2, $0x0;
	v8 =	vand.u32 $0xFFFFFFFE, v10;
	v10 =	vunpack.i.l.bf16.f32 v3;
	v12 =	vld [tilespmem:s8+$0xFFFFFFA0]  }
0x107: {  	s0 =	simm.s32 $0x3A00;
	s12 =	simm.s32 $0x5;
	[tilespmem:s29+$0xA0] =	vst v0;
	v0 =	vunpack.i.u.bf16.f32 v3;
	v8 =	vbroadcast v8, $0x0;
	v3 =	vmul.f32 v10, v7  }
0x108: {  	v14 =	vld [tilespmem:s0+$0x0];
	[tilespmem:s29+$0xB0] =	vst v1;
	v10 =	vmov s12;
	v1 =	vmul.f32 v0, v7  }
0x109: {  	v0 =	vand.u32 $0xFFFFFFFD, v10;
	v10 =	vld [tilespmem:s8+$0x60];
	[tilespmem:s29+$0x40] =	vst v3  }
0x10a: {  	v13 =	vbroadcast v0, $0x0;
	v0 =	vld.idx.msk [tilespmem:v11+s21+$0x0], $0xffff;
	v3 =	vunpack.i.l.bf16.f32 v9;
	[tilespmem:s29+$0x50] =	vst v1;
	v1 =	vunpack.i.u.bf16.f32 v9  }
0x10b: {  	v3 =	vmul.f32 v3, v6;
	v9 =	vld [tilespmem:s8+$0x30];
	v11 =	vmul.f32 v1, v6;
	v1 =	vunpack.i.l.bf16.f32 v12  }
0x10c: {  	v15 =	vmul.f32 v1, v5;
	v1 =	vld.idx.msk [tilespmem:v2+s21+$0x0], $0xffff  }
0x10d: {  	v12 =	vunpack.i.u.bf16.f32 v12;
	[tilespmem:s29+$0xFFFFFFC0] =	vst v3;
	v3 =	vld.idx.msk [tilespmem:v8+s21+$0x0], $0xffff  }
0x10e: {  	[tilespmem:s29+$0xFFFFFFD0] =	vst v11;
	v8 =	vmul.f32 v12, v5;
	v2 =	vunpack.i.l.bf16.f32 v10;
	v12 =	vld [tilespmem:s0+$0xFFFFFFC0]  }
0x10f: {  	v10 =	vunpack.i.u.bf16.f32 v10;
	[tilespmem:s29+$0xFFFFFF40] =	vst v15;
	v11 =	vmul.f32 v2, v4;
	v15 =	vld [tilespmem:s0+$0x40]  }
0x110: {  	v10 =	vmul.f32 v10, v4;
	v2 =	vld.idx.msk [tilespmem:v13+s21+$0x0], $0xffff;
	[tilespmem:s29+$0xFFFFFF50] =	vst v8;
	v8 =	vunpack.i.u.bf16.f32 v9  }
0x111: {  	v13 =	vld [tilespmem:s0+$0xFFFFFF80];
	[tilespmem:s29+$0xC0] =	vst v11;
	v8 =	vmul.f32 v8, v7;
	v11 =	vunpack.i.l.bf16.f32 v14  }
0x112: {  	[tilespmem:s29+$0xD0] =	vst v10;
	v10 =	vunpack.i.u.bf16.f32 v14;
	v11 =	vmul.f32 v11, v3  }
0x113: {  	s2 =	simm.s32 $0x5B80;
	v9 =	vunpack.i.l.bf16.f32 v9;
	v14 =	vld [tilespmem:s8+$0xFFFFFFF0];
	[tilespmem:s29+$0x70] =	vst v8;
	v8 =	vmul.f32 v10, v3  }
0x114: {  	v7 =	vmul.f32 v9, v7;
	v9 =	vld [tilespmem:s8+$0xFFFFFFB0];
	v10 =	vunpack.i.l.bf16.f32 v12;
	[tilespmem:s2+$0x0] =	vst v11  }
0x115: {  	v12 =	vunpack.i.u.bf16.f32 v12;
	v16 =	vunpack.i.u.bf16.f32 v15;
	v10 =	vmul.f32 v10, v2;
	[tilespmem:s2+$0x10] =	vst v8  }
0x116: {  	[tilespmem:s29+$0x60] =	vst v7;
	v8 =	vunpack.i.l.bf16.f32 v13;
	v7 =	vmul.f32 v12, v2;
	v13 =	vunpack.i.u.bf16.f32 v13;
	v12 =	vld [tilespmem:s0+$0x10]  }
0x117: {  	v11 =	vld [tilespmem:s8+$0x70];
	v8 =	vmul.f32 v8, v1;
	v13 =	vmul.f32 v13, v1;
	[tilespmem:s2+$0xFFFFFF80] =	vst v10;
	v10 =	vunpack.i.l.bf16.f32 v15  }
0x118: {  	v15 =	vunpack.i.u.bf16.f32 v14;
	[tilespmem:s2+$0xFFFFFF90] =	vst v7;
	v7 =	vunpack.i.l.bf16.f32 v14;
	v14 =	vmul.f32 v16, v0  }
0x119: {  	v17 =	vunpack.i.u.bf16.f32 v9;
	v10 =	vmul.f32 v10, v0;
	v16 =	vld [tilespmem:s0+$0xFFFFFFD0];
	[tilespmem:s2+$0xFFFFFF10] =	vst v13;
	v13 =	vmul.f32 v7, v6  }
0x11a: {  	s11 =	simm.s32 $0xB;
	[tilespmem:s2+$0xFFFFFF00] =	vst v8;
	v8 =	vunpack.i.l.bf16.f32 v9;
	v15 =	vmul.f32 v15, v6;
	v7 =	vmul.f32 v17, v5  }
0x11b: {  	v18 =	vld [tilespmem:s0+$0xFFFFFF90];
	v8 =	vmul.f32 v8, v5;
	[tilespmem:s2+$0x90] =	vst v14;
	v14 =	vmov s11;
	v6 =	vunpack.i.l.bf16.f32 v12  }
0x11c: {  	v9 =	vunpack.i.u.bf16.f32 v11;
	[tilespmem:s2+$0x80] =	vst v10;
	v10 =	vunpack.i.u.bf16.f32 v12;
	v12 =	vmul.f32 v6, v3  }
0x11d: {  	s31 =	simm.s32 $0x8;
	[tilespmem:s29+$0xFFFFFFE0] =	vst v13;
	v5 =	vmul.f32 v9, v4;
	v6 =	vunpack.i.l.bf16.f32 v11;
	v10 =	vmul.f32 v10, v3;
	v11 =	vld [tilespmem:s0+$0x50]  }
0x11e: {  	v9 =	vmov s31;
	v6 =	vmul.f32 v6, v4;
	v4 =	vunpack.i.l.bf16.f32 v16;
	[tilespmem:s2+$0x20] =	vst v12  }
0x11f: {  	v9 =	vand.u32 $0xFFFFFFFC, v9;
	v12 =	vunpack.i.u.bf16.f32 v16;
	v4 =	vmul.f32 v4, v2;
	[tilespmem:s2+$0x30] =	vst v10  }
0x120: {  	s12 =	simm.s32 $0x9;
	[tilespmem:s29+$0xFFFFFFF0] =	vst v15;
	v9 =	vbroadcast v9, $0x0;
	v13 =	vunpack.i.u.bf16.f32 v18;
	v10 =	vmul.f32 v12, v2;
	v16 =	vld [tilespmem:s0+$0x20]  }
0x121: {  	v12 =	vunpack.i.l.bf16.f32 v18;
	v15 =	vmul.f32 v13, v1;
	[tilespmem:s2+$0xFFFFFFA0] =	vst v4;
	v4 =	vmov s12  }
0x122: {  	v12 =	vmul.f32 v12, v1;
	[tilespmem:s2+$0xFFFFFFB0] =	vst v10;
	v10 =	vunpack.i.l.bf16.f32 v11;
	v4 =	vand.u32 $0xFFFFFFFD, v4  }
0x123: {  	s31 =	simm.s32 $0xA;
	v11 =	vunpack.i.u.bf16.f32 v11;
	[tilespmem:s2+$0xFFFFFF30] =	vst v15;
	v17 =	vmul.f32 v10, v0;
	v13 =	vld [tilespmem:s0+$0xFFFFFFE0];
	v10 =	vbroadcast v4, $0x0  }
0x124: {  	[tilespmem:s2+$0xFFFFFF20] =	vst v12;
	v63 =	vmul.f32 v11, v0;
	v11 =	vmov s31  }
0x125: {  	v4 =	vand.u32 $0xFFFFFFFE, v11;
	v12 =	vld [tilespmem:s0+$0xFFFFFFA0];
	v19 =	vunpack.i.l.bf16.f32 v16;
	[tilespmem:s2+$0xA0] =	vst v17  }
0x126: {  	s30 =	simm.s32 $0x5B80;
	s8 =	simm.s32 $0x3A00;
	s11 =	simm.s32 $0xC;
	v11 =	vbroadcast v4, $0x0;
	v4 =	vld.idx.msk [tilespmem:v14+s21+$0x0], $0xffff;
	v15 =	vunpack.i.u.bf16.f32 v16;
	[tilespmem:s2+$0xB0] =	vst v63;
	v14 =	vmul.f32 v19, v3  }
.LBB2_6:
0x127: {  	p0 =	slt.u32 s11, $0x7C;
	v15 =	vmul.f32 v15, v3;
	v16 =	vld [tilespmem:s0+$0x60];
	[tilespmem:s29+$0xFFFFFF60] =	vst v8  }
0x128: {  	v9 =	vld.idx.msk [tilespmem:v9+s21+$0x0], $0xffff;
	v8 =	vunpack.i.u.bf16.f32 v13;
	v13 =	vunpack.i.l.bf16.f32 v13;
	[tilespmem:s2+$0x40] =	vst v14  }
0x129: {  	v10 =	vld.idx.msk [tilespmem:v10+s21+$0x0], $0xffff;
	v13 =	vmul.f32 v13, v2;
	v8 =	vmul.f32 v8, v2;
	[tilespmem:s2+$0x50] =	vst v15  }
0x12a: {  	s0 =	sadd.s32 $0x100, s0;
	v14 =	vunpack.i.u.bf16.f32 v12;
	v12 =	vunpack.i.l.bf16.f32 v12;
	v15 =	vld [tilespmem:s8+$0x30];
	[tilespmem:s29+$0xFFFFFF70] =	vst v7  }
0x12b: {  	v7 =	vld [tilespmem:s0+$0x0];
	v12 =	vmul.f32 v12, v1;
	v14 =	vmul.f32 v14, v1;
	[tilespmem:s2+$0xFFFFFFC0] =	vst v13  }
0x12c: {  	v11 =	vld.idx.msk [tilespmem:v11+s21+$0x0], $0xffff;
	[tilespmem:s2+$0xFFFFFFD0] =	vst v8;
	v8 =	vunpack.i.u.bf16.f32 v16;
	v13 =	vunpack.i.l.bf16.f32 v16  }
0x12d: {  	v16 =	vld [tilespmem:s0+$0xFFFFFF80];
	[tilespmem:s2+$0xFFFFFF40] =	vst v12;
	v12 =	vmul.f32 v13, v0;
	v8 =	vmul.f32 v8, v0  }
0x12e: {  	v13 =	vld [tilespmem:s0+$0xFFFFFFC0];
	[tilespmem:s2+$0xFFFFFF50] =	vst v14  }
0x12f: {  	v14 =	vld [tilespmem:s0+$0x40];
	v17 =	vunpack.i.u.bf16.f32 v15;
	v15 =	vunpack.i.l.bf16.f32 v15;
	[tilespmem:s2+$0xC0] =	vst v12  }
0x130: {  	v12 =	vld [tilespmem:s8+$0xFFFFFFF0];
	v15 =	vmul.f32 v15, v3;
	v19 =	vmul.f32 v17, v3;
	[tilespmem:s2+$0xD0] =	vst v8  }
0x131: {  	v8 =	vunpack.i.l.bf16.f32 v7;
	v17 =	vld [tilespmem:s8+$0xFFFFFFB0];
	[tilespmem:s29+$0xE0] =	vst v6  }
0x132: {  	v7 =	vunpack.i.u.bf16.f32 v7;
	v8 =	vmul.f32 v8, v11;
	v3 =	vmovc v11;
	v6 =	vunpack.i.u.bf16.f32 v16;
	[tilespmem:s2+$0x70] =	vst v19;
	v18 =	vld [tilespmem:s8+$0x70];
	s8 =	smov.u32 s0  }
0x133: {  	v11 =	vunpack.i.l.bf16.f32 v16;
	v7 =	vmul.f32 v7, v3;
	s2 =	sadd.s32 $0x200, s2;
	v16 =	vunpack.i.u.bf16.f32 v13;
	[tilespmem:s30+$0x60] =	vst v15  }
0x134: {  	v13 =	vunpack.i.l.bf16.f32 v13;
	[tilespmem:s2+$0x0] =	vst v8;
	v8 =	vunpack.i.u.bf16.f32 v14;
	v14 =	vunpack.i.l.bf16.f32 v14  }
0x135: {  	v13 =	vmul.f32 v13, v10;
	v15 =	vmul.f32 v16, v10;
	[tilespmem:s2+$0x10] =	vst v7;
	v7 =	vunpack.i.u.bf16.f32 v12  }
0x136: {  	v11 =	vmul.f32 v11, v9;
	v6 =	vmul.f32 v6, v9;
	v12 =	vunpack.i.l.bf16.f32 v12;
	v16 =	vld [tilespmem:s0+$0x10];
	[tilespmem:s29+$0xF0] =	vst v5;
	s29 =	smov.u32 s30;
	s30 =	smov.u32 s2  }
0x137: {  	v5 =	vmul.f32 v14, v4;
	v14 =	vunpack.i.u.bf16.f32 v17;
	[tilespmem:s2+$0xFFFFFF80] =	vst v13;
	v13 =	vmul.f32 v8, v4  }
0x138: {  	v8 =	vunpack.i.l.bf16.f32 v17;
	v17 =	vunpack.i.l.bf16.f32 v18;
	[tilespmem:s2+$0xFFFFFF90] =	vst v15;
	v15 =	vunpack.i.u.bf16.f32 v18  }
0x139: {  	v12 =	vmul.f32 v12, v2;
	v18 =	vmul.f32 v7, v2;
	v2 =	vmov v10;
	[tilespmem:s2+$0xFFFFFF00] =	vst v11;
	v11 =	vld [tilespmem:s0+$0xFFFFFFD0]  }
0x13a: {  	v8 =	vmul.f32 v8, v1;
	v7 =	vmul.f32 v14, v1;
	v1 =	vmov v9;
	[tilespmem:s2+$0xFFFFFF10] =	vst v6  }
0x13b: {  	v6 =	vmul.f32 v17, v0;
	v10 =	vld [tilespmem:s0+$0xFFFFFF90];
	v9 =	vunpack.i.l.bf16.f32 v16;
	[tilespmem:s2+$0x80] =	vst v5;
	v5 =	vmul.f32 v15, v0;
	v0 =	vmovc v4  }
0x13c: {  	s12 =	sadd.s32 $0x3, s11;
	v4 =	vunpack.i.u.bf16.f32 v16;
	v9 =	vmul.f32 v9, v3;
	[tilespmem:s2+$0x90] =	vst v13  }
0x13d: {  	v14 =	vmov s12;
	v13 =	vmov s11;
	v4 =	vmul.f32 v4, v3;
	v15 =	vld [tilespmem:s0+$0x50];
	[tilespmem:s29+$0xFFFFFFE0] =	vst v12  }
0x13e: {  	s12 =	sadd.s32 $0x1, s11;
	v12 =	vand.u32 $0xFFFFFFFC, v13;
	v13 =	vunpack.i.u.bf16.f32 v11;
	v11 =	vunpack.i.l.bf16.f32 v11;
	[tilespmem:s2+$0x20] =	vst v9  }
0x13f: {  	v16 =	vmov s12;
	v11 =	vmul.f32 v11, v2;
	v13 =	vmul.f32 v13, v2;
	[tilespmem:s2+$0x30] =	vst v4  }
0x140: {  	v9 =	vbroadcast v12, $0x0;
	v4 =	vunpack.i.u.bf16.f32 v10;
	v10 =	vunpack.i.l.bf16.f32 v10;
	v17 =	vld [tilespmem:s0+$0x20];
	[tilespmem:s29+$0xFFFFFFF0] =	vst v18  }
0x141: {  	v12 =	vand.u32 $0xFFFFFFFD, v16;
	v16 =	vmul.f32 v10, v1;
	v4 =	vmul.f32 v4, v1;
	[tilespmem:s2+$0xFFFFFFA0] =	vst v11  }
.Ltmp1:
0x142: {  	v10 =	vbroadcast v12, $0x0;
	[tilespmem:s2+$0xFFFFFFB0] =	vst v13;
	v11 =	vunpack.i.u.bf16.f32 v15;
	v12 =	vunpack.i.l.bf16.f32 v15;
	(pc) =	sbr.rel @p0 .LBB2_6-.Ltmp1, $4  }
0x143: {  	s12 =	sadd.s32 $0x2, s11;
	[tilespmem:s2+$0xFFFFFF20] =	vst v16;
	v13 =	vld [tilespmem:s0+$0xFFFFFFE0];
	v15 =	vmul.f32 v12, v0;
	v16 =	vmul.f32 v11, v0  }
0x144: {  	v11 =	vmov s12;
	[tilespmem:s2+$0xFFFFFF30] =	vst v4  }
0x145: {  	v4 =	vand.u32 $0xFFFFFFFE, v11;
	v12 =	vld [tilespmem:s0+$0xFFFFFFA0];
	v18 =	vunpack.i.l.bf16.f32 v17;
	[tilespmem:s2+$0xA0] =	vst v15  }
0x146: {  	s11 =	sadd.s32 $0x4, s11;
	v11 =	vbroadcast v4, $0x0;
	v15 =	vunpack.i.u.bf16.f32 v17;
	v4 =	vld.idx.msk [tilespmem:v14+s21+$0x0], $0xffff;
	v14 =	vmul.f32 v18, v3;
	[tilespmem:s2+$0xB0] =	vst v16  }
0x147: {  	_ =	sdelay $0x1  }
0x148: {  	[tilespmem:s29+$0xFFFFFF60] =	vst v8  }
0x149: {  	v16 =	vld [tilespmem:s0+$0x60];
	[tilespmem:s29+$0xFFFFFF70] =	vst v7  }
0x14a: {  	v10 =	vld.idx.msk [tilespmem:v10+s21+$0x0], $0xffff;
	[tilespmem:s29+$0xE0] =	vst v6  }
0x14b: {  	v15 =	vmul.f32 v15, v3;
	s12 =	sadd.s32 $0x100, s0;
	v6 =	vld.idx.msk [tilespmem:v9+s21+$0x0], $0xffff;
	[tilespmem:s29+$0xF0] =	vst v5;
	v42 =	vunpack.i.l.bf16.f32 v13  }
0x14c: {  	[tilespmem:s2+$0x40] =	vst v14;
	v43 =	vunpack.i.u.bf16.f32 v13;
	v47 =	vld [tilespmem:s12+$0x0];
	v8 =	vmul.f32 v42, v2  }
0x14d: {  	v11 =	vld.idx.msk [tilespmem:v11+s21+$0x0], $0xffff;
	[tilespmem:s2+$0x50] =	vst v15;
	v13 =	vmul.f32 v43, v2;
	v44 =	vunpack.i.l.bf16.f32 v12  }
0x14e: {  	v52 =	vld [tilespmem:s12+$0xFFFFFFC0];
	v45 =	vunpack.i.u.bf16.f32 v12;
	v46 =	vmul.f32 v44, v1;
	[tilespmem:s2+$0xFFFFFFC0] =	vst v8  }
0x14f: {  	v55 =	vld [tilespmem:s12+$0xFFFFFF80];
	v7 =	vmul.f32 v45, v1;
	[tilespmem:s2+$0xFFFFFFD0] =	vst v13;
	v48 =	vunpack.i.l.bf16.f32 v16  }
0x150: {  	v15 =	vld [tilespmem:s8+$0x30];
	v49 =	vunpack.i.u.bf16.f32 v16;
	[tilespmem:s2+$0xFFFFFF40] =	vst v46;
	v50 =	vmul.f32 v48, v0  }
0x151: {  	v51 =	vmul.f32 v49, v0;
	[tilespmem:s2+$0xFFFFFF50] =	vst v7;
	v57 =	vunpack.i.l.bf16.f32 v47  }
0x152: {  	v8 =	vunpack.i.u.bf16.f32 v47;
	v58 =	vmul.f32 v57, v11;
	[tilespmem:s2+$0xC0] =	vst v50  }
0x153: {  	s31 =	sadd.s32 $0x200, s2;
	v59 =	vld [tilespmem:s12+$0x40];
	v7 =	vunpack.i.u.bf16.f32 v52;
	v8 =	vmul.f32 v8, v11;
	[tilespmem:s2+$0xD0] =	vst v51  }
0x154: {  	v13 =	vunpack.i.u.bf16.f32 v55;
	v7 =	vmul.f32 v7, v10;
	[tilespmem:s31+$0x0] =	vst v58  }
0x155: {  	v5 =	vmul.f32 v13, v6;
	v53 =	vunpack.i.u.bf16.f32 v15;
	[tilespmem:s31+$0x10] =	vst v8  }
0x156: {  	v61 =	vld [tilespmem:s8+$0xFFFFFFF0];
	v60 =	vunpack.i.l.bf16.f32 v52;
	v54 =	vunpack.i.l.bf16.f32 v15;
	v14 =	vmul.f32 v53, v3;
	[tilespmem:s31+$0xFFFFFF90] =	vst v7  }
0x157: {  	v62 =	vunpack.i.l.bf16.f32 v55;
	v56 =	vmul.f32 v54, v3;
	v3 =	vmul.f32 v60, v10;
	[tilespmem:s31+$0xFFFFFF10] =	vst v5  }
0x158: {  	v16 =	vunpack.i.u.bf16.f32 v59;
	v8 =	vmul.f32 v62, v6;
	v63 =	vld [tilespmem:s12+$0x10];
	[tilespmem:s2+$0x70] =	vst v14  }
0x159: {  	v7 =	vmul.f32 v16, v4;
	[tilespmem:s31+$0xFFFFFF80] =	vst v3  }
0x15a: {  	v15 =	vunpack.i.l.bf16.f32 v59;
	[tilespmem:s31+$0xFFFFFF00] =	vst v8;
	v17 =	vld [tilespmem:s12+$0xFFFFFFD0]  }
0x15b: {  	v18 =	vunpack.i.l.bf16.f32 v61;
	v3 =	vmul.f32 v15, v4;
	[tilespmem:s31+$0x90] =	vst v7  }
0x15c: {  	v23 =	vunpack.i.u.bf16.f32 v61;
	v19 =	vmul.f32 v18, v2;
	[tilespmem:s30+$0x60] =	vst v56;
	v20 =	vld [tilespmem:s12+$0xFFFFFF90]  }
0x15d: {  	v25 =	vmul.f32 v23, v2;
	[tilespmem:s31+$0x80] =	vst v3;
	v21 =	vunpack.i.l.bf16.f32 v63  }
0x15e: {  	[tilespmem:s30+$0xFFFFFFE0] =	vst v19;
	v24 =	vld [tilespmem:s12+$0x50];
	v22 =	vunpack.i.u.bf16.f32 v63;
	v13 =	vmul.f32 v21, v11  }
0x15f: {  	[tilespmem:s30+$0xFFFFFFF0] =	vst v25;
	v3 =	vmul.f32 v22, v11;
	v26 =	vunpack.i.l.bf16.f32 v17  }
0x160: {  	v27 =	vld [tilespmem:s8+$0xFFFFFFB0];
	v8 =	vunpack.i.u.bf16.f32 v17;
	[tilespmem:s31+$0x20] =	vst v13;
	v5 =	vmul.f32 v26, v10  }
0x161: {  	v29 =	vunpack.i.l.bf16.f32 v20;
	[tilespmem:s31+$0x30] =	vst v3;
	v28 =	vmul.f32 v8, v10  }
0x162: {  	v30 =	vunpack.i.u.bf16.f32 v20;
	v8 =	vmul.f32 v29, v6;
	v13 =	vld [tilespmem:s12+$0x20];
	[tilespmem:s31+$0xFFFFFFA0] =	vst v5  }
0x163: {  	v2 =	vmul.f32 v30, v6;
	v31 =	vunpack.i.l.bf16.f32 v24;
	[tilespmem:s31+$0xFFFFFFB0] =	vst v28  }
0x164: {  	v32 =	vunpack.i.u.bf16.f32 v24;
	[tilespmem:s31+$0xFFFFFF20] =	vst v8;
	v3 =	vmul.f32 v31, v4;
	v33 =	vld [tilespmem:s12+$0xFFFFFFE0]  }
0x165: {  	v34 =	vunpack.i.l.bf16.f32 v27;
	v5 =	vmul.f32 v32, v4;
	[tilespmem:s31+$0xFFFFFF30] =	vst v2  }
0x166: {  	v39 =	vunpack.i.u.bf16.f32 v27;
	v35 =	vmul.f32 v34, v1;
	v36 =	vld [tilespmem:s12+$0xFFFFFFA0];
	[tilespmem:s31+$0xA0] =	vst v3  }
0x167: {  	v41 =	vmul.f32 v39, v1;
	[tilespmem:s31+$0xB0] =	vst v5;
	v37 =	vunpack.i.l.bf16.f32 v13  }
0x168: {  	[tilespmem:s30+$0xFFFFFF60] =	vst v35;
	v40 =	vld [tilespmem:s12+$0x60];
	v38 =	vunpack.i.u.bf16.f32 v13;
	v12 =	vmul.f32 v37, v11  }
0x169: {  	[tilespmem:s30+$0xFFFFFF70] =	vst v41;
	v3 =	vmul.f32 v38, v11;
	v42 =	vunpack.i.l.bf16.f32 v33  }
0x16a: {  	v43 =	vld [tilespmem:s8+$0x70];
	v8 =	vunpack.i.u.bf16.f32 v33;
	[tilespmem:s31+$0x40] =	vst v12;
	v2 =	vmul.f32 v42, v10  }
0x16b: {  	v45 =	vunpack.i.l.bf16.f32 v36;
	[tilespmem:s31+$0x50] =	vst v3;
	v44 =	vmul.f32 v8, v10  }
0x16c: {  	v46 =	vunpack.i.u.bf16.f32 v36;
	v8 =	vmul.f32 v45, v6;
	v12 =	vld [tilespmem:s12+$0x30];
	[tilespmem:s31+$0xFFFFFFC0] =	vst v2  }
0x16d: {  	v1 =	vmul.f32 v46, v6;
	v47 =	vunpack.i.l.bf16.f32 v40;
	[tilespmem:s31+$0xFFFFFFD0] =	vst v44  }
0x16e: {  	v48 =	vunpack.i.u.bf16.f32 v40;
	[tilespmem:s31+$0xFFFFFF40] =	vst v8;
	v2 =	vmul.f32 v47, v4;
	v49 =	vld [tilespmem:s12+$0xFFFFFFF0]  }
0x16f: {  	v50 =	vunpack.i.l.bf16.f32 v43;
	v3 =	vmul.f32 v48, v4;
	[tilespmem:s31+$0xFFFFFF50] =	vst v1  }
0x170: {  	v55 =	vunpack.i.u.bf16.f32 v43;
	v51 =	vmul.f32 v50, v0;
	v53 =	vld [tilespmem:s12+$0xFFFFFFB0];
	[tilespmem:s31+$0xC0] =	vst v2  }
0x171: {  	v58 =	vmul.f32 v55, v0;
	[tilespmem:s31+$0xD0] =	vst v3;
	v52 =	vunpack.i.u.bf16.f32 v12  }
0x172: {  	[tilespmem:s30+$0xE0] =	vst v51;
	v57 =	vld [tilespmem:s12+$0x70];
	v54 =	vunpack.i.l.bf16.f32 v12;
	v8 =	vmul.f32 v52, v11  }
0x173: {  	[tilespmem:s30+$0xF0] =	vst v58;
	v56 =	vmul.f32 v54, v11;
	v59 =	vunpack.i.l.bf16.f32 v49  }
0x174: {  	v60 =	vunpack.i.u.bf16.f32 v49;
	[tilespmem:s31+$0x70] =	vst v8;
	v3 =	vmul.f32 v59, v10  }
0x175: {  	v61 =	vunpack.i.l.bf16.f32 v53;
	[tilespmem:s31+$0x60] =	vst v56;
	v5 =	vmul.f32 v60, v10  }
0x176: {  	v2 =	vunpack.i.u.bf16.f32 v53;
	v0 =	vmul.f32 v61, v6;
	[tilespmem:s31+$0xFFFFFFE0] =	vst v3  }
0x177: {  	v2 =	vmul.f32 v2, v6;
	v62 =	vunpack.i.l.bf16.f32 v57;
	[tilespmem:s31+$0xFFFFFFF0] =	vst v5  }
0x178: {  	v1 =	vunpack.i.u.bf16.f32 v57;
	v3 =	vmul.f32 v62, v4;
	[tilespmem:s31+$0xFFFFFF60] =	vst v0  }
0x179: {  	s26 =	sadd.s32 $0x1, s26;
	v63 =	vmul.f32 v1, v4;
	[tilespmem:s31+$0xFFFFFF70] =	vst v2  }
0x17a: {  	p0 =	sne.s32 s26, $0x8;
	[tilespmem:s31+$0xE0] =	vst v3  }
.Ltmp2:
0x17b: {  	[tilespmem:s31+$0xF0] =	vst v63;
	(pc) =	sbr.rel @p0 .LBB2_3-.Ltmp2, $4  }
0x17c: {  	[spmem:s3] =	stream.indirect.scatter.add.f32 [tilespmem:s22], [sflag:$0x3], $0x80, s28, s17, $0xb8;
	[tilespmem:$0x1D880] =	vst v63  }
0x17d: {  	_ =	swait.ge [sflag:s14], $0x4000  }
0x17e: {  	[sflag:s14] =	ssyncset.done $0x0  }
0x17f: {  	[sflag:s14] =	ssyncadd.s32 $0xFFFFC000  }
0x180: {  	s24 =	sadd.s32 $0x1, s24  }
0x181: {  	p0 =	sne.s32 s24, $0x5  }
.Ltmp3:
0x182: {  	_ = 	snop;
	(pc) =	sbr.rel @p0 .LBB2_2-.Ltmp3, $1  }
0x183: {  	_ =	sdelay $0x3  }
0x184: {  	[bflag:$0x0] =	sbarrier.arrive $0xFFFF  }
0x185: {  	s0 =	rddreg [dreg:$0x5]  }
0x186: {  	[hbm:s0], [sflag:s9] =	dma.local [spmem:s13], $0x2800  }
0x187: {  	_ =	swait.ge [sflag:s14], $0x2800  }
0x188: {  	s4 =	sadd.s32 $0x1, s4;
	s31 =	rddreg [dreg:$0x6]  }
0x189: {  	p0 =	sne.s32 s4, s31  }
.Ltmp4:
0x18a: {  	_ = 	snop;
	(pc) =	sbr.rel @p0 .LBB2_1-.Ltmp4, $3  }
0x18b: {  	_ =	sdelay $0x1  }
0x18c: {  	[sflag:s14] =	ssyncset.done $0x0  }
0x18d: {  	[sflag:s14] =	ssyncadd.s32 $0xFFFFD800  }
0x18e: {  	_ =	sfence.sel $0x180000  }
0x18f: {  	[bflag:$0x0] =	sbarrier.arrive $0xFFFF  }
0x190: {  	_ =	strace $0x9000004D  }
0x191: {  	s0 =	stileid.u32;
	[bflag:$0x2] =	sbarrier.arrive $0xFFFF  }
0x192: {  	p0 =	sne.s32 s0, $0x0;
	s0 =	rddreg [dreg:$0x3]  }
0x193: {  	s0 =	sadd.s32 @!p0 $0x100000, s0  }
0x194: {  	[sflag:s0] =	ssyncadd.tile.s32 @!p0 $0x1;
	_ =	shalt  }
.Lfunc_end2:
_tile_overlayer_lowered:
.L_overlay_start_2:
0x195: {  	(tag) =	ssettag $0x2  }
0x196: {  	s0 =	rddreg [dreg:$0x0];
	s2 =	stileid.u32  }
0x197: {  	s1 =	rddreg [dreg:$0x1];
	p0 =	sne.s32 s2, $0x0  }
0x198: {  	s3 =	rddreg [dreg:$0x2];
	[bflag:$0x3] =	sbarrier.arrive $0xFFFF;
	s2 =	simm.s32 @!p0 $0x1C03  }
0x199: {  	[timem:s3], [sflag:s2] =	dma.local @!p0 [hbm:s0], s1  }
0x19a: {  	s0 =	simm.s32 @!p0 $0x3  }
0x19b: {  	_ =	swait.ge @!p0 [sflag:s0], s1  }
0x19c: {  	s1 =	ssub.s32 @!p0 $0x0, s1;
	[sflag:s0] =	ssyncset.done @!p0 $0x0  }
0x19d: {  	[sflag:s0] =	ssyncadd.s32 @!p0 s1  }
0x19e: {  	[bflag:$0x3] =	sbarrier.arrive $0xFFFF  }
0x19f: {  	_ =	shalt  }

// kernel: kernel.8.cloned.1.call-start
scs
__scs_entry_jumppad:
0x0: {  	(pc) =	sbr.rel $0x88, $3  }
0x1: {  	(tag) =	ssettag $0x0;
	lr =	simm.s32 $0x1  }
0x2: {  	[smem:$0x3F95] =	sst lr;
	_ =	strace $0xD0000000  }
0x3: {  	_ = 	snop  }
0x4: {  	_ = 	snop  }
0x5: {  	_ = 	snop  }
0x6: {  	_ = 	snop  }
0x7: {  	_ = 	snop  }
__scs_overlays_trampoline_lowered:
0x8: {  	[smem:$0x3FA4] =	sst s0  }
0x9: {  	[smem:$0x3FA5] =	sst s1  }
0xa: {  	[smem:$0x3FA6] =	sst s2  }
0xb: {  	[smem:$0x3FA7] =	sst s3  }
0xc: {  	[smem:$0x3FA8] =	sst s4  }
0xd: {  	[smem:$0x3FA9] =	sst s5  }
0xe: {  	[smem:$0x3FAA] =	sst s6  }
0xf: {  	[smem:$0x3FAB] =	sst s7  }
0x10: {  	[smem:$0x3FAC] =	sst s8  }
0x11: {  	[smem:$0x3FAD] =	sst s9;
	s0 =	simm.s32 @!p0 $0x0  }
0x12: {  	s1 =	sld [smem:$0x3F93];
	s0 =	simm.s32 @p0 $0x1  }
0x13: {  	[smem:$0x3FAE] =	sst s0;
	s0 =	simm.s32 @!p1 $0x0  }
0x14: {  	s2 =	sld [smem:$0x3F92];
	s0 =	simm.s32 @p1 $0x1  }
0x15: {  	[smem:$0x3FAF] =	sst s0;
	s0 =	simm.s32 @!p2 $0x0  }
0x16: {  	s3 =	sld [smem:$0x3FDB];
	s0 =	simm.s32 @p2 $0x1  }
0x17: {  	s4 =	simm.s32 $0x1BF5;
	[smem:$0x3FB1] =	sst s0  }
0x18: {  	s0 =	sld [smem:$0x3F94];
	_ =	swait.ge [sflag:s4], $0x0  }
0x19: {  	s7 =	sld [smem:$0x3F95]  }
0x1a: {  	s8 =	sadd.s32 $0xFFFFE003, lr  }
0x1b: {  	s9 =	sadd.s32 $0xFFFFFEF7, lr;
	s5 =	simm.s32 $0xFFFFFFFF;
	p2 =	slt.u32 s8, $0xFFFFF086  }
0x1c: {  	p1 =	slt.u32 s9, $0xF7A;
	s5 =	simm.s32 @!p2 $0x0  }
0x1d: {  	s5 =	simm.s32 @p1 $0x1;
	p0 =	seq.s32 s7, s2  }
0x1e: {  	s7 =	smul.u32 @!p0 $0xF7A, s2;
	p2 =	seq.s32 @!p0 s5, $0x0  }
0x1f: {  	s9 =	smul.u32 $0xF7A, s1;
	s8 =	simm.s32 @!p0 $0x1BF5;
	p2 =	por !p2, p0  }
0x20: {  	[sflag:s8] =	ssyncset.s32 @!p0 $0xFFFFF086;
	s6 =	sadd.s32 @!p0 s3, s7;
	s7 =	simm.s32 @!p0 $0x108  }
0x21: {  	s3 =	sadd.s32 s3, s9;
	s6 =	sadd.s32 @!p0 $0x88, s6;
	s7 =	simm.s32 @p2 $0x1082  }
0x22: {  	[simem:s7], [sflag:s8] =	dma.local @!p0 [hbm:s6], $0xF7A  }
0x23: {  	s9 =	sor.u32 $0xD0000000, s2;
	s6 =	simm.s32 $0x108;
	_ =	swait.ge @!p0 [sflag:s8], $0x0  }
0x24: {  	s3 =	sadd.s32 $0x88, s3;
	s6 =	simm.s32 @!p1 $0x1082;
	[sflag:s4] =	ssyncset.s32 $0xFFFFF086  }
0x25: {  	[simem:s6], [sflag:s4] =	dma.local [hbm:s3], $0xF7A  }
0x26: {  	[smem:$0x3F95] =	sst s1;
	(tag) =	ssettag s2;
	_ =	strace s9  }
0x27: {  	s1 =	sld [smem:$0x3FA5]  }
0x28: {  	s2 =	sld [smem:$0x3FA6]  }
0x29: {  	s4 =	sld [smem:$0x3FA8]  }
0x2a: {  	p0 =	seq.s32 s5, $0x0;
	s5 =	sld [smem:$0x3FA9]  }
0x2b: {  	s6 =	sld [smem:$0x3FAA]  }
0x2c: {  	s7 =	sld [smem:$0x3FAB]  }
0x2d: {  	s3 =	simm.s32 $0x108;
	s8 =	sld [smem:$0x3FAC]  }
0x2e: {  	s3 =	simm.s32 @!p0 $0x1082;
	s9 =	sld [smem:$0x3FAD]  }
0x2f: {  	lr =	sadd.s32 s0, s3;
	s0 =	sld [smem:$0x3FA4]  }
0x30: {  	s3 =	sld [smem:$0x3FA7]  }
0x31: {  	[smem:$0x3FB0] =	sst s10  }
0x32: {  	s10 =	sld [smem:$0x3FAE];
	_ =	sdelay $0x3  }
0x33: {  	p0 =	seq.s32 s10, $0x1;
	s10 =	sld [smem:$0x3FB0];
	_ =	sdelay $0x3  }
0x34: {  	[smem:$0x3FB0] =	sst s10  }
0x35: {  	s10 =	sld [smem:$0x3FAF];
	_ =	sdelay $0x3  }
0x36: {  	p1 =	seq.s32 s10, $0x1;
	s10 =	sld [smem:$0x3FB0];
	_ =	sdelay $0x3  }
0x37: {  	[smem:$0x3FB0] =	sst s10  }
0x38: {  	s10 =	sld [smem:$0x3FB1]  }
0x39: {  	_ = 	snop;
	(pc) =	sbr.ind lr, $3  }
0x3a: {  	_ = 	snop  }
0x3b: {  	_ = 	snop  }
0x3c: {  	p2 =	seq.s32 s10, $0x1;
	s10 =	sld [smem:$0x3FB0]  }
0x3d: {  	_ =	shalt  }
0x3e: {  	_ =	shalt  }
0x3f: {  	_ =	shalt  }
0x40: {  	_ =	shalt  }
0x41: {  	_ =	shalt  }
0x42: {  	_ =	shalt  }
0x43: {  	_ =	shalt  }
0x44: {  	_ =	shalt  }
0x45: {  	_ =	shalt  }
0x46: {  	_ =	shalt  }
0x47: {  	_ =	shalt  }
0x48: {  	_ =	shalt  }
0x49: {  	_ =	shalt  }
0x4a: {  	_ =	shalt  }
0x4b: {  	_ =	shalt  }
0x4c: {  	_ =	shalt  }
0x4d: {  	_ =	shalt  }
0x4e: {  	_ =	shalt  }
0x4f: {  	_ =	shalt  }
0x50: {  	_ =	shalt  }
0x51: {  	_ =	shalt  }
0x52: {  	_ =	shalt  }
0x53: {  	_ =	shalt  }
0x54: {  	_ =	shalt  }
0x55: {  	_ =	shalt  }
0x56: {  	_ =	shalt  }
0x57: {  	_ =	shalt  }
0x58: {  	_ =	shalt  }
0x59: {  	_ =	shalt  }
0x5a: {  	_ =	shalt  }
0x5b: {  	_ =	shalt  }
0x5c: {  	_ =	shalt  }
0x5d: {  	_ =	shalt  }
0x5e: {  	_ =	shalt  }
0x5f: {  	_ =	shalt  }
0x60: {  	_ =	shalt  }
0x61: {  	_ =	shalt  }
0x62: {  	_ =	shalt  }
0x63: {  	_ =	shalt  }
0x64: {  	_ =	shalt  }
0x65: {  	_ =	shalt  }
0x66: {  	_ =	shalt  }
0x67: {  	_ =	shalt  }
0x68: {  	_ =	shalt  }
0x69: {  	_ =	shalt  }
0x6a: {  	_ =	shalt  }
0x6b: {  	_ =	shalt  }
0x6c: {  	_ =	shalt  }
0x6d: {  	_ =	shalt  }
0x6e: {  	_ =	shalt  }
0x6f: {  	_ =	shalt  }
0x70: {  	_ =	shalt  }
0x71: {  	_ =	shalt  }
0x72: {  	_ =	shalt  }
0x73: {  	_ =	shalt  }
0x74: {  	_ =	shalt  }
0x75: {  	_ =	shalt  }
0x76: {  	_ =	shalt  }
0x77: {  	_ =	shalt  }
0x78: {  	_ =	shalt  }
0x79: {  	_ =	shalt  }
0x7a: {  	_ =	shalt  }
0x7b: {  	_ =	shalt  }
0x7c: {  	_ =	shalt  }
0x7d: {  	_ =	shalt  }
0x7e: {  	_ =	shalt  }
0x7f: {  	_ =	shalt  }
0x80: {  	_ =	shalt  }
0x81: {  	_ =	shalt  }
0x82: {  	_ =	shalt  }
0x83: {  	_ =	shalt  }
0x84: {  	_ =	shalt  }
0x85: {  	_ =	shalt  }
0x86: {  	_ =	shalt  }
0x87: {  	_ =	shalt  }
.Lfunc_end0:
.L_simem_size_0:
called_computation_lowered:
.L_overlay_start_0:
0x88: {  	s2 =	sld [smem:$0x3FD9]  }
0x89: {  	s3 =	sld [smem:$0x3FFE];
	_ =	sdelay $0x1  }
0x8a: {  	s1 =	srdreg.scid  }
0x8b: {  	s0 =	sand.u32 $0x1, s1  }
0x8c: {  	s17 =	sshll.u32 s0, $0xA;
	s2 =	sadd.s32 s3, s2  }
0x8d: {  	s2 =	sadd.s32 s2, s17  }
0x8e: {  	[smem:$0x3FBC] =	sst s2  }
0x8f: {  	_ = 	snop  }
0x90: {  	s2 =	sld [smem:$0x3FD0];
	(tm) =	ssettm $0x1  }
0x91: {  	s18 =	sld [smem:$0x3FFB];
	_ =	sdelay $0x3  }
0x92: {  	_ =	strace s18  }
0x93: {  	s3 =	sld [smem:$0x3FFC];
	_ =	sdelay $0x3  }
0x94: {  	_ =	strace s3  }
0x95: {  	s3 =	sld [smem:$0x3FFD];
	_ =	sdelay $0x3  }
0x96: {  	_ =	strace s3  }
0x97: {  	_ =	strace $0x8FFFFFFF  }
0x98: {  	s19 =	sld [smem:$0x3FDB];
	_ =	sdelay $0x1  }
0x99: {  	s4 =	simm.s32 $_scs_section_size  }
0x9a: {  	s5 =	simm.s32 $_size__tile_overlayer_lowered;
	s6 =	simm.s32 $_tile_overlayer_lowered  }
0x9b: {  	s22 =	simm.s32 $0x1BFF;
	s21 =	sshll.u32 s6, $0x1;
	s3 =	sadd.s32 s4, s19  }
0x9c: {  	s7 =	simm.s32 $0x0;
	s20 =	sshll.u32 s5, $0x1;
	s5 =	sadd.s32 s21, s3  }
0x9d: {  	[timem:s7], [sflag:s22] =	dma.local [hbm:s5], s20  }
0x9e: {  	_ =	swait.ge [sflag:s22], s20  }
0x9f: {  	s4 =	ssub.s32 $0x0, s20;
	[sflag:s22] =	ssyncset.done $0x0  }
0xa0: {  	[sflag:s22] =	ssyncadd.s32 s4;
	_ =	sdelay $0x1  }
0xa1: {  	s23 =	simm.s32 $0x1B8B  }
0xa2: {  	_ =	swait.ge [sflag:s23], $0x1  }
0xa3: {  	[sflag:s23] =	ssyncset.done $0x0  }
0xa4: {  	s25 =	simm.s32 $0x1B8E;
	s24 =	sld [smem:$0x3FFE];
	[sflag:s23] =	ssyncadd.s32 $0xFFFFFFFF  }
0xa5: {  	s26 =	simm.s32 $execute0_lowered;
	[smem:$0x3FD2] =	sst s25  }
0xa6: {  	s5 =	sshll.u32 s26, $0x1;
	_ =	strace $0x80000046;
	[dreg:$0x1] =	wrdreg $0xFFFFFFFF  }
0xa7: {  	s28 =	simm.s32 $_size_execute0_lowered;
	s3 =	sadd.s32 s3, s5;
	[dreg:$0x0] =	wrdreg $0x0  }
0xa8: {  	s5 =	sshll.u32 s28, $0x1;
	[dreg:$0x2] =	wrdreg s3  }
0xa9: {  	[dreg:$0x3] =	wrdreg s5  }
0xaa: {  	[dreg:$0x4] =	wrdreg $0xC0  }
0xab: {  	_ =	task [dreg:s7], $0x5FFFF  }
0xac: {  	[dreg:$0x1] =	wrdreg $0xFFFFFFFF  }
0xad: {  	[dreg:$0x0] =	wrdreg $0x60  }
0xae: {  	[dreg:$0x2] =	wrdreg s2  }
0xaf: {  	[dreg:$0x3] =	wrdreg s24  }
0xb0: {  	[dreg:$0x4] =	wrdreg $0x50000  }
0xb1: {  	[dreg:$0x5] =	wrdreg $0x9  }
0xb2: {  	_ =	task.clear_ibuf [dreg:s7], $0x6FFFF;
	_ =	strace $0x90000046  }
0xb3: {  	s29 =	simm.s32 $0x9;
	_ =	strace $0x80000048  }
0xb4: {  	_ =	swait.ge [sflag:s29], $0x1  }
0xb5: {  	[sflag:s29] =	ssyncadd.s32 $0xFFFFFFFF  }
0xb6: {  	_ =	strace $0x90000048  }
0xb7: {  	_ =	sfence  }
0xb8: {  	s30 =	sld [smem:$0x0];
	_ =	sdelay $0x2  }
0xb9: {  	s31 =	sshll.u32 s1, $0xD;
	s1 =	sshrl.u32 s1, $0x2  }
0xba: {  	s3 =	sand.u32 $0x4000, s31;
	s1 =	sadd.s32 s1, s30  }
0xbb: {  	s0 =	sor.u32 s3, s0;
	s1 =	sshll.u32 s1, $0x11  }
0xbc: {  	s0 =	sor.u32 s1, s0  }
0xbd: {  	s0 =	sadd.s32 $0x8F2B, s0  }
0xbe: {  	[sflag:s0] =	ssyncadd.remote.s32 $0x1  }
0xbf: {  	_ =	sfence.sel $0xFFFF  }
0xc0: {  	[dreg:$0x0] =	wrdreg $0xFFFFFFFF;
	(pc) =	sbr.abs _section_cstart, $3  }
0xc1: {  	[dreg:$0x1] =	wrdreg $0xFFFFFFFF  }
0xc2: {  	_ =	task.clear_ibuf [dreg:s7], $0x2FFFF;
	_ =	strace $0x9FFFFFFF  }
0xc3: {  	(tm) =	ssettm $0x7FFFFFFF  }
tec
execute0_lowered:
.L_overlay_start_1:
0x0: {  	(tag) =	ssettag $0x1  }
0x1: {  	s4 =	rddreg [dreg:$0x0];
	s1 =	srdreg.scid  }
0x2: {  	s0 =	stileid.u32;
	s5 =	rddreg [dreg:$0x1]  }
0x3: {  	s2 =	rddreg [dreg:$0x2];
	s3 =	simm.s32 $0x0;
	s14 =	simm.s32 $0x20  }
0x4: {  	s15 =	simm.s32 $0x10;
	s16 =	simm.s32 $0x0;
	s6 =	sand.u32 $0x1, s1  }
0x5: {  	s29 =	sshll.u32 s0, $0x1;
	s1 =	rddreg [dreg:$0x3];
	s8 =	smul.u32 $0x500, s0  }
0x6: {  	[smem:$0x7FF] =	sst s3;
	s9 =	smul.u32 $0x280, s0;
	s31 =	sshll.u32 s0, $0x6  }
0x7: {  	s7 =	sor.u32 s6, s29;
	_ =	strace $0x80000047;
	s10 =	sshll.u32 s6, $0x7  }
0x8: {  	s6 =	ssub.s32 $0x2, s6;
	s7 =	smul.u32 $0x500, s7;
	s8 =	sor.u32 s10, s8  }
0x9: {  	s30 =	sshrl.u32 s9, $0x3;
	s12 =	sshrl.u32 s6, $0x1;
	s13 =	sadd.s32 s9, s2  }
0xa: {  	s9 =	simm.s32 $0x1;
	s8 =	sshrl.u32 s8, $0x3;
	s10 =	sadd.s32 s30, s5  }
0xb: {  	s12 =	ssub.s32 s6, s12;
	s11 =	sadd.s32 s7, s5;
	s8 =	sadd.s32 s8, s5  }
0xc: {  	s4 =	sadd.s32 s4, s7;
	s6 =	sadd.s32 $0x20C00, s10;
	s10 =	simm.s32 $0x2800  }
0xd: {  	s5 =	sadd.s32 $0xCC00, s11;
	s7 =	sadd.s32 $0x21200, s8;
	s8 =	smax.u32 s12, $0x1  }
0xe: {  	s11 =	sor.u32 $0x1C01, s31;
	s12 =	sshrl.u32 s13, $0x3;
	s13 =	simm.s32 $0x80  }
.LBB2_1:
0xf: {  	[tilespmem:s3], [sflag:$0x1] =	stream.linear.gather [hbm4b:s4+s3], $0x2800, $0x38;
	[tilespmem:$0x5280] =	vst v63  }
0x10: {  	_ =	swait.ge [sflag:s9], $0x2800  }
0x11: {  	[sflag:s9] =	ssyncset.done $0x0  }
0x12: {  	[sflag:s9] =	ssyncadd.s32 $0xFFFFD800  }
0x13: {  	[tilespmem:s10], [sflag:$0x1] =	stream.linear.gather [hbm4b:s5+s3], $0x2800, $0x38;
	[tilespmem:$0x5280] =	vst v63  }
0x14: {  	_ =	swait.ge [sflag:s9], $0x2800  }
0x15: {  	[sflag:s9] =	ssyncset.done $0x0  }
0x16: {  	[sflag:s9] =	ssyncadd.s32 $0xFFFFD800  }
0x17: {  	[spmem:s12], [sflag:s11] =	dma.local [hbm:s6], $0x50  }
0x18: {  	_ =	swait.ge [sflag:s9], $0x50  }
0x19: {  	[sflag:s9] =	ssyncset.done $0x0  }
0x1a: {  	[sflag:s9] =	ssyncadd.s32 $0xFFFFFFB0  }
0x1b: {  	s17 =	simm.s32 $0x0;
	s18 =	simm.s32 $0x2800;
	[bflag:$0x0] =	sbarrier.arrive $0xFFFF  }
0x1c: {  	[spmem:s2] =	stream.indirect.scatter.add.f32 [tilespmem:s18], [sflag:$0x1], $0x1, s17, s13, $0xb8;
	[tilespmem:$0x5280] =	vst v63  }
0x1d: {  	s17 =	simm.s32 $0x200;
	_ =	swait.ge [sflag:s9], $0x80  }
.LBB2_2:
0x1e: {  	s18 =	sshra.s32 s17, $0x2;
	[sflag:s9] =	ssyncset.done $0x0;
	p0 =	sne.s32 s17, $0x9E00  }
.Ltmp0:
0x1f: {  	s19 =	sadd.s32 $0x2800, s18;
	[sflag:s9] =	ssyncadd.s32 $0xFFFFFF80;
	(pc) =	sbr.rel @p0 .LBB2_2-.Ltmp0, $3  }
0x20: {  	[spmem:s2] =	stream.indirect.scatter.add.f32 [tilespmem:s19], [sflag:$0x1], $0x1, s18, s13, $0xb8;
	[tilespmem:$0x5280] =	vst v63  }
0x21: {  	s17 =	sadd.s32 $0x200, s17;
	_ =	sdelay $0x1  }
0x22: {  	_ =	swait.ge [sflag:s9], $0x80  }
0x23: {  	[sflag:s9] =	ssyncset.done $0x0;
	s16 =	sadd.s32 $0x1, s16  }
0x24: {  	[sflag:s9] =	ssyncadd.s32 $0xFFFFFF80;
	p0 =	sne.s32 s16, s8  }
.Ltmp1:
0x25: {  	[bflag:$0x0] =	sbarrier.arrive $0xFFFF;
	(pc) =	sbr.rel @p0 .LBB2_1-.Ltmp1, $4  }
0x26: {  	[hbm:s7@s14], [sflag:s11] =	dma.strided [spmem:s12@s15], $0x50, s9, $0x10   }
0x27: {  	_ =	swait.ge [sflag:s9], $0x50  }
0x28: {  	[sflag:s9] =	ssyncset.done $0x0  }
0x29: {  	[sflag:s9] =	ssyncadd.s32 $0xFFFFFFB0  }
0x2a: {  	_ =	sfence.sel $0x180000  }
0x2b: {  	[bflag:$0x0] =	sbarrier.arrive $0xFFFF  }
0x2c: {  	p0 =	sne.s32 s0, $0x0;
	_ =	strace $0x90000047  }
0x2d: {  	s0 =	sadd.s32 @!p0 $0x100000, s1;
	[bflag:$0x2] =	sbarrier.arrive $0xFFFF  }
0x2e: {  	[sflag:s0] =	ssyncadd.tile.s32 @!p0 $0x1;
	_ =	shalt  }
.Lfunc_end2:
_tile_overlayer_lowered:
.L_overlay_start_2:
0x2f: {  	(tag) =	ssettag $0x2  }
0x30: {  	s0 =	rddreg [dreg:$0x0];
	s2 =	stileid.u32  }
0x31: {  	s1 =	rddreg [dreg:$0x1];
	p0 =	sne.s32 s2, $0x0  }
0x32: {  	s3 =	rddreg [dreg:$0x2];
	[bflag:$0x3] =	sbarrier.arrive $0xFFFF;
	s2 =	simm.s32 @!p0 $0x1C01  }
0x33: {  	[timem:s3], [sflag:s2] =	dma.local @!p0 [hbm:s0], s1  }
0x34: {  	s0 =	simm.s32 @!p0 $0x1  }
0x35: {  	_ =	swait.ge @!p0 [sflag:s0], s1  }
0x36: {  	s1 =	ssub.s32 @!p0 $0x0, s1;
	[sflag:s0] =	ssyncset.done @!p0 $0x0  }
0x37: {  	[sflag:s0] =	ssyncadd.s32 @!p0 s1  }
0x38: {  	[bflag:$0x3] =	sbarrier.arrive $0xFFFF  }
0x39: {  	_ =	shalt  }

</sc_bundles>
